<compile_context>
chip_gen: v7x
topology: tpu7x:2x2x1
jax: 0.10.2.dev20260603
libtpu: 0.0.44.dev20260713+nightly
codegen_flags: <defaults>
</compile_context>

<pallas_src>
import functools

import jax
import jax.numpy as jnp
from jax import lax
from jax.experimental import pallas as pl
from jax.experimental.pallas import tpu as pltpu
from jax.experimental.pallas import tpu_sc as plsc

N = 10000
E = 320000
D = 128
NCLS = 40
NC, NS = 2, 16
R = 10240
EPT = E // (NC * NS)
K = 128
CH = 80
HCH = CH // 2
STRIPE = R // NS
BM = 1000

_mesh = plsc.VectorSubcoreMesh(
    core_axis_name="c", subcore_axis_name="s", num_cores=NC, num_subcores=NS)


@functools.partial(
    pl.kernel,
    out_type=jax.ShapeDtypeStruct((NC, R, D), jnp.float32),
    mesh=_mesh,
    scratch_types=[
        pltpu.VMEM_SHARED((R, D), jnp.float32),
        pltpu.VMEM((CH, K), jnp.int32),
        pltpu.VMEM((K, D), jnp.float32),
        pltpu.VMEM((K, D), jnp.float32),
    ],
)
def _deg_kernel(dstp_hbm, ones_hbm, zeros_hbm, degp_hbm, acc, dst_idx, ones_v, zeros_v):
    cid = lax.axis_index("c")
    sid = lax.axis_index("s")
    base = sid * STRIPE
    pltpu.sync_copy(zeros_hbm, zeros_v)
    for kk in range(STRIPE // K):
        pltpu.sync_copy(zeros_v, acc.at[pl.ds(base + kk * K, K)])
    plsc.subcore_barrier()
    pltpu.sync_copy(ones_hbm, ones_v)
    pltpu.sync_copy(dstp_hbm.at[cid, sid], dst_idx)

    def body(j, carry):
        pltpu.sync_copy(ones_v, acc.at[dst_idx.at[j]], add=True)
        return carry

    lax.fori_loop(0, CH, body, 0)
    plsc.subcore_barrier()
    for kk in range(STRIPE // K):
        pltpu.sync_copy(acc.at[pl.ds(base + kk * K, K)],
                        degp_hbm.at[cid, pl.ds(base + kk * K, K)])


@functools.partial(
    pl.kernel,
    out_type=jax.ShapeDtypeStruct((NC, R, D), jnp.float32),
    mesh=_mesh,
    scratch_types=[
        pltpu.VMEM_SHARED((R, D), jnp.float32),
        pltpu.VMEM((HCH, K), jnp.int32),
        pltpu.VMEM((HCH, K), jnp.int32),
        pltpu.VMEM((K, D), jnp.float32),
        pltpu.VMEM((K, D), jnp.float32),
        pltpu.SemaphoreType.DMA,
        pltpu.SemaphoreType.DMA,
    ],
)
def _agg_kernel(ht_hbm, srcp_hbm, dstp_hbm, zrows_hbm, aggp_hbm,
                acc, src_idx, dst_idx, rows0, rows1, sem0, sem1):
    cid = lax.axis_index("c")
    sid = lax.axis_index("s")
    base = sid * STRIPE
    pltpu.sync_copy(zrows_hbm, rows0)
    for kk in range(STRIPE // K):
        pltpu.sync_copy(rows0, acc.at[pl.ds(base + kk * K, K)])
    plsc.subcore_barrier()

    for p in range(2):
        pltpu.sync_copy(srcp_hbm.at[cid, sid, pl.ds(p * HCH, HCH)], src_idx)
        pltpu.sync_copy(dstp_hbm.at[cid, sid, pl.ds(p * HCH, HCH)], dst_idx)
        pltpu.async_copy(ht_hbm.at[src_idx.at[0]], rows0, sem0)

        def body(j2, carry):
            j = 2 * j2
            pltpu.async_copy(ht_hbm.at[src_idx.at[j + 1]], rows1, sem1)
            pltpu.make_async_copy(ht_hbm.at[src_idx.at[j]], rows0, sem0).wait()
            pltpu.sync_copy(rows0, acc.at[dst_idx.at[j]], add=True)

            @pl.when(j2 < HCH // 2 - 1)
            def _():
                pltpu.async_copy(ht_hbm.at[src_idx.at[j + 2]], rows0, sem0)

            pltpu.make_async_copy(ht_hbm.at[src_idx.at[j + 1]], rows1, sem1).wait()
            pltpu.sync_copy(rows1, acc.at[dst_idx.at[j + 1]], add=True)
            return carry

        lax.fori_loop(0, HCH // 2, body, 0)

    plsc.subcore_barrier()
    for kk in range(STRIPE // K):
        pltpu.sync_copy(acc.at[pl.ds(base + kk * K, K)],
                        aggp_hbm.at[cid, pl.ds(base + kk * K, K)])


def _dinv_of(degp_blk):
    d = degp_blk[0, :, 0:1] + degp_blk[1, :, 0:1] + 1.0
    return lax.rsqrt(d)


def _tc1_body(degp, x, W1, ht_out):
    dinv = _dinv_of(degp[...])
    ht_out[...] = jnp.dot(x[...], W1[...],
                          preferred_element_type=jnp.float32) * dinv


def _tc2_body(degp, aggp, ht1, W2, b1, ht2_out):
    dinv = _dinv_of(degp[...])
    a = aggp[...]
    comb = dinv * (a[0] + a[1] + ht1[...]) + b1[...]
    h = jnp.maximum(comb, 0.0)
    ht2_out[...] = jnp.dot(h, W2[...],
                           preferred_element_type=jnp.float32) * dinv


def _tc3_body(degp, aggp, ht2, W3, b2, b3, out):
    dinv = _dinv_of(degp[...])
    a = aggp[...]
    h = jnp.maximum(dinv * (a[0] + a[1] + ht2[...]) + b2[...], 0.0)
    logits = jnp.dot(h, W3[...], preferred_element_type=jnp.float32) + b3[...]
    m = jnp.max(logits, axis=-1, keepdims=True)
    lse = m + jnp.log(jnp.sum(jnp.exp(logits - m), axis=-1, keepdims=True))
    out[...] = logits - lse


_deg_spec = pl.BlockSpec((NC, BM, D), lambda i: (0, i, 0))
_agg_spec = pl.BlockSpec((NC, BM, D), lambda i: (0, i, 0))
_row_spec = pl.BlockSpec((BM, D), lambda i: (i, 0))
_mat_spec = pl.BlockSpec((D, D), lambda i: (0, 0))
_vec_spec = pl.BlockSpec((1, D), lambda i: (0, 0))

_tc1 = pl.pallas_call(
    _tc1_body,
    grid=(N // BM,),
    in_specs=[_deg_spec, _row_spec, _mat_spec],
    out_specs=_row_spec,
    out_shape=jax.ShapeDtypeStruct((N, D), jnp.float32),
)

_tc2 = pl.pallas_call(
    _tc2_body,
    grid=(N // BM,),
    in_specs=[_deg_spec, _agg_spec, _row_spec, _mat_spec, _vec_spec],
    out_specs=_row_spec,
    out_shape=jax.ShapeDtypeStruct((N, D), jnp.float32),
)

_tc3 = pl.pallas_call(
    _tc3_body,
    grid=(N // BM,),
    in_specs=[_deg_spec, _agg_spec, _row_spec, _mat_spec, _vec_spec, _vec_spec],
    out_specs=_row_spec,
    out_shape=jax.ShapeDtypeStruct((N, D), jnp.float32),
)


def kernel(x, edge_index, W1, b1, W2, b2, W_lin, b_lin):
    src = edge_index[0]
    dst = edge_index[1]
    pad = CH * K - EPT
    srcp = jnp.pad(src.reshape(NC, NS, EPT), ((0, 0), (0, 0), (0, pad)),
                   constant_values=0).reshape(NC, NS, CH, K)
    dstp = jnp.pad(dst.reshape(NC, NS, EPT), ((0, 0), (0, 0), (0, pad)),
                   constant_values=N).reshape(NC, NS, CH, K)
    onesKD = jnp.ones((K, D), jnp.float32)
    zrows = jnp.zeros((K, D), jnp.float32)
    W3 = jnp.pad(W_lin, ((0, 0), (0, D - NCLS)))
    b3 = jnp.pad(b_lin, (0, D - NCLS), constant_values=-1e30).reshape(1, D)
    b1r = b1.reshape(1, D)
    b2r = b2.reshape(1, D)

    degp = _deg_kernel(dstp, onesKD, zrows)
    ht1 = _tc1(degp, x, W1)
    a1 = _agg_kernel(ht1, srcp, dstp, zrows)
    ht2 = _tc2(degp, a1, ht1, W2, b1r)
    a2 = _agg_kernel(ht2, srcp, dstp, zrows)
    logp = _tc3(degp, a2, ht2, W3, b2r, b3)
    return logp[:, :NCLS]

# --- scband reference (transcript-rebuilt; emitter-appended) ---
"""Pipeline reference for scband-gcn-19189913878840 (READ-ONLY COPY).

The authoritative reference and input builder live on the scoring server;
editing this copy changes nothing except your own understanding.
"""

import jax, jax.numpy as jnp
import numpy as np

N_NODES = 10000
N_EDGES = 320000
D_FEAT = 128
HIDDEN = 128
N_CLASSES = 40


def setup_inputs(seed: int = 0) -> dict:
    key = jax.random.key(seed)
    ks = jax.random.split(key, 8)
    x = jax.random.normal(ks[0], (N_NODES, D_FEAT), dtype=jnp.float32)
    edge_index = jax.random.randint(ks[1], (2, N_EDGES), 0, N_NODES).astype(jnp.int32)
    s1 = (1.0 / np.sqrt(D_FEAT)).astype(np.float32) if isinstance(np.sqrt(D_FEAT), np.ndarray) else np.float32(1.0 / np.sqrt(D_FEAT))
    W1 = jax.random.normal(ks[2], (D_FEAT, HIDDEN), dtype=jnp.float32) * s1
    b1 = jnp.zeros((HIDDEN,), dtype=jnp.float32)
    s2 = np.float32(1.0 / np.sqrt(HIDDEN))
    W2 = jax.random.normal(ks[3], (HIDDEN, HIDDEN), dtype=jnp.float32) * s2
    b2 = jnp.zeros((HIDDEN,), dtype=jnp.float32)
    W_lin = jax.random.normal(ks[4], (HIDDEN, N_CLASSES), dtype=jnp.float32) * s2
    b_lin = jnp.zeros((N_CLASSES,), dtype=jnp.float32)
    return {"x": x, "edge_index": edge_index, "W1": W1, "b1": b1, "W2": W2, "b2": b2, "W_lin": W_lin, "b_lin": b_lin}


def _gcn_conv(x, src, dst, norm, W, b):
    # GCNConv: x' = D^{-1/2} (A + I) D^{-1/2} (x W) + b
    h = x @ W
    msg = h[src] * norm[:, None]
    out = jnp.zeros_like(h).at[dst].add(msg)
    return out + b


def reference(x, edge_index, W1, b1, W2, b2, W_lin, b_lin):
    N = x.shape[0]
    loop = jnp.arange(N, dtype=edge_index.dtype)
    src = jnp.concatenate([edge_index[0], loop])
    dst = jnp.concatenate([edge_index[1], loop])
    deg = jnp.zeros((N,), dtype=x.dtype).at[dst].add(1.0)
    dinv = jnp.where(deg > 0, deg ** -0.5, 0.0)
    norm = dinv[src] * dinv[dst]
    # layer 1 (dropout is identity in eval mode)
    h = _gcn_conv(x, src, dst, norm, W1, b1)
    h = jax.nn.relu(h)
    # layer 2
    h = _gcn_conv(h, src, dst, norm, W2, b2)
    h = jax.nn.relu(h)
    # final linear + log_softmax
    out = h @ W_lin + b_lin
    return jax.nn.log_softmax(out, axis=1)

if __name__ == "__main__":
    import jax
    _d = setup_inputs()
    print(jax.jit(kernel)(*tuple(_d.values())))

</pallas_src>

<mosaic_0001>
#map = affine_map<(d0, d1) -> (0, 0)>
#map1 = affine_map<(d0, d1) -> (0, 0, 0, 0)>
#map2 = affine_map<(d0, d1) -> (0, 0, 0)>
module attributes {stable_mosaic.version = 14 : i64} {
  func.func @_agg_kernel(%arg0: i32, %arg1: i32, %arg2: memref<10000x128xf32, #tpu.memory_space<hbm>>, %arg3: memref<2x16x80x128xi32, #tpu.memory_space<hbm>>, %arg4: memref<2x16x80x128xi32, #tpu.memory_space<hbm>>, %arg5: memref<128x128xf32, #tpu.memory_space<hbm>>, %arg6: memref<2x10240x128xf32, #tpu.memory_space<hbm>>, %arg7: memref<10240x128xf32, #tpu.memory_space<vmem_shared>>, %arg8: memref<40x128xi32, #tpu.memory_space<vmem>>, %arg9: memref<40x128xi32, #tpu.memory_space<vmem>>, %arg10: memref<128x128xf32, #tpu.memory_space<vmem>>, %arg11: memref<128x128xf32, #tpu.memory_space<vmem>>, %arg12: memref<!tpu.dma_semaphore, #tpu.memory_space<semaphore_mem>>, %arg13: memref<!tpu.dma_semaphore, #tpu.memory_space<semaphore_mem>>) attributes {dimension_semantics = [#tpu.dimension_semantics<core_parallel>, #tpu.dimension_semantics<subcore_parallel>], iteration_bounds = array<i64: 2, 16>, scalar_prefetch = 0 : i64, scratch_operands = 7 : i64, tpu.core_type = #tpu.core_type<sc_vector_subcore>, window_params = [{transform_indices = #map}, {transform_indices = #map1}, {transform_indices = #map1}, {transform_indices = #map}, {transform_indices = #map2}]} {
    %mul3A = arith.constant 640 : i32
    %mul3A_0 = arith.muli %arg1, %mul3A : i32
    "tpu.region"() ({
      %run_scoped3A = tpu.sem_alloc : memref<!tpu.dma_semaphore, #tpu.memory_space<semaphore_mem>>
      tpu.enqueue_dma source(%arg5 : memref<128x128xf32, #tpu.memory_space<hbm>>) target(%arg10 : memref<128x128xf32, #tpu.memory_space<vmem>>) target_semaphore(%run_scoped3A : memref<!tpu.dma_semaphore, #tpu.memory_space<semaphore_mem>>)
      tpu.wait_dma2 semaphore(%run_scoped3A : memref<!tpu.dma_semaphore, #tpu.memory_space<semaphore_mem>>) src(%arg5 : memref<128x128xf32, #tpu.memory_space<hbm>>) dst(%arg10 : memref<128x128xf32, #tpu.memory_space<vmem>>)
      tpu.yield
    }) : () -> ()
    %add3A = arith.constant 0 : i32
    %add3A_1 = arith.addi %mul3A_0, %add3A : i32
    "tpu.region"() ({
      %run_scoped3A = tpu.sem_alloc : memref<!tpu.dma_semaphore, #tpu.memory_space<semaphore_mem>>
      %dma_start3A_55 = arith.constant 0 : i32
      %dma_start3A_56 = tpu.memref_slice %arg7[%add3A_1, %dma_start3A_55] : memref<10240x128xf32, #tpu.memory_space<vmem_shared>> -> memref<128x128xf32, #tpu.memory_space<vmem_shared>>
      %dma_start3A_57 = arith.constant 0 : i32
      %dma_start3A_58 = tpu.memref_slice %arg7[%add3A_1, %dma_start3A_57] : memref<10240x128xf32, #tpu.memory_space<vmem_shared>> -> memref<128x128xf32, #tpu.memory_space<vmem_shared>>
      tpu.enqueue_dma source(%arg10 : memref<128x128xf32, #tpu.memory_space<vmem>>) target(%dma_start3A_58 : memref<128x128xf32, #tpu.memory_space<vmem_shared>>) target_semaphore(%run_scoped3A : memref<!tpu.dma_semaphore, #tpu.memory_space<semaphore_mem>>)
      %dma_wait3A = arith.constant 0 : i32
      %dma_wait3A_59 = tpu.memref_slice %arg7[%add3A_1, %dma_wait3A] : memref<10240x128xf32, #tpu.memory_space<vmem_shared>> -> memref<128x128xf32, #tpu.memory_space<vmem_shared>>
      %dma_wait3A_60 = arith.constant 0 : i32
      %dma_wait3A_61 = tpu.memref_slice %arg7[%add3A_1, %dma_wait3A_60] : memref<10240x128xf32, #tpu.memory_space<vmem_shared>> -> memref<128x128xf32, #tpu.memory_space<vmem_shared>>
      tpu.wait_dma2 semaphore(%run_scoped3A : memref<!tpu.dma_semaphore, #tpu.memory_space<semaphore_mem>>) src(%arg10 : memref<128x128xf32, #tpu.memory_space<vmem>>) dst(%dma_wait3A_61 : memref<128x128xf32, #tpu.memory_space<vmem_shared>>)
      tpu.yield
    }) : () -> ()
    %add3A_2 = arith.constant 128 : i32
    %add3A_3 = arith.addi %mul3A_0, %add3A_2 : i32
    "tpu.region"() ({
      %run_scoped3A = tpu.sem_alloc : memref<!tpu.dma_semaphore, #tpu.memory_space<semaphore_mem>>
      %dma_start3A_55 = arith.constant 0 : i32
      %dma_start3A_56 = tpu.memref_slice %arg7[%add3A_3, %dma_start3A_55] : memref<10240x128xf32, #tpu.memory_space<vmem_shared>> -> memref<128x128xf32, #tpu.memory_space<vmem_shared>>
      %dma_start3A_57 = arith.constant 0 : i32
      %dma_start3A_58 = tpu.memref_slice %arg7[%add3A_3, %dma_start3A_57] : memref<10240x128xf32, #tpu.memory_space<vmem_shared>> -> memref<128x128xf32, #tpu.memory_space<vmem_shared>>
      tpu.enqueue_dma source(%arg10 : memref<128x128xf32, #tpu.memory_space<vmem>>) target(%dma_start3A_58 : memref<128x128xf32, #tpu.memory_space<vmem_shared>>) target_semaphore(%run_scoped3A : memref<!tpu.dma_semaphore, #tpu.memory_space<semaphore_mem>>)
      %dma_wait3A = arith.constant 0 : i32
      %dma_wait3A_59 = tpu.memref_slice %arg7[%add3A_3, %dma_wait3A] : memref<10240x128xf32, #tpu.memory_space<vmem_shared>> -> memref<128x128xf32, #tpu.memory_space<vmem_shared>>
      %dma_wait3A_60 = arith.constant 0 : i32
      %dma_wait3A_61 = tpu.memref_slice %arg7[%add3A_3, %dma_wait3A_60] : memref<10240x128xf32, #tpu.memory_space<vmem_shared>> -> memref<128x128xf32, #tpu.memory_space<vmem_shared>>
      tpu.wait_dma2 semaphore(%run_scoped3A : memref<!tpu.dma_semaphore, #tpu.memory_space<semaphore_mem>>) src(%arg10 : memref<128x128xf32, #tpu.memory_space<vmem>>) dst(%dma_wait3A_61 : memref<128x128xf32, #tpu.memory_space<vmem_shared>>)
      tpu.yield
    }) : () -> ()
    %add3A_4 = arith.constant 256 : i32
    %add3A_5 = arith.addi %mul3A_0, %add3A_4 : i32
    "tpu.region"() ({
      %run_scoped3A = tpu.sem_alloc : memref<!tpu.dma_semaphore, #tpu.memory_space<semaphore_mem>>
      %dma_start3A_55 = arith.constant 0 : i32
      %dma_start3A_56 = tpu.memref_slice %arg7[%add3A_5, %dma_start3A_55] : memref<10240x128xf32, #tpu.memory_space<vmem_shared>> -> memref<128x128xf32, #tpu.memory_space<vmem_shared>>
      %dma_start3A_57 = arith.constant 0 : i32
      %dma_start3A_58 = tpu.memref_slice %arg7[%add3A_5, %dma_start3A_57] : memref<10240x128xf32, #tpu.memory_space<vmem_shared>> -> memref<128x128xf32, #tpu.memory_space<vmem_shared>>
      tpu.enqueue_dma source(%arg10 : memref<128x128xf32, #tpu.memory_space<vmem>>) target(%dma_start3A_58 : memref<128x128xf32, #tpu.memory_space<vmem_shared>>) target_semaphore(%run_scoped3A : memref<!tpu.dma_semaphore, #tpu.memory_space<semaphore_mem>>)
      %dma_wait3A = arith.constant 0 : i32
      %dma_wait3A_59 = tpu.memref_slice %arg7[%add3A_5, %dma_wait3A] : memref<10240x128xf32, #tpu.memory_space<vmem_shared>> -> memref<128x128xf32, #tpu.memory_space<vmem_shared>>
      %dma_wait3A_60 = arith.constant 0 : i32
      %dma_wait3A_61 = tpu.memref_slice %arg7[%add3A_5, %dma_wait3A_60] : memref<10240x128xf32, #tpu.memory_space<vmem_shared>> -> memref<128x128xf32, #tpu.memory_space<vmem_shared>>
      tpu.wait_dma2 semaphore(%run_scoped3A : memref<!tpu.dma_semaphore, #tpu.memory_space<semaphore_mem>>) src(%arg10 : memref<128x128xf32, #tpu.memory_space<vmem>>) dst(%dma_wait3A_61 : memref<128x128xf32, #tpu.memory_space<vmem_shared>>)
      tpu.yield
    }) : () -> ()
    %add3A_6 = arith.constant 384 : i32
    %add3A_7 = arith.addi %mul3A_0, %add3A_6 : i32
    "tpu.region"() ({
      %run_scoped3A = tpu.sem_alloc : memref<!tpu.dma_semaphore, #tpu.memory_space<semaphore_mem>>
      %dma_start3A_55 = arith.constant 0 : i32
      %dma_start3A_56 = tpu.memref_slice %arg7[%add3A_7, %dma_start3A_55] : memref<10240x128xf32, #tpu.memory_space<vmem_shared>> -> memref<128x128xf32, #tpu.memory_space<vmem_shared>>
      %dma_start3A_57 = arith.constant 0 : i32
      %dma_start3A_58 = tpu.memref_slice %arg7[%add3A_7, %dma_start3A_57] : memref<10240x128xf32, #tpu.memory_space<vmem_shared>> -> memref<128x128xf32, #tpu.memory_space<vmem_shared>>
      tpu.enqueue_dma source(%arg10 : memref<128x128xf32, #tpu.memory_space<vmem>>) target(%dma_start3A_58 : memref<128x128xf32, #tpu.memory_space<vmem_shared>>) target_semaphore(%run_scoped3A : memref<!tpu.dma_semaphore, #tpu.memory_space<semaphore_mem>>)
      %dma_wait3A = arith.constant 0 : i32
      %dma_wait3A_59 = tpu.memref_slice %arg7[%add3A_7, %dma_wait3A] : memref<10240x128xf32, #tpu.memory_space<vmem_shared>> -> memref<128x128xf32, #tpu.memory_space<vmem_shared>>
      %dma_wait3A_60 = arith.constant 0 : i32
      %dma_wait3A_61 = tpu.memref_slice %arg7[%add3A_7, %dma_wait3A_60] : memref<10240x128xf32, #tpu.memory_space<vmem_shared>> -> memref<128x128xf32, #tpu.memory_space<vmem_shared>>
      tpu.wait_dma2 semaphore(%run_scoped3A : memref<!tpu.dma_semaphore, #tpu.memory_space<semaphore_mem>>) src(%arg10 : memref<128x128xf32, #tpu.memory_space<vmem>>) dst(%dma_wait3A_61 : memref<128x128xf32, #tpu.memory_space<vmem_shared>>)
      tpu.yield
    }) : () -> ()
    %add3A_8 = arith.constant 512 : i32
    %add3A_9 = arith.addi %mul3A_0, %add3A_8 : i32
    "tpu.region"() ({
      %run_scoped3A = tpu.sem_alloc : memref<!tpu.dma_semaphore, #tpu.memory_space<semaphore_mem>>
      %dma_start3A_55 = arith.constant 0 : i32
      %dma_start3A_56 = tpu.memref_slice %arg7[%add3A_9, %dma_start3A_55] : memref<10240x128xf32, #tpu.memory_space<vmem_shared>> -> memref<128x128xf32, #tpu.memory_space<vmem_shared>>
      %dma_start3A_57 = arith.constant 0 : i32
      %dma_start3A_58 = tpu.memref_slice %arg7[%add3A_9, %dma_start3A_57] : memref<10240x128xf32, #tpu.memory_space<vmem_shared>> -> memref<128x128xf32, #tpu.memory_space<vmem_shared>>
      tpu.enqueue_dma source(%arg10 : memref<128x128xf32, #tpu.memory_space<vmem>>) target(%dma_start3A_58 : memref<128x128xf32, #tpu.memory_space<vmem_shared>>) target_semaphore(%run_scoped3A : memref<!tpu.dma_semaphore, #tpu.memory_space<semaphore_mem>>)
      %dma_wait3A = arith.constant 0 : i32
      %dma_wait3A_59 = tpu.memref_slice %arg7[%add3A_9, %dma_wait3A] : memref<10240x128xf32, #tpu.memory_space<vmem_shared>> -> memref<128x128xf32, #tpu.memory_space<vmem_shared>>
      %dma_wait3A_60 = arith.constant 0 : i32
      %dma_wait3A_61 = tpu.memref_slice %arg7[%add3A_9, %dma_wait3A_60] : memref<10240x128xf32, #tpu.memory_space<vmem_shared>> -> memref<128x128xf32, #tpu.memory_space<vmem_shared>>
      tpu.wait_dma2 semaphore(%run_scoped3A : memref<!tpu.dma_semaphore, #tpu.memory_space<semaphore_mem>>) src(%arg10 : memref<128x128xf32, #tpu.memory_space<vmem>>) dst(%dma_wait3A_61 : memref<128x128xf32, #tpu.memory_space<vmem_shared>>)
      tpu.yield
    }) : () -> ()
    %barrier3A = arith.constant 0 : index
    tpu.barrier barrier_id(%barrier3A)
    "tpu.region"() ({
      %run_scoped3A = tpu.sem_alloc : memref<!tpu.dma_semaphore, #tpu.memory_space<semaphore_mem>>
      %dma_start3A_55 = arith.constant 0 : i32
      %dma_start3A_56 = arith.constant 0 : i32
      %dma_start3A_57 = tpu.memref_slice %arg3[%arg0, %arg1, %dma_start3A_55, %dma_start3A_56] : memref<2x16x80x128xi32, #tpu.memory_space<hbm>> -> memref<1x1x40x128xi32, #tpu.memory_space<hbm>>
      %dma_start3A_58 = tpu.memref_squeeze %dma_start3A_57 : memref<1x1x40x128xi32, #tpu.memory_space<hbm>> -> memref<40x128xi32, #tpu.memory_space<hbm>>
      %dma_start3A_59 = arith.constant 0 : i32
      %dma_start3A_60 = arith.constant 0 : i32
      %dma_start3A_61 = tpu.memref_slice %arg3[%arg0, %arg1, %dma_start3A_59, %dma_start3A_60] : memref<2x16x80x128xi32, #tpu.memory_space<hbm>> -> memref<1x1x40x128xi32, #tpu.memory_space<hbm>>
      %dma_start3A_62 = tpu.memref_squeeze %dma_start3A_61 : memref<1x1x40x128xi32, #tpu.memory_space<hbm>> -> memref<40x128xi32, #tpu.memory_space<hbm>>
      tpu.enqueue_dma source(%dma_start3A_62 : memref<40x128xi32, #tpu.memory_space<hbm>>) target(%arg8 : memref<40x128xi32, #tpu.memory_space<vmem>>) target_semaphore(%run_scoped3A : memref<!tpu.dma_semaphore, #tpu.memory_space<semaphore_mem>>)
      %dma_wait3A = arith.constant 0 : i32
      %dma_wait3A_63 = arith.constant 0 : i32
      %dma_wait3A_64 = tpu.memref_slice %arg3[%arg0, %arg1, %dma_wait3A, %dma_wait3A_63] : memref<2x16x80x128xi32, #tpu.memory_space<hbm>> -> memref<1x1x40x128xi32, #tpu.memory_space<hbm>>
      %dma_wait3A_65 = tpu.memref_squeeze %dma_wait3A_64 : memref<1x1x40x128xi32, #tpu.memory_space<hbm>> -> memref<40x128xi32, #tpu.memory_space<hbm>>
      %dma_wait3A_66 = arith.constant 0 : i32
      %dma_wait3A_67 = arith.constant 0 : i32
      %dma_wait3A_68 = tpu.memref_slice %arg3[%arg0, %arg1, %dma_wait3A_66, %dma_wait3A_67] : memref<2x16x80x128xi32, #tpu.memory_space<hbm>> -> memref<1x1x40x128xi32, #tpu.memory_space<hbm>>
      %dma_wait3A_69 = tpu.memref_squeeze %dma_wait3A_68 : memref<1x1x40x128xi32, #tpu.memory_space<hbm>> -> memref<40x128xi32, #tpu.memory_space<hbm>>
      tpu.wait_dma2 semaphore(%run_scoped3A : memref<!tpu.dma_semaphore, #tpu.memory_space<semaphore_mem>>) src(%dma_wait3A_69 : memref<40x128xi32, #tpu.memory_space<hbm>>) dst(%arg8 : memref<40x128xi32, #tpu.memory_space<vmem>>)
      tpu.yield
    }) : () -> ()
    "tpu.region"() ({
      %run_scoped3A = tpu.sem_alloc : memref<!tpu.dma_semaphore, #tpu.memory_space<semaphore_mem>>
      %dma_start3A_55 = arith.constant 0 : i32
      %dma_start3A_56 = arith.constant 0 : i32
      %dma_start3A_57 = tpu.memref_slice %arg4[%arg0, %arg1, %dma_start3A_55, %dma_start3A_56] : memref<2x16x80x128xi32, #tpu.memory_space<hbm>> -> memref<1x1x40x128xi32, #tpu.memory_space<hbm>>
      %dma_start3A_58 = tpu.memref_squeeze %dma_start3A_57 : memref<1x1x40x128xi32, #tpu.memory_space<hbm>> -> memref<40x128xi32, #tpu.memory_space<hbm>>
      %dma_start3A_59 = arith.constant 0 : i32
      %dma_start3A_60 = arith.constant 0 : i32
      %dma_start3A_61 = tpu.memref_slice %arg4[%arg0, %arg1, %dma_start3A_59, %dma_start3A_60] : memref<2x16x80x128xi32, #tpu.memory_space<hbm>> -> memref<1x1x40x128xi32, #tpu.memory_space<hbm>>
      %dma_start3A_62 = tpu.memref_squeeze %dma_start3A_61 : memref<1x1x40x128xi32, #tpu.memory_space<hbm>> -> memref<40x128xi32, #tpu.memory_space<hbm>>
      tpu.enqueue_dma source(%dma_start3A_62 : memref<40x128xi32, #tpu.memory_space<hbm>>) target(%arg9 : memref<40x128xi32, #tpu.memory_space<vmem>>) target_semaphore(%run_scoped3A : memref<!tpu.dma_semaphore, #tpu.memory_space<semaphore_mem>>)
      %dma_wait3A = arith.constant 0 : i32
      %dma_wait3A_63 = arith.constant 0 : i32
      %dma_wait3A_64 = tpu.memref_slice %arg4[%arg0, %arg1, %dma_wait3A, %dma_wait3A_63] : memref<2x16x80x128xi32, #tpu.memory_space<hbm>> -> memref<1x1x40x128xi32, #tpu.memory_space<hbm>>
      %dma_wait3A_65 = tpu.memref_squeeze %dma_wait3A_64 : memref<1x1x40x128xi32, #tpu.memory_space<hbm>> -> memref<40x128xi32, #tpu.memory_space<hbm>>
      %dma_wait3A_66 = arith.constant 0 : i32
      %dma_wait3A_67 = arith.constant 0 : i32
      %dma_wait3A_68 = tpu.memref_slice %arg4[%arg0, %arg1, %dma_wait3A_66, %dma_wait3A_67] : memref<2x16x80x128xi32, #tpu.memory_space<hbm>> -> memref<1x1x40x128xi32, #tpu.memory_space<hbm>>
      %dma_wait3A_69 = tpu.memref_squeeze %dma_wait3A_68 : memref<1x1x40x128xi32, #tpu.memory_space<hbm>> -> memref<40x128xi32, #tpu.memory_space<hbm>>
      tpu.wait_dma2 semaphore(%run_scoped3A : memref<!tpu.dma_semaphore, #tpu.memory_space<semaphore_mem>>) src(%dma_wait3A_69 : memref<40x128xi32, #tpu.memory_space<hbm>>) dst(%arg9 : memref<40x128xi32, #tpu.memory_space<vmem>>)
      tpu.yield
    }) : () -> ()
    %dma_start3A = arith.constant 0 : i32
    %dma_start3A_10 = arith.constant 0 : i32
    %dma_start3A_11 = tpu.memref_slice %arg8[%dma_start3A, %dma_start3A_10] : memref<40x128xi32, #tpu.memory_space<vmem>> -> memref<1x128xi32, #tpu.memory_space<vmem>>
    %dma_start3A_12 = tpu.memref_squeeze %dma_start3A_11 : memref<1x128xi32, #tpu.memory_space<vmem>> -> memref<128xi32, #tpu.memory_space<vmem>>
    %dma_start3A_13 = arith.constant 0 : i32
    %dma_start3A_14 = arith.constant 0 : i32
    %dma_start3A_15 = tpu.memref_slice %arg2[%dma_start3A_13, %dma_start3A_14] : memref<10000x128xf32, #tpu.memory_space<hbm>> -> memref<10000x128xf32, #tpu.memory_space<hbm>>
    tpu.enqueue_indirect_dma source(%dma_start3A_15 : memref<10000x128xf32, #tpu.memory_space<hbm>>) target(%arg10 : memref<128x128xf32, #tpu.memory_space<vmem>>) offsets(%dma_start3A_12 : memref<128xi32, #tpu.memory_space<vmem>>) semaphore(%arg12 : memref<!tpu.dma_semaphore, #tpu.memory_space<semaphore_mem>>)
    %scan3A = arith.constant 0 : i32
    %scan3A_16 = arith.constant 0 : i32
    %scan3A_17 = arith.constant 20 : i32
    %scan3A_18 = arith.addi %scan3A_16, %scan3A_17 : i32
    %scan3A_19 = arith.constant 1 : i32
    scf.for %scan3A_55 = %scan3A_16 to %scan3A_18 step %scan3A_19  : i32 {
      %mul3A_56 = arith.constant 2 : i32
      %mul3A_57 = arith.muli %mul3A_56, %scan3A_55 : i32
      %add3A_58 = arith.constant 1 : i32
      %add3A_59 = arith.addi %mul3A_57, %add3A_58 : i32
      %dma_start3A_60 = arith.constant 0 : i32
      %dma_start3A_61 = tpu.memref_slice %arg8[%add3A_59, %dma_start3A_60] : memref<40x128xi32, #tpu.memory_space<vmem>> -> memref<1x128xi32, #tpu.memory_space<vmem>>
      %dma_start3A_62 = tpu.memref_squeeze %dma_start3A_61 : memref<1x128xi32, #tpu.memory_space<vmem>> -> memref<128xi32, #tpu.memory_space<vmem>>
      %dma_start3A_63 = arith.constant 0 : i32
      %dma_start3A_64 = arith.constant 0 : i32
      %dma_start3A_65 = tpu.memref_slice %arg2[%dma_start3A_63, %dma_start3A_64] : memref<10000x128xf32, #tpu.memory_space<hbm>> -> memref<10000x128xf32, #tpu.memory_space<hbm>>
      tpu.enqueue_indirect_dma source(%dma_start3A_65 : memref<10000x128xf32, #tpu.memory_space<hbm>>) target(%arg11 : memref<128x128xf32, #tpu.memory_space<vmem>>) offsets(%dma_start3A_62 : memref<128xi32, #tpu.memory_space<vmem>>) semaphore(%arg13 : memref<!tpu.dma_semaphore, #tpu.memory_space<semaphore_mem>>)
      %dma_wait3A = arith.constant 0 : i32
      %dma_wait3A_66 = tpu.memref_slice %arg8[%mul3A_57, %dma_wait3A] : memref<40x128xi32, #tpu.memory_space<vmem>> -> memref<1x128xi32, #tpu.memory_space<vmem>>
      %dma_wait3A_67 = tpu.memref_squeeze %dma_wait3A_66 : memref<1x128xi32, #tpu.memory_space<vmem>> -> memref<128xi32, #tpu.memory_space<vmem>>
      %dma_wait3A_68 = arith.constant 0 : i32
      %dma_wait3A_69 = arith.constant 0 : i32
      %dma_wait3A_70 = tpu.memref_slice %arg2[%dma_wait3A_68, %dma_wait3A_69] : memref<10000x128xf32, #tpu.memory_space<hbm>> -> memref<10000x128xf32, #tpu.memory_space<hbm>>
      tpu.wait_indirect_dma semaphore(%arg12 : memref<!tpu.dma_semaphore, #tpu.memory_space<semaphore_mem>>) src(%dma_wait3A_70 : memref<10000x128xf32, #tpu.memory_space<hbm>>) dst(%arg10 : memref<128x128xf32, #tpu.memory_space<vmem>>)
      "tpu.region"() ({
        %run_scoped3A = tpu.sem_alloc : memref<!tpu.dma_semaphore, #tpu.memory_space<semaphore_mem>>
        %dma_start3A_83 = arith.constant 0 : i32
        %dma_start3A_84 = tpu.memref_slice %arg9[%mul3A_57, %dma_start3A_83] : memref<40x128xi32, #tpu.memory_space<vmem>> -> memref<1x128xi32, #tpu.memory_space<vmem>>
        %dma_start3A_85 = tpu.memref_squeeze %dma_start3A_84 : memref<1x128xi32, #tpu.memory_space<vmem>> -> memref<128xi32, #tpu.memory_space<vmem>>
        %dma_start3A_86 = arith.constant 0 : i32
        %dma_start3A_87 = arith.constant 0 : i32
        %dma_start3A_88 = tpu.memref_slice %arg7[%dma_start3A_86, %dma_start3A_87] : memref<10240x128xf32, #tpu.memory_space<vmem_shared>> -> memref<10240x128xf32, #tpu.memory_space<vmem_shared>>
        tpu.enqueue_indirect_dma source(%arg10 : memref<128x128xf32, #tpu.memory_space<vmem>>) target(%dma_start3A_88 : memref<10240x128xf32, #tpu.memory_space<vmem_shared>>) offsets(%dma_start3A_85 : memref<128xi32, #tpu.memory_space<vmem>>) semaphore(%run_scoped3A : memref<!tpu.dma_semaphore, #tpu.memory_space<semaphore_mem>>) {add = true}
        %dma_wait3A_89 = arith.constant 0 : i32
        %dma_wait3A_90 = tpu.memref_slice %arg9[%mul3A_57, %dma_wait3A_89] : memref<40x128xi32, #tpu.memory_space<vmem>> -> memref<1x128xi32, #tpu.memory_space<vmem>>
        %dma_wait3A_91 = tpu.memref_squeeze %dma_wait3A_90 : memref<1x128xi32, #tpu.memory_space<vmem>> -> memref<128xi32, #tpu.memory_space<vmem>>
        %dma_wait3A_92 = arith.constant 0 : i32
        %dma_wait3A_93 = arith.constant 0 : i32
        %dma_wait3A_94 = tpu.memref_slice %arg7[%dma_wait3A_92, %dma_wait3A_93] : memref<10240x128xf32, #tpu.memory_space<vmem_shared>> -> memref<10240x128xf32, #tpu.memory_space<vmem_shared>>
        tpu.wait_indirect_dma semaphore(%run_scoped3A : memref<!tpu.dma_semaphore, #tpu.memory_space<semaphore_mem>>) src(%arg10 : memref<128x128xf32, #tpu.memory_space<vmem>>) dst(%dma_wait3A_94 : memref<10240x128xf32, #tpu.memory_space<vmem_shared>>)
        tpu.yield
      }) : () -> ()
      %lt3A = arith.constant 19 : i32
      %lt3A_71 = arith.cmpi slt, %scan3A_55, %lt3A : i32
      %convert_element_type3A = arith.extui %lt3A_71 : i1 to i32
      %cond3A = arith.constant 0 : i32
      %cond3A_72 = arith.cmpi ne, %convert_element_type3A, %cond3A : i32
      scf.if %cond3A_72 {
        %add3A_83 = arith.constant 2 : i32
        %add3A_84 = arith.addi %mul3A_57, %add3A_83 : i32
        %dma_start3A_85 = arith.constant 0 : i32
        %dma_start3A_86 = tpu.memref_slice %arg8[%add3A_84, %dma_start3A_85] : memref<40x128xi32, #tpu.memory_space<vmem>> -> memref<1x128xi32, #tpu.memory_space<vmem>>
        %dma_start3A_87 = tpu.memref_squeeze %dma_start3A_86 : memref<1x128xi32, #tpu.memory_space<vmem>> -> memref<128xi32, #tpu.memory_space<vmem>>
        %dma_start3A_88 = arith.constant 0 : i32
        %dma_start3A_89 = arith.constant 0 : i32
        %dma_start3A_90 = tpu.memref_slice %arg2[%dma_start3A_88, %dma_start3A_89] : memref<10000x128xf32, #tpu.memory_space<hbm>> -> memref<10000x128xf32, #tpu.memory_space<hbm>>
        tpu.enqueue_indirect_dma source(%dma_start3A_90 : memref<10000x128xf32, #tpu.memory_space<hbm>>) target(%arg10 : memref<128x128xf32, #tpu.memory_space<vmem>>) offsets(%dma_start3A_87 : memref<128xi32, #tpu.memory_space<vmem>>) semaphore(%arg12 : memref<!tpu.dma_semaphore, #tpu.memory_space<semaphore_mem>>)
      } else {
      }
      %add3A_73 = arith.constant 1 : i32
      %add3A_74 = arith.addi %mul3A_57, %add3A_73 : i32
      %dma_wait3A_75 = arith.constant 0 : i32
      %dma_wait3A_76 = tpu.memref_slice %arg8[%add3A_74, %dma_wait3A_75] : memref<40x128xi32, #tpu.memory_space<vmem>> -> memref<1x128xi32, #tpu.memory_space<vmem>>
      %dma_wait3A_77 = tpu.memref_squeeze %dma_wait3A_76 : memref<1x128xi32, #tpu.memory_space<vmem>> -> memref<128xi32, #tpu.memory_space<vmem>>
      %dma_wait3A_78 = arith.constant 0 : i32
      %dma_wait3A_79 = arith.constant 0 : i32
      %dma_wait3A_80 = tpu.memref_slice %arg2[%dma_wait3A_78, %dma_wait3A_79] : memref<10000x128xf32, #tpu.memory_space<hbm>> -> memref<10000x128xf32, #tpu.memory_space<hbm>>
      tpu.wait_indirect_dma semaphore(%arg13 : memref<!tpu.dma_semaphore, #tpu.memory_space<semaphore_mem>>) src(%dma_wait3A_80 : memref<10000x128xf32, #tpu.memory_space<hbm>>) dst(%arg11 : memref<128x128xf32, #tpu.memory_space<vmem>>)
      %add3A_81 = arith.constant 1 : i32
      %add3A_82 = arith.addi %mul3A_57, %add3A_81 : i32
      "tpu.region"() ({
        %run_scoped3A = tpu.sem_alloc : memref<!tpu.dma_semaphore, #tpu.memory_space<semaphore_mem>>
        %dma_start3A_83 = arith.constant 0 : i32
        %dma_start3A_84 = tpu.memref_slice %arg9[%add3A_82, %dma_start3A_83] : memref<40x128xi32, #tpu.memory_space<vmem>> -> memref<1x128xi32, #tpu.memory_space<vmem>>
        %dma_start3A_85 = tpu.memref_squeeze %dma_start3A_84 : memref<1x128xi32, #tpu.memory_space<vmem>> -> memref<128xi32, #tpu.memory_space<vmem>>
        %dma_start3A_86 = arith.constant 0 : i32
        %dma_start3A_87 = arith.constant 0 : i32
        %dma_start3A_88 = tpu.memref_slice %arg7[%dma_start3A_86, %dma_start3A_87] : memref<10240x128xf32, #tpu.memory_space<vmem_shared>> -> memref<10240x128xf32, #tpu.memory_space<vmem_shared>>
        tpu.enqueue_indirect_dma source(%arg11 : memref<128x128xf32, #tpu.memory_space<vmem>>) target(%dma_start3A_88 : memref<10240x128xf32, #tpu.memory_space<vmem_shared>>) offsets(%dma_start3A_85 : memref<128xi32, #tpu.memory_space<vmem>>) semaphore(%run_scoped3A : memref<!tpu.dma_semaphore, #tpu.memory_space<semaphore_mem>>) {add = true}
        %dma_wait3A_89 = arith.constant 0 : i32
        %dma_wait3A_90 = tpu.memref_slice %arg9[%add3A_82, %dma_wait3A_89] : memref<40x128xi32, #tpu.memory_space<vmem>> -> memref<1x128xi32, #tpu.memory_space<vmem>>
        %dma_wait3A_91 = tpu.memref_squeeze %dma_wait3A_90 : memref<1x128xi32, #tpu.memory_space<vmem>> -> memref<128xi32, #tpu.memory_space<vmem>>
        %dma_wait3A_92 = arith.constant 0 : i32
        %dma_wait3A_93 = arith.constant 0 : i32
        %dma_wait3A_94 = tpu.memref_slice %arg7[%dma_wait3A_92, %dma_wait3A_93] : memref<10240x128xf32, #tpu.memory_space<vmem_shared>> -> memref<10240x128xf32, #tpu.memory_space<vmem_shared>>
        tpu.wait_indirect_dma semaphore(%run_scoped3A : memref<!tpu.dma_semaphore, #tpu.memory_space<semaphore_mem>>) src(%arg11 : memref<128x128xf32, #tpu.memory_space<vmem>>) dst(%dma_wait3A_94 : memref<10240x128xf32, #tpu.memory_space<vmem_shared>>)
        tpu.yield
      }) : () -> ()
    }
    %scan3A_20 = arith.constant 20 : i32
    "tpu.region"() ({
      %run_scoped3A = tpu.sem_alloc : memref<!tpu.dma_semaphore, #tpu.memory_space<semaphore_mem>>
      %dma_start3A_55 = arith.constant 40 : i32
      %dma_start3A_56 = arith.constant 0 : i32
      %dma_start3A_57 = tpu.memref_slice %arg3[%arg0, %arg1, %dma_start3A_55, %dma_start3A_56] : memref<2x16x80x128xi32, #tpu.memory_space<hbm>> -> memref<1x1x40x128xi32, #tpu.memory_space<hbm>>
      %dma_start3A_58 = tpu.memref_squeeze %dma_start3A_57 : memref<1x1x40x128xi32, #tpu.memory_space<hbm>> -> memref<40x128xi32, #tpu.memory_space<hbm>>
      %dma_start3A_59 = arith.constant 40 : i32
      %dma_start3A_60 = arith.constant 0 : i32
      %dma_start3A_61 = tpu.memref_slice %arg3[%arg0, %arg1, %dma_start3A_59, %dma_start3A_60] : memref<2x16x80x128xi32, #tpu.memory_space<hbm>> -> memref<1x1x40x128xi32, #tpu.memory_space<hbm>>
      %dma_start3A_62 = tpu.memref_squeeze %dma_start3A_61 : memref<1x1x40x128xi32, #tpu.memory_space<hbm>> -> memref<40x128xi32, #tpu.memory_space<hbm>>
      tpu.enqueue_dma source(%dma_start3A_62 : memref<40x128xi32, #tpu.memory_space<hbm>>) target(%arg8 : memref<40x128xi32, #tpu.memory_space<vmem>>) target_semaphore(%run_scoped3A : memref<!tpu.dma_semaphore, #tpu.memory_space<semaphore_mem>>)
      %dma_wait3A = arith.constant 40 : i32
      %dma_wait3A_63 = arith.constant 0 : i32
      %dma_wait3A_64 = tpu.memref_slice %arg3[%arg0, %arg1, %dma_wait3A, %dma_wait3A_63] : memref<2x16x80x128xi32, #tpu.memory_space<hbm>> -> memref<1x1x40x128xi32, #tpu.memory_space<hbm>>
      %dma_wait3A_65 = tpu.memref_squeeze %dma_wait3A_64 : memref<1x1x40x128xi32, #tpu.memory_space<hbm>> -> memref<40x128xi32, #tpu.memory_space<hbm>>
      %dma_wait3A_66 = arith.constant 40 : i32
      %dma_wait3A_67 = arith.constant 0 : i32
      %dma_wait3A_68 = tpu.memref_slice %arg3[%arg0, %arg1, %dma_wait3A_66, %dma_wait3A_67] : memref<2x16x80x128xi32, #tpu.memory_space<hbm>> -> memref<1x1x40x128xi32, #tpu.memory_space<hbm>>
      %dma_wait3A_69 = tpu.memref_squeeze %dma_wait3A_68 : memref<1x1x40x128xi32, #tpu.memory_space<hbm>> -> memref<40x128xi32, #tpu.memory_space<hbm>>
      tpu.wait_dma2 semaphore(%run_scoped3A : memref<!tpu.dma_semaphore, #tpu.memory_space<semaphore_mem>>) src(%dma_wait3A_69 : memref<40x128xi32, #tpu.memory_space<hbm>>) dst(%arg8 : memref<40x128xi32, #tpu.memory_space<vmem>>)
      tpu.yield
    }) : () -> ()
    "tpu.region"() ({
      %run_scoped3A = tpu.sem_alloc : memref<!tpu.dma_semaphore, #tpu.memory_space<semaphore_mem>>
      %dma_start3A_55 = arith.constant 40 : i32
      %dma_start3A_56 = arith.constant 0 : i32
      %dma_start3A_57 = tpu.memref_slice %arg4[%arg0, %arg1, %dma_start3A_55, %dma_start3A_56] : memref<2x16x80x128xi32, #tpu.memory_space<hbm>> -> memref<1x1x40x128xi32, #tpu.memory_space<hbm>>
      %dma_start3A_58 = tpu.memref_squeeze %dma_start3A_57 : memref<1x1x40x128xi32, #tpu.memory_space<hbm>> -> memref<40x128xi32, #tpu.memory_space<hbm>>
      %dma_start3A_59 = arith.constant 40 : i32
      %dma_start3A_60 = arith.constant 0 : i32
      %dma_start3A_61 = tpu.memref_slice %arg4[%arg0, %arg1, %dma_start3A_59, %dma_start3A_60] : memref<2x16x80x128xi32, #tpu.memory_space<hbm>> -> memref<1x1x40x128xi32, #tpu.memory_space<hbm>>
      %dma_start3A_62 = tpu.memref_squeeze %dma_start3A_61 : memref<1x1x40x128xi32, #tpu.memory_space<hbm>> -> memref<40x128xi32, #tpu.memory_space<hbm>>
      tpu.enqueue_dma source(%dma_start3A_62 : memref<40x128xi32, #tpu.memory_space<hbm>>) target(%arg9 : memref<40x128xi32, #tpu.memory_space<vmem>>) target_semaphore(%run_scoped3A : memref<!tpu.dma_semaphore, #tpu.memory_space<semaphore_mem>>)
      %dma_wait3A = arith.constant 40 : i32
      %dma_wait3A_63 = arith.constant 0 : i32
      %dma_wait3A_64 = tpu.memref_slice %arg4[%arg0, %arg1, %dma_wait3A, %dma_wait3A_63] : memref<2x16x80x128xi32, #tpu.memory_space<hbm>> -> memref<1x1x40x128xi32, #tpu.memory_space<hbm>>
      %dma_wait3A_65 = tpu.memref_squeeze %dma_wait3A_64 : memref<1x1x40x128xi32, #tpu.memory_space<hbm>> -> memref<40x128xi32, #tpu.memory_space<hbm>>
      %dma_wait3A_66 = arith.constant 40 : i32
      %dma_wait3A_67 = arith.constant 0 : i32
      %dma_wait3A_68 = tpu.memref_slice %arg4[%arg0, %arg1, %dma_wait3A_66, %dma_wait3A_67] : memref<2x16x80x128xi32, #tpu.memory_space<hbm>> -> memref<1x1x40x128xi32, #tpu.memory_space<hbm>>
      %dma_wait3A_69 = tpu.memref_squeeze %dma_wait3A_68 : memref<1x1x40x128xi32, #tpu.memory_space<hbm>> -> memref<40x128xi32, #tpu.memory_space<hbm>>
      tpu.wait_dma2 semaphore(%run_scoped3A : memref<!tpu.dma_semaphore, #tpu.memory_space<semaphore_mem>>) src(%dma_wait3A_69 : memref<40x128xi32, #tpu.memory_space<hbm>>) dst(%arg9 : memref<40x128xi32, #tpu.memory_space<vmem>>)
      tpu.yield
    }) : () -> ()
    %dma_start3A_21 = arith.constant 0 : i32
    %dma_start3A_22 = arith.constant 0 : i32
    %dma_start3A_23 = tpu.memref_slice %arg8[%dma_start3A_21, %dma_start3A_22] : memref<40x128xi32, #tpu.memory_space<vmem>> -> memref<1x128xi32, #tpu.memory_space<vmem>>
    %dma_start3A_24 = tpu.memref_squeeze %dma_start3A_23 : memref<1x128xi32, #tpu.memory_space<vmem>> -> memref<128xi32, #tpu.memory_space<vmem>>
    %dma_start3A_25 = arith.constant 0 : i32
    %dma_start3A_26 = arith.constant 0 : i32
    %dma_start3A_27 = tpu.memref_slice %arg2[%dma_start3A_25, %dma_start3A_26] : memref<10000x128xf32, #tpu.memory_space<hbm>> -> memref<10000x128xf32, #tpu.memory_space<hbm>>
    tpu.enqueue_indirect_dma source(%dma_start3A_27 : memref<10000x128xf32, #tpu.memory_space<hbm>>) target(%arg10 : memref<128x128xf32, #tpu.memory_space<vmem>>) offsets(%dma_start3A_24 : memref<128xi32, #tpu.memory_space<vmem>>) semaphore(%arg12 : memref<!tpu.dma_semaphore, #tpu.memory_space<semaphore_mem>>)
    %scan3A_28 = arith.constant 0 : i32
    %scan3A_29 = arith.constant 0 : i32
    %scan3A_30 = arith.constant 20 : i32
    %scan3A_31 = arith.addi %scan3A_29, %scan3A_30 : i32
    %scan3A_32 = arith.constant 1 : i32
    scf.for %scan3A_55 = %scan3A_29 to %scan3A_31 step %scan3A_32  : i32 {
      %mul3A_56 = arith.constant 2 : i32
      %mul3A_57 = arith.muli %mul3A_56, %scan3A_55 : i32
      %add3A_58 = arith.constant 1 : i32
      %add3A_59 = arith.addi %mul3A_57, %add3A_58 : i32
      %dma_start3A_60 = arith.constant 0 : i32
      %dma_start3A_61 = tpu.memref_slice %arg8[%add3A_59, %dma_start3A_60] : memref<40x128xi32, #tpu.memory_space<vmem>> -> memref<1x128xi32, #tpu.memory_space<vmem>>
      %dma_start3A_62 = tpu.memref_squeeze %dma_start3A_61 : memref<1x128xi32, #tpu.memory_space<vmem>> -> memref<128xi32, #tpu.memory_space<vmem>>
      %dma_start3A_63 = arith.constant 0 : i32
      %dma_start3A_64 = arith.constant 0 : i32
      %dma_start3A_65 = tpu.memref_slice %arg2[%dma_start3A_63, %dma_start3A_64] : memref<10000x128xf32, #tpu.memory_space<hbm>> -> memref<10000x128xf32, #tpu.memory_space<hbm>>
      tpu.enqueue_indirect_dma source(%dma_start3A_65 : memref<10000x128xf32, #tpu.memory_space<hbm>>) target(%arg11 : memref<128x128xf32, #tpu.memory_space<vmem>>) offsets(%dma_start3A_62 : memref<128xi32, #tpu.memory_space<vmem>>) semaphore(%arg13 : memref<!tpu.dma_semaphore, #tpu.memory_space<semaphore_mem>>)
      %dma_wait3A = arith.constant 0 : i32
      %dma_wait3A_66 = tpu.memref_slice %arg8[%mul3A_57, %dma_wait3A] : memref<40x128xi32, #tpu.memory_space<vmem>> -> memref<1x128xi32, #tpu.memory_space<vmem>>
      %dma_wait3A_67 = tpu.memref_squeeze %dma_wait3A_66 : memref<1x128xi32, #tpu.memory_space<vmem>> -> memref<128xi32, #tpu.memory_space<vmem>>
      %dma_wait3A_68 = arith.constant 0 : i32
      %dma_wait3A_69 = arith.constant 0 : i32
      %dma_wait3A_70 = tpu.memref_slice %arg2[%dma_wait3A_68, %dma_wait3A_69] : memref<10000x128xf32, #tpu.memory_space<hbm>> -> memref<10000x128xf32, #tpu.memory_space<hbm>>
      tpu.wait_indirect_dma semaphore(%arg12 : memref<!tpu.dma_semaphore, #tpu.memory_space<semaphore_mem>>) src(%dma_wait3A_70 : memref<10000x128xf32, #tpu.memory_space<hbm>>) dst(%arg10 : memref<128x128xf32, #tpu.memory_space<vmem>>)
      "tpu.region"() ({
        %run_scoped3A = tpu.sem_alloc : memref<!tpu.dma_semaphore, #tpu.memory_space<semaphore_mem>>
        %dma_start3A_83 = arith.constant 0 : i32
        %dma_start3A_84 = tpu.memref_slice %arg9[%mul3A_57, %dma_start3A_83] : memref<40x128xi32, #tpu.memory_space<vmem>> -> memref<1x128xi32, #tpu.memory_space<vmem>>
        %dma_start3A_85 = tpu.memref_squeeze %dma_start3A_84 : memref<1x128xi32, #tpu.memory_space<vmem>> -> memref<128xi32, #tpu.memory_space<vmem>>
        %dma_start3A_86 = arith.constant 0 : i32
        %dma_start3A_87 = arith.constant 0 : i32
        %dma_start3A_88 = tpu.memref_slice %arg7[%dma_start3A_86, %dma_start3A_87] : memref<10240x128xf32, #tpu.memory_space<vmem_shared>> -> memref<10240x128xf32, #tpu.memory_space<vmem_shared>>
        tpu.enqueue_indirect_dma source(%arg10 : memref<128x128xf32, #tpu.memory_space<vmem>>) target(%dma_start3A_88 : memref<10240x128xf32, #tpu.memory_space<vmem_shared>>) offsets(%dma_start3A_85 : memref<128xi32, #tpu.memory_space<vmem>>) semaphore(%run_scoped3A : memref<!tpu.dma_semaphore, #tpu.memory_space<semaphore_mem>>) {add = true}
        %dma_wait3A_89 = arith.constant 0 : i32
        %dma_wait3A_90 = tpu.memref_slice %arg9[%mul3A_57, %dma_wait3A_89] : memref<40x128xi32, #tpu.memory_space<vmem>> -> memref<1x128xi32, #tpu.memory_space<vmem>>
        %dma_wait3A_91 = tpu.memref_squeeze %dma_wait3A_90 : memref<1x128xi32, #tpu.memory_space<vmem>> -> memref<128xi32, #tpu.memory_space<vmem>>
        %dma_wait3A_92 = arith.constant 0 : i32
        %dma_wait3A_93 = arith.constant 0 : i32
        %dma_wait3A_94 = tpu.memref_slice %arg7[%dma_wait3A_92, %dma_wait3A_93] : memref<10240x128xf32, #tpu.memory_space<vmem_shared>> -> memref<10240x128xf32, #tpu.memory_space<vmem_shared>>
        tpu.wait_indirect_dma semaphore(%run_scoped3A : memref<!tpu.dma_semaphore, #tpu.memory_space<semaphore_mem>>) src(%arg10 : memref<128x128xf32, #tpu.memory_space<vmem>>) dst(%dma_wait3A_94 : memref<10240x128xf32, #tpu.memory_space<vmem_shared>>)
        tpu.yield
      }) : () -> ()
      %lt3A = arith.constant 19 : i32
      %lt3A_71 = arith.cmpi slt, %scan3A_55, %lt3A : i32
      %convert_element_type3A = arith.extui %lt3A_71 : i1 to i32
      %cond3A = arith.constant 0 : i32
      %cond3A_72 = arith.cmpi ne, %convert_element_type3A, %cond3A : i32
      scf.if %cond3A_72 {
        %add3A_83 = arith.constant 2 : i32
        %add3A_84 = arith.addi %mul3A_57, %add3A_83 : i32
        %dma_start3A_85 = arith.constant 0 : i32
        %dma_start3A_86 = tpu.memref_slice %arg8[%add3A_84, %dma_start3A_85] : memref<40x128xi32, #tpu.memory_space<vmem>> -> memref<1x128xi32, #tpu.memory_space<vmem>>
        %dma_start3A_87 = tpu.memref_squeeze %dma_start3A_86 : memref<1x128xi32, #tpu.memory_space<vmem>> -> memref<128xi32, #tpu.memory_space<vmem>>
        %dma_start3A_88 = arith.constant 0 : i32
        %dma_start3A_89 = arith.constant 0 : i32
        %dma_start3A_90 = tpu.memref_slice %arg2[%dma_start3A_88, %dma_start3A_89] : memref<10000x128xf32, #tpu.memory_space<hbm>> -> memref<10000x128xf32, #tpu.memory_space<hbm>>
        tpu.enqueue_indirect_dma source(%dma_start3A_90 : memref<10000x128xf32, #tpu.memory_space<hbm>>) target(%arg10 : memref<128x128xf32, #tpu.memory_space<vmem>>) offsets(%dma_start3A_87 : memref<128xi32, #tpu.memory_space<vmem>>) semaphore(%arg12 : memref<!tpu.dma_semaphore, #tpu.memory_space<semaphore_mem>>)
      } else {
      }
      %add3A_73 = arith.constant 1 : i32
      %add3A_74 = arith.addi %mul3A_57, %add3A_73 : i32
      %dma_wait3A_75 = arith.constant 0 : i32
      %dma_wait3A_76 = tpu.memref_slice %arg8[%add3A_74, %dma_wait3A_75] : memref<40x128xi32, #tpu.memory_space<vmem>> -> memref<1x128xi32, #tpu.memory_space<vmem>>
      %dma_wait3A_77 = tpu.memref_squeeze %dma_wait3A_76 : memref<1x128xi32, #tpu.memory_space<vmem>> -> memref<128xi32, #tpu.memory_space<vmem>>
      %dma_wait3A_78 = arith.constant 0 : i32
      %dma_wait3A_79 = arith.constant 0 : i32
      %dma_wait3A_80 = tpu.memref_slice %arg2[%dma_wait3A_78, %dma_wait3A_79] : memref<10000x128xf32, #tpu.memory_space<hbm>> -> memref<10000x128xf32, #tpu.memory_space<hbm>>
      tpu.wait_indirect_dma semaphore(%arg13 : memref<!tpu.dma_semaphore, #tpu.memory_space<semaphore_mem>>) src(%dma_wait3A_80 : memref<10000x128xf32, #tpu.memory_space<hbm>>) dst(%arg11 : memref<128x128xf32, #tpu.memory_space<vmem>>)
      %add3A_81 = arith.constant 1 : i32
      %add3A_82 = arith.addi %mul3A_57, %add3A_81 : i32
      "tpu.region"() ({
        %run_scoped3A = tpu.sem_alloc : memref<!tpu.dma_semaphore, #tpu.memory_space<semaphore_mem>>
        %dma_start3A_83 = arith.constant 0 : i32
        %dma_start3A_84 = tpu.memref_slice %arg9[%add3A_82, %dma_start3A_83] : memref<40x128xi32, #tpu.memory_space<vmem>> -> memref<1x128xi32, #tpu.memory_space<vmem>>
        %dma_start3A_85 = tpu.memref_squeeze %dma_start3A_84 : memref<1x128xi32, #tpu.memory_space<vmem>> -> memref<128xi32, #tpu.memory_space<vmem>>
        %dma_start3A_86 = arith.constant 0 : i32
        %dma_start3A_87 = arith.constant 0 : i32
        %dma_start3A_88 = tpu.memref_slice %arg7[%dma_start3A_86, %dma_start3A_87] : memref<10240x128xf32, #tpu.memory_space<vmem_shared>> -> memref<10240x128xf32, #tpu.memory_space<vmem_shared>>
        tpu.enqueue_indirect_dma source(%arg11 : memref<128x128xf32, #tpu.memory_space<vmem>>) target(%dma_start3A_88 : memref<10240x128xf32, #tpu.memory_space<vmem_shared>>) offsets(%dma_start3A_85 : memref<128xi32, #tpu.memory_space<vmem>>) semaphore(%run_scoped3A : memref<!tpu.dma_semaphore, #tpu.memory_space<semaphore_mem>>) {add = true}
        %dma_wait3A_89 = arith.constant 0 : i32
        %dma_wait3A_90 = tpu.memref_slice %arg9[%add3A_82, %dma_wait3A_89] : memref<40x128xi32, #tpu.memory_space<vmem>> -> memref<1x128xi32, #tpu.memory_space<vmem>>
        %dma_wait3A_91 = tpu.memref_squeeze %dma_wait3A_90 : memref<1x128xi32, #tpu.memory_space<vmem>> -> memref<128xi32, #tpu.memory_space<vmem>>
        %dma_wait3A_92 = arith.constant 0 : i32
        %dma_wait3A_93 = arith.constant 0 : i32
        %dma_wait3A_94 = tpu.memref_slice %arg7[%dma_wait3A_92, %dma_wait3A_93] : memref<10240x128xf32, #tpu.memory_space<vmem_shared>> -> memref<10240x128xf32, #tpu.memory_space<vmem_shared>>
        tpu.wait_indirect_dma semaphore(%run_scoped3A : memref<!tpu.dma_semaphore, #tpu.memory_space<semaphore_mem>>) src(%arg11 : memref<128x128xf32, #tpu.memory_space<vmem>>) dst(%dma_wait3A_94 : memref<10240x128xf32, #tpu.memory_space<vmem_shared>>)
        tpu.yield
      }) : () -> ()
    }
    %scan3A_33 = arith.constant 20 : i32
    %barrier3A_34 = arith.constant 0 : index
    tpu.barrier barrier_id(%barrier3A_34)
    %add3A_35 = arith.constant 0 : i32
    %add3A_36 = arith.addi %mul3A_0, %add3A_35 : i32
    %add3A_37 = arith.constant 0 : i32
    %add3A_38 = arith.addi %mul3A_0, %add3A_37 : i32
    "tpu.region"() ({
      %run_scoped3A = tpu.sem_alloc : memref<!tpu.dma_semaphore, #tpu.memory_space<semaphore_mem>>
      %dma_start3A_55 = arith.constant 0 : i32
      %dma_start3A_56 = tpu.memref_slice %arg6[%arg0, %add3A_38, %dma_start3A_55] : memref<2x10240x128xf32, #tpu.memory_space<hbm>> -> memref<1x128x128xf32, #tpu.memory_space<hbm>>
      %dma_start3A_57 = tpu.memref_squeeze %dma_start3A_56 : memref<1x128x128xf32, #tpu.memory_space<hbm>> -> memref<128x128xf32, #tpu.memory_space<hbm>>
      %dma_start3A_58 = arith.constant 0 : i32
      %dma_start3A_59 = tpu.memref_slice %arg7[%add3A_36, %dma_start3A_58] : memref<10240x128xf32, #tpu.memory_space<vmem_shared>> -> memref<128x128xf32, #tpu.memory_space<vmem_shared>>
      tpu.enqueue_dma source(%dma_start3A_59 : memref<128x128xf32, #tpu.memory_space<vmem_shared>>) target(%dma_start3A_57 : memref<128x128xf32, #tpu.memory_space<hbm>>) target_semaphore(%run_scoped3A : memref<!tpu.dma_semaphore, #tpu.memory_space<semaphore_mem>>)
      %dma_wait3A = arith.constant 0 : i32
      %dma_wait3A_60 = tpu.memref_slice %arg6[%arg0, %add3A_38, %dma_wait3A] : memref<2x10240x128xf32, #tpu.memory_space<hbm>> -> memref<1x128x128xf32, #tpu.memory_space<hbm>>
      %dma_wait3A_61 = tpu.memref_squeeze %dma_wait3A_60 : memref<1x128x128xf32, #tpu.memory_space<hbm>> -> memref<128x128xf32, #tpu.memory_space<hbm>>
      %dma_wait3A_62 = arith.constant 0 : i32
      %dma_wait3A_63 = tpu.memref_slice %arg7[%add3A_36, %dma_wait3A_62] : memref<10240x128xf32, #tpu.memory_space<vmem_shared>> -> memref<128x128xf32, #tpu.memory_space<vmem_shared>>
      tpu.wait_dma2 semaphore(%run_scoped3A : memref<!tpu.dma_semaphore, #tpu.memory_space<semaphore_mem>>) src(%dma_wait3A_63 : memref<128x128xf32, #tpu.memory_space<vmem_shared>>) dst(%dma_wait3A_61 : memref<128x128xf32, #tpu.memory_space<hbm>>)
      tpu.yield
    }) : () -> ()
    %add3A_39 = arith.constant 128 : i32
    %add3A_40 = arith.addi %mul3A_0, %add3A_39 : i32
    %add3A_41 = arith.constant 128 : i32
    %add3A_42 = arith.addi %mul3A_0, %add3A_41 : i32
    "tpu.region"() ({
      %run_scoped3A = tpu.sem_alloc : memref<!tpu.dma_semaphore, #tpu.memory_space<semaphore_mem>>
      %dma_start3A_55 = arith.constant 0 : i32
      %dma_start3A_56 = tpu.memref_slice %arg6[%arg0, %add3A_42, %dma_start3A_55] : memref<2x10240x128xf32, #tpu.memory_space<hbm>> -> memref<1x128x128xf32, #tpu.memory_space<hbm>>
      %dma_start3A_57 = tpu.memref_squeeze %dma_start3A_56 : memref<1x128x128xf32, #tpu.memory_space<hbm>> -> memref<128x128xf32, #tpu.memory_space<hbm>>
      %dma_start3A_58 = arith.constant 0 : i32
      %dma_start3A_59 = tpu.memref_slice %arg7[%add3A_40, %dma_start3A_58] : memref<10240x128xf32, #tpu.memory_space<vmem_shared>> -> memref<128x128xf32, #tpu.memory_space<vmem_shared>>
      tpu.enqueue_dma source(%dma_start3A_59 : memref<128x128xf32, #tpu.memory_space<vmem_shared>>) target(%dma_start3A_57 : memref<128x128xf32, #tpu.memory_space<hbm>>) target_semaphore(%run_scoped3A : memref<!tpu.dma_semaphore, #tpu.memory_space<semaphore_mem>>)
      %dma_wait3A = arith.constant 0 : i32
      %dma_wait3A_60 = tpu.memref_slice %arg6[%arg0, %add3A_42, %dma_wait3A] : memref<2x10240x128xf32, #tpu.memory_space<hbm>> -> memref<1x128x128xf32, #tpu.memory_space<hbm>>
      %dma_wait3A_61 = tpu.memref_squeeze %dma_wait3A_60 : memref<1x128x128xf32, #tpu.memory_space<hbm>> -> memref<128x128xf32, #tpu.memory_space<hbm>>
      %dma_wait3A_62 = arith.constant 0 : i32
      %dma_wait3A_63 = tpu.memref_slice %arg7[%add3A_40, %dma_wait3A_62] : memref<10240x128xf32, #tpu.memory_space<vmem_shared>> -> memref<128x128xf32, #tpu.memory_space<vmem_shared>>
      tpu.wait_dma2 semaphore(%run_scoped3A : memref<!tpu.dma_semaphore, #tpu.memory_space<semaphore_mem>>) src(%dma_wait3A_63 : memref<128x128xf32, #tpu.memory_space<vmem_shared>>) dst(%dma_wait3A_61 : memref<128x128xf32, #tpu.memory_space<hbm>>)
      tpu.yield
    }) : () -> ()
    %add3A_43 = arith.constant 256 : i32
    %add3A_44 = arith.addi %mul3A_0, %add3A_43 : i32
    %add3A_45 = arith.constant 256 : i32
    %add3A_46 = arith.addi %mul3A_0, %add3A_45 : i32
    "tpu.region"() ({
      %run_scoped3A = tpu.sem_alloc : memref<!tpu.dma_semaphore, #tpu.memory_space<semaphore_mem>>
      %dma_start3A_55 = arith.constant 0 : i32
      %dma_start3A_56 = tpu.memref_slice %arg6[%arg0, %add3A_46, %dma_start3A_55] : memref<2x10240x128xf32, #tpu.memory_space<hbm>> -> memref<1x128x128xf32, #tpu.memory_space<hbm>>
      %dma_start3A_57 = tpu.memref_squeeze %dma_start3A_56 : memref<1x128x128xf32, #tpu.memory_space<hbm>> -> memref<128x128xf32, #tpu.memory_space<hbm>>
      %dma_start3A_58 = arith.constant 0 : i32
      %dma_start3A_59 = tpu.memref_slice %arg7[%add3A_44, %dma_start3A_58] : memref<10240x128xf32, #tpu.memory_space<vmem_shared>> -> memref<128x128xf32, #tpu.memory_space<vmem_shared>>
      tpu.enqueue_dma source(%dma_start3A_59 : memref<128x128xf32, #tpu.memory_space<vmem_shared>>) target(%dma_start3A_57 : memref<128x128xf32, #tpu.memory_space<hbm>>) target_semaphore(%run_scoped3A : memref<!tpu.dma_semaphore, #tpu.memory_space<semaphore_mem>>)
      %dma_wait3A = arith.constant 0 : i32
      %dma_wait3A_60 = tpu.memref_slice %arg6[%arg0, %add3A_46, %dma_wait3A] : memref<2x10240x128xf32, #tpu.memory_space<hbm>> -> memref<1x128x128xf32, #tpu.memory_space<hbm>>
      %dma_wait3A_61 = tpu.memref_squeeze %dma_wait3A_60 : memref<1x128x128xf32, #tpu.memory_space<hbm>> -> memref<128x128xf32, #tpu.memory_space<hbm>>
      %dma_wait3A_62 = arith.constant 0 : i32
      %dma_wait3A_63 = tpu.memref_slice %arg7[%add3A_44, %dma_wait3A_62] : memref<10240x128xf32, #tpu.memory_space<vmem_shared>> -> memref<128x128xf32, #tpu.memory_space<vmem_shared>>
      tpu.wait_dma2 semaphore(%run_scoped3A : memref<!tpu.dma_semaphore, #tpu.memory_space<semaphore_mem>>) src(%dma_wait3A_63 : memref<128x128xf32, #tpu.memory_space<vmem_shared>>) dst(%dma_wait3A_61 : memref<128x128xf32, #tpu.memory_space<hbm>>)
      tpu.yield
    }) : () -> ()
    %add3A_47 = arith.constant 384 : i32
    %add3A_48 = arith.addi %mul3A_0, %add3A_47 : i32
    %add3A_49 = arith.constant 384 : i32
    %add3A_50 = arith.addi %mul3A_0, %add3A_49 : i32
    "tpu.region"() ({
      %run_scoped3A = tpu.sem_alloc : memref<!tpu.dma_semaphore, #tpu.memory_space<semaphore_mem>>
      %dma_start3A_55 = arith.constant 0 : i32
      %dma_start3A_56 = tpu.memref_slice %arg6[%arg0, %add3A_50, %dma_start3A_55] : memref<2x10240x128xf32, #tpu.memory_space<hbm>> -> memref<1x128x128xf32, #tpu.memory_space<hbm>>
      %dma_start3A_57 = tpu.memref_squeeze %dma_start3A_56 : memref<1x128x128xf32, #tpu.memory_space<hbm>> -> memref<128x128xf32, #tpu.memory_space<hbm>>
      %dma_start3A_58 = arith.constant 0 : i32
      %dma_start3A_59 = tpu.memref_slice %arg7[%add3A_48, %dma_start3A_58] : memref<10240x128xf32, #tpu.memory_space<vmem_shared>> -> memref<128x128xf32, #tpu.memory_space<vmem_shared>>
      tpu.enqueue_dma source(%dma_start3A_59 : memref<128x128xf32, #tpu.memory_space<vmem_shared>>) target(%dma_start3A_57 : memref<128x128xf32, #tpu.memory_space<hbm>>) target_semaphore(%run_scoped3A : memref<!tpu.dma_semaphore, #tpu.memory_space<semaphore_mem>>)
      %dma_wait3A = arith.constant 0 : i32
      %dma_wait3A_60 = tpu.memref_slice %arg6[%arg0, %add3A_50, %dma_wait3A] : memref<2x10240x128xf32, #tpu.memory_space<hbm>> -> memref<1x128x128xf32, #tpu.memory_space<hbm>>
      %dma_wait3A_61 = tpu.memref_squeeze %dma_wait3A_60 : memref<1x128x128xf32, #tpu.memory_space<hbm>> -> memref<128x128xf32, #tpu.memory_space<hbm>>
      %dma_wait3A_62 = arith.constant 0 : i32
      %dma_wait3A_63 = tpu.memref_slice %arg7[%add3A_48, %dma_wait3A_62] : memref<10240x128xf32, #tpu.memory_space<vmem_shared>> -> memref<128x128xf32, #tpu.memory_space<vmem_shared>>
      tpu.wait_dma2 semaphore(%run_scoped3A : memref<!tpu.dma_semaphore, #tpu.memory_space<semaphore_mem>>) src(%dma_wait3A_63 : memref<128x128xf32, #tpu.memory_space<vmem_shared>>) dst(%dma_wait3A_61 : memref<128x128xf32, #tpu.memory_space<hbm>>)
      tpu.yield
    }) : () -> ()
    %add3A_51 = arith.constant 512 : i32
    %add3A_52 = arith.addi %mul3A_0, %add3A_51 : i32
    %add3A_53 = arith.constant 512 : i32
    %add3A_54 = arith.addi %mul3A_0, %add3A_53 : i32
    "tpu.region"() ({
      %run_scoped3A = tpu.sem_alloc : memref<!tpu.dma_semaphore, #tpu.memory_space<semaphore_mem>>
      %dma_start3A_55 = arith.constant 0 : i32
      %dma_start3A_56 = tpu.memref_slice %arg6[%arg0, %add3A_54, %dma_start3A_55] : memref<2x10240x128xf32, #tpu.memory_space<hbm>> -> memref<1x128x128xf32, #tpu.memory_space<hbm>>
      %dma_start3A_57 = tpu.memref_squeeze %dma_start3A_56 : memref<1x128x128xf32, #tpu.memory_space<hbm>> -> memref<128x128xf32, #tpu.memory_space<hbm>>
      %dma_start3A_58 = arith.constant 0 : i32
      %dma_start3A_59 = tpu.memref_slice %arg7[%add3A_52, %dma_start3A_58] : memref<10240x128xf32, #tpu.memory_space<vmem_shared>> -> memref<128x128xf32, #tpu.memory_space<vmem_shared>>
      tpu.enqueue_dma source(%dma_start3A_59 : memref<128x128xf32, #tpu.memory_space<vmem_shared>>) target(%dma_start3A_57 : memref<128x128xf32, #tpu.memory_space<hbm>>) target_semaphore(%run_scoped3A : memref<!tpu.dma_semaphore, #tpu.memory_space<semaphore_mem>>)
      %dma_wait3A = arith.constant 0 : i32
      %dma_wait3A_60 = tpu.memref_slice %arg6[%arg0, %add3A_54, %dma_wait3A] : memref<2x10240x128xf32, #tpu.memory_space<hbm>> -> memref<1x128x128xf32, #tpu.memory_space<hbm>>
      %dma_wait3A_61 = tpu.memref_squeeze %dma_wait3A_60 : memref<1x128x128xf32, #tpu.memory_space<hbm>> -> memref<128x128xf32, #tpu.memory_space<hbm>>
      %dma_wait3A_62 = arith.constant 0 : i32
      %dma_wait3A_63 = tpu.memref_slice %arg7[%add3A_52, %dma_wait3A_62] : memref<10240x128xf32, #tpu.memory_space<vmem_shared>> -> memref<128x128xf32, #tpu.memory_space<vmem_shared>>
      tpu.wait_dma2 semaphore(%run_scoped3A : memref<!tpu.dma_semaphore, #tpu.memory_space<semaphore_mem>>) src(%dma_wait3A_63 : memref<128x128xf32, #tpu.memory_space<vmem_shared>>) dst(%dma_wait3A_61 : memref<128x128xf32, #tpu.memory_space<hbm>>)
      tpu.yield
    }) : () -> ()
    return
  }
}

#map = affine_map<(d0, d1) -> (0, 0, 0, 0)>
#map1 = affine_map<(d0, d1) -> (0, 0)>
#map2 = affine_map<(d0, d1) -> (0, 0, 0)>
module attributes {stable_mosaic.version = 14 : i64} {
  func.func @_deg_kernel(%arg0: i32, %arg1: i32, %arg2: memref<2x16x80x128xi32, #tpu.memory_space<hbm>>, %arg3: memref<128x128xf32, #tpu.memory_space<hbm>>, %arg4: memref<128x128xf32, #tpu.memory_space<hbm>>, %arg5: memref<2x10240x128xf32, #tpu.memory_space<hbm>>, %arg6: memref<10240x128xf32, #tpu.memory_space<vmem_shared>>, %arg7: memref<80x128xi32, #tpu.memory_space<vmem>>, %arg8: memref<128x128xf32, #tpu.memory_space<vmem>>, %arg9: memref<128x128xf32, #tpu.memory_space<vmem>>) attributes {dimension_semantics = [#tpu.dimension_semantics<core_parallel>, #tpu.dimension_semantics<subcore_parallel>], iteration_bounds = array<i64: 2, 16>, scalar_prefetch = 0 : i64, scratch_operands = 4 : i64, tpu.core_type = #tpu.core_type<sc_vector_subcore>, window_params = [{transform_indices = #map}, {transform_indices = #map1}, {transform_indices = #map1}, {transform_indices = #map2}]} {
    %mul3A = arith.constant 640 : i32
    %mul3A_0 = arith.muli %arg1, %mul3A : i32
    "tpu.region"() ({
      %run_scoped3A = tpu.sem_alloc : memref<!tpu.dma_semaphore, #tpu.memory_space<semaphore_mem>>
      tpu.enqueue_dma source(%arg4 : memref<128x128xf32, #tpu.memory_space<hbm>>) target(%arg9 : memref<128x128xf32, #tpu.memory_space<vmem>>) target_semaphore(%run_scoped3A : memref<!tpu.dma_semaphore, #tpu.memory_space<semaphore_mem>>)
      tpu.wait_dma2 semaphore(%run_scoped3A : memref<!tpu.dma_semaphore, #tpu.memory_space<semaphore_mem>>) src(%arg4 : memref<128x128xf32, #tpu.memory_space<hbm>>) dst(%arg9 : memref<128x128xf32, #tpu.memory_space<vmem>>)
      tpu.yield
    }) : () -> ()
    %add3A = arith.constant 0 : i32
    %add3A_1 = arith.addi %mul3A_0, %add3A : i32
    "tpu.region"() ({
      %run_scoped3A = tpu.sem_alloc : memref<!tpu.dma_semaphore, #tpu.memory_space<semaphore_mem>>
      %dma_start3A = arith.constant 0 : i32
      %dma_start3A_36 = tpu.memref_slice %arg6[%add3A_1, %dma_start3A] : memref<10240x128xf32, #tpu.memory_space<vmem_shared>> -> memref<128x128xf32, #tpu.memory_space<vmem_shared>>
      %dma_start3A_37 = arith.constant 0 : i32
      %dma_start3A_38 = tpu.memref_slice %arg6[%add3A_1, %dma_start3A_37] : memref<10240x128xf32, #tpu.memory_space<vmem_shared>> -> memref<128x128xf32, #tpu.memory_space<vmem_shared>>
      tpu.enqueue_dma source(%arg9 : memref<128x128xf32, #tpu.memory_space<vmem>>) target(%dma_start3A_38 : memref<128x128xf32, #tpu.memory_space<vmem_shared>>) target_semaphore(%run_scoped3A : memref<!tpu.dma_semaphore, #tpu.memory_space<semaphore_mem>>)
      %dma_wait3A = arith.constant 0 : i32
      %dma_wait3A_39 = tpu.memref_slice %arg6[%add3A_1, %dma_wait3A] : memref<10240x128xf32, #tpu.memory_space<vmem_shared>> -> memref<128x128xf32, #tpu.memory_space<vmem_shared>>
      %dma_wait3A_40 = arith.constant 0 : i32
      %dma_wait3A_41 = tpu.memref_slice %arg6[%add3A_1, %dma_wait3A_40] : memref<10240x128xf32, #tpu.memory_space<vmem_shared>> -> memref<128x128xf32, #tpu.memory_space<vmem_shared>>
      tpu.wait_dma2 semaphore(%run_scoped3A : memref<!tpu.dma_semaphore, #tpu.memory_space<semaphore_mem>>) src(%arg9 : memref<128x128xf32, #tpu.memory_space<vmem>>) dst(%dma_wait3A_41 : memref<128x128xf32, #tpu.memory_space<vmem_shared>>)
      tpu.yield
    }) : () -> ()
    %add3A_2 = arith.constant 128 : i32
    %add3A_3 = arith.addi %mul3A_0, %add3A_2 : i32
    "tpu.region"() ({
      %run_scoped3A = tpu.sem_alloc : memref<!tpu.dma_semaphore, #tpu.memory_space<semaphore_mem>>
      %dma_start3A = arith.constant 0 : i32
      %dma_start3A_36 = tpu.memref_slice %arg6[%add3A_3, %dma_start3A] : memref<10240x128xf32, #tpu.memory_space<vmem_shared>> -> memref<128x128xf32, #tpu.memory_space<vmem_shared>>
      %dma_start3A_37 = arith.constant 0 : i32
      %dma_start3A_38 = tpu.memref_slice %arg6[%add3A_3, %dma_start3A_37] : memref<10240x128xf32, #tpu.memory_space<vmem_shared>> -> memref<128x128xf32, #tpu.memory_space<vmem_shared>>
      tpu.enqueue_dma source(%arg9 : memref<128x128xf32, #tpu.memory_space<vmem>>) target(%dma_start3A_38 : memref<128x128xf32, #tpu.memory_space<vmem_shared>>) target_semaphore(%run_scoped3A : memref<!tpu.dma_semaphore, #tpu.memory_space<semaphore_mem>>)
      %dma_wait3A = arith.constant 0 : i32
      %dma_wait3A_39 = tpu.memref_slice %arg6[%add3A_3, %dma_wait3A] : memref<10240x128xf32, #tpu.memory_space<vmem_shared>> -> memref<128x128xf32, #tpu.memory_space<vmem_shared>>
      %dma_wait3A_40 = arith.constant 0 : i32
      %dma_wait3A_41 = tpu.memref_slice %arg6[%add3A_3, %dma_wait3A_40] : memref<10240x128xf32, #tpu.memory_space<vmem_shared>> -> memref<128x128xf32, #tpu.memory_space<vmem_shared>>
      tpu.wait_dma2 semaphore(%run_scoped3A : memref<!tpu.dma_semaphore, #tpu.memory_space<semaphore_mem>>) src(%arg9 : memref<128x128xf32, #tpu.memory_space<vmem>>) dst(%dma_wait3A_41 : memref<128x128xf32, #tpu.memory_space<vmem_shared>>)
      tpu.yield
    }) : () -> ()
    %add3A_4 = arith.constant 256 : i32
    %add3A_5 = arith.addi %mul3A_0, %add3A_4 : i32
    "tpu.region"() ({
      %run_scoped3A = tpu.sem_alloc : memref<!tpu.dma_semaphore, #tpu.memory_space<semaphore_mem>>
      %dma_start3A = arith.constant 0 : i32
      %dma_start3A_36 = tpu.memref_slice %arg6[%add3A_5, %dma_start3A] : memref<10240x128xf32, #tpu.memory_space<vmem_shared>> -> memref<128x128xf32, #tpu.memory_space<vmem_shared>>
      %dma_start3A_37 = arith.constant 0 : i32
      %dma_start3A_38 = tpu.memref_slice %arg6[%add3A_5, %dma_start3A_37] : memref<10240x128xf32, #tpu.memory_space<vmem_shared>> -> memref<128x128xf32, #tpu.memory_space<vmem_shared>>
      tpu.enqueue_dma source(%arg9 : memref<128x128xf32, #tpu.memory_space<vmem>>) target(%dma_start3A_38 : memref<128x128xf32, #tpu.memory_space<vmem_shared>>) target_semaphore(%run_scoped3A : memref<!tpu.dma_semaphore, #tpu.memory_space<semaphore_mem>>)
      %dma_wait3A = arith.constant 0 : i32
      %dma_wait3A_39 = tpu.memref_slice %arg6[%add3A_5, %dma_wait3A] : memref<10240x128xf32, #tpu.memory_space<vmem_shared>> -> memref<128x128xf32, #tpu.memory_space<vmem_shared>>
      %dma_wait3A_40 = arith.constant 0 : i32
      %dma_wait3A_41 = tpu.memref_slice %arg6[%add3A_5, %dma_wait3A_40] : memref<10240x128xf32, #tpu.memory_space<vmem_shared>> -> memref<128x128xf32, #tpu.memory_space<vmem_shared>>
      tpu.wait_dma2 semaphore(%run_scoped3A : memref<!tpu.dma_semaphore, #tpu.memory_space<semaphore_mem>>) src(%arg9 : memref<128x128xf32, #tpu.memory_space<vmem>>) dst(%dma_wait3A_41 : memref<128x128xf32, #tpu.memory_space<vmem_shared>>)
      tpu.yield
    }) : () -> ()
    %add3A_6 = arith.constant 384 : i32
    %add3A_7 = arith.addi %mul3A_0, %add3A_6 : i32
    "tpu.region"() ({
      %run_scoped3A = tpu.sem_alloc : memref<!tpu.dma_semaphore, #tpu.memory_space<semaphore_mem>>
      %dma_start3A = arith.constant 0 : i32
      %dma_start3A_36 = tpu.memref_slice %arg6[%add3A_7, %dma_start3A] : memref<10240x128xf32, #tpu.memory_space<vmem_shared>> -> memref<128x128xf32, #tpu.memory_space<vmem_shared>>
      %dma_start3A_37 = arith.constant 0 : i32
      %dma_start3A_38 = tpu.memref_slice %arg6[%add3A_7, %dma_start3A_37] : memref<10240x128xf32, #tpu.memory_space<vmem_shared>> -> memref<128x128xf32, #tpu.memory_space<vmem_shared>>
      tpu.enqueue_dma source(%arg9 : memref<128x128xf32, #tpu.memory_space<vmem>>) target(%dma_start3A_38 : memref<128x128xf32, #tpu.memory_space<vmem_shared>>) target_semaphore(%run_scoped3A : memref<!tpu.dma_semaphore, #tpu.memory_space<semaphore_mem>>)
      %dma_wait3A = arith.constant 0 : i32
      %dma_wait3A_39 = tpu.memref_slice %arg6[%add3A_7, %dma_wait3A] : memref<10240x128xf32, #tpu.memory_space<vmem_shared>> -> memref<128x128xf32, #tpu.memory_space<vmem_shared>>
      %dma_wait3A_40 = arith.constant 0 : i32
      %dma_wait3A_41 = tpu.memref_slice %arg6[%add3A_7, %dma_wait3A_40] : memref<10240x128xf32, #tpu.memory_space<vmem_shared>> -> memref<128x128xf32, #tpu.memory_space<vmem_shared>>
      tpu.wait_dma2 semaphore(%run_scoped3A : memref<!tpu.dma_semaphore, #tpu.memory_space<semaphore_mem>>) src(%arg9 : memref<128x128xf32, #tpu.memory_space<vmem>>) dst(%dma_wait3A_41 : memref<128x128xf32, #tpu.memory_space<vmem_shared>>)
      tpu.yield
    }) : () -> ()
    %add3A_8 = arith.constant 512 : i32
    %add3A_9 = arith.addi %mul3A_0, %add3A_8 : i32
    "tpu.region"() ({
      %run_scoped3A = tpu.sem_alloc : memref<!tpu.dma_semaphore, #tpu.memory_space<semaphore_mem>>
      %dma_start3A = arith.constant 0 : i32
      %dma_start3A_36 = tpu.memref_slice %arg6[%add3A_9, %dma_start3A] : memref<10240x128xf32, #tpu.memory_space<vmem_shared>> -> memref<128x128xf32, #tpu.memory_space<vmem_shared>>
      %dma_start3A_37 = arith.constant 0 : i32
      %dma_start3A_38 = tpu.memref_slice %arg6[%add3A_9, %dma_start3A_37] : memref<10240x128xf32, #tpu.memory_space<vmem_shared>> -> memref<128x128xf32, #tpu.memory_space<vmem_shared>>
      tpu.enqueue_dma source(%arg9 : memref<128x128xf32, #tpu.memory_space<vmem>>) target(%dma_start3A_38 : memref<128x128xf32, #tpu.memory_space<vmem_shared>>) target_semaphore(%run_scoped3A : memref<!tpu.dma_semaphore, #tpu.memory_space<semaphore_mem>>)
      %dma_wait3A = arith.constant 0 : i32
      %dma_wait3A_39 = tpu.memref_slice %arg6[%add3A_9, %dma_wait3A] : memref<10240x128xf32, #tpu.memory_space<vmem_shared>> -> memref<128x128xf32, #tpu.memory_space<vmem_shared>>
      %dma_wait3A_40 = arith.constant 0 : i32
      %dma_wait3A_41 = tpu.memref_slice %arg6[%add3A_9, %dma_wait3A_40] : memref<10240x128xf32, #tpu.memory_space<vmem_shared>> -> memref<128x128xf32, #tpu.memory_space<vmem_shared>>
      tpu.wait_dma2 semaphore(%run_scoped3A : memref<!tpu.dma_semaphore, #tpu.memory_space<semaphore_mem>>) src(%arg9 : memref<128x128xf32, #tpu.memory_space<vmem>>) dst(%dma_wait3A_41 : memref<128x128xf32, #tpu.memory_space<vmem_shared>>)
      tpu.yield
    }) : () -> ()
    %barrier3A = arith.constant 0 : index
    tpu.barrier barrier_id(%barrier3A)
    "tpu.region"() ({
      %run_scoped3A = tpu.sem_alloc : memref<!tpu.dma_semaphore, #tpu.memory_space<semaphore_mem>>
      tpu.enqueue_dma source(%arg3 : memref<128x128xf32, #tpu.memory_space<hbm>>) target(%arg8 : memref<128x128xf32, #tpu.memory_space<vmem>>) target_semaphore(%run_scoped3A : memref<!tpu.dma_semaphore, #tpu.memory_space<semaphore_mem>>)
      tpu.wait_dma2 semaphore(%run_scoped3A : memref<!tpu.dma_semaphore, #tpu.memory_space<semaphore_mem>>) src(%arg3 : memref<128x128xf32, #tpu.memory_space<hbm>>) dst(%arg8 : memref<128x128xf32, #tpu.memory_space<vmem>>)
      tpu.yield
    }) : () -> ()
    "tpu.region"() ({
      %run_scoped3A = tpu.sem_alloc : memref<!tpu.dma_semaphore, #tpu.memory_space<semaphore_mem>>
      %dma_start3A = arith.constant 0 : i32
      %dma_start3A_36 = arith.constant 0 : i32
      %dma_start3A_37 = tpu.memref_slice %arg2[%arg0, %arg1, %dma_start3A, %dma_start3A_36] : memref<2x16x80x128xi32, #tpu.memory_space<hbm>> -> memref<1x1x80x128xi32, #tpu.memory_space<hbm>>
      %dma_start3A_38 = tpu.memref_squeeze %dma_start3A_37 : memref<1x1x80x128xi32, #tpu.memory_space<hbm>> -> memref<80x128xi32, #tpu.memory_space<hbm>>
      %dma_start3A_39 = arith.constant 0 : i32
      %dma_start3A_40 = arith.constant 0 : i32
      %dma_start3A_41 = tpu.memref_slice %arg2[%arg0, %arg1, %dma_start3A_39, %dma_start3A_40] : memref<2x16x80x128xi32, #tpu.memory_space<hbm>> -> memref<1x1x80x128xi32, #tpu.memory_space<hbm>>
      %dma_start3A_42 = tpu.memref_squeeze %dma_start3A_41 : memref<1x1x80x128xi32, #tpu.memory_space<hbm>> -> memref<80x128xi32, #tpu.memory_space<hbm>>
      tpu.enqueue_dma source(%dma_start3A_42 : memref<80x128xi32, #tpu.memory_space<hbm>>) target(%arg7 : memref<80x128xi32, #tpu.memory_space<vmem>>) target_semaphore(%run_scoped3A : memref<!tpu.dma_semaphore, #tpu.memory_space<semaphore_mem>>)
      %dma_wait3A = arith.constant 0 : i32
      %dma_wait3A_43 = arith.constant 0 : i32
      %dma_wait3A_44 = tpu.memref_slice %arg2[%arg0, %arg1, %dma_wait3A, %dma_wait3A_43] : memref<2x16x80x128xi32, #tpu.memory_space<hbm>> -> memref<1x1x80x128xi32, #tpu.memory_space<hbm>>
      %dma_wait3A_45 = tpu.memref_squeeze %dma_wait3A_44 : memref<1x1x80x128xi32, #tpu.memory_space<hbm>> -> memref<80x128xi32, #tpu.memory_space<hbm>>
      %dma_wait3A_46 = arith.constant 0 : i32
      %dma_wait3A_47 = arith.constant 0 : i32
      %dma_wait3A_48 = tpu.memref_slice %arg2[%arg0, %arg1, %dma_wait3A_46, %dma_wait3A_47] : memref<2x16x80x128xi32, #tpu.memory_space<hbm>> -> memref<1x1x80x128xi32, #tpu.memory_space<hbm>>
      %dma_wait3A_49 = tpu.memref_squeeze %dma_wait3A_48 : memref<1x1x80x128xi32, #tpu.memory_space<hbm>> -> memref<80x128xi32, #tpu.memory_space<hbm>>
      tpu.wait_dma2 semaphore(%run_scoped3A : memref<!tpu.dma_semaphore, #tpu.memory_space<semaphore_mem>>) src(%dma_wait3A_49 : memref<80x128xi32, #tpu.memory_space<hbm>>) dst(%arg7 : memref<80x128xi32, #tpu.memory_space<vmem>>)
      tpu.yield
    }) : () -> ()
    %scan3A = arith.constant 0 : i32
    %scan3A_10 = arith.constant 0 : i32
    %scan3A_11 = arith.constant 80 : i32
    %scan3A_12 = arith.addi %scan3A_10, %scan3A_11 : i32
    %scan3A_13 = arith.constant 1 : i32
    scf.for %scan3A_36 = %scan3A_10 to %scan3A_12 step %scan3A_13  : i32 {
      "tpu.region"() ({
        %run_scoped3A = tpu.sem_alloc : memref<!tpu.dma_semaphore, #tpu.memory_space<semaphore_mem>>
        %dma_start3A = arith.constant 0 : i32
        %dma_start3A_37 = tpu.memref_slice %arg7[%scan3A_36, %dma_start3A] : memref<80x128xi32, #tpu.memory_space<vmem>> -> memref<1x128xi32, #tpu.memory_space<vmem>>
        %dma_start3A_38 = tpu.memref_squeeze %dma_start3A_37 : memref<1x128xi32, #tpu.memory_space<vmem>> -> memref<128xi32, #tpu.memory_space<vmem>>
        %dma_start3A_39 = arith.constant 0 : i32
        %dma_start3A_40 = arith.constant 0 : i32
        %dma_start3A_41 = tpu.memref_slice %arg6[%dma_start3A_39, %dma_start3A_40] : memref<10240x128xf32, #tpu.memory_space<vmem_shared>> -> memref<10240x128xf32, #tpu.memory_space<vmem_shared>>
        tpu.enqueue_indirect_dma source(%arg8 : memref<128x128xf32, #tpu.memory_space<vmem>>) target(%dma_start3A_41 : memref<10240x128xf32, #tpu.memory_space<vmem_shared>>) offsets(%dma_start3A_38 : memref<128xi32, #tpu.memory_space<vmem>>) semaphore(%run_scoped3A : memref<!tpu.dma_semaphore, #tpu.memory_space<semaphore_mem>>) {add = true}
        %dma_wait3A = arith.constant 0 : i32
        %dma_wait3A_42 = tpu.memref_slice %arg7[%scan3A_36, %dma_wait3A] : memref<80x128xi32, #tpu.memory_space<vmem>> -> memref<1x128xi32, #tpu.memory_space<vmem>>
        %dma_wait3A_43 = tpu.memref_squeeze %dma_wait3A_42 : memref<1x128xi32, #tpu.memory_space<vmem>> -> memref<128xi32, #tpu.memory_space<vmem>>
        %dma_wait3A_44 = arith.constant 0 : i32
        %dma_wait3A_45 = arith.constant 0 : i32
        %dma_wait3A_46 = tpu.memref_slice %arg6[%dma_wait3A_44, %dma_wait3A_45] : memref<10240x128xf32, #tpu.memory_space<vmem_shared>> -> memref<10240x128xf32, #tpu.memory_space<vmem_shared>>
        tpu.wait_indirect_dma semaphore(%run_scoped3A : memref<!tpu.dma_semaphore, #tpu.memory_space<semaphore_mem>>) src(%arg8 : memref<128x128xf32, #tpu.memory_space<vmem>>) dst(%dma_wait3A_46 : memref<10240x128xf32, #tpu.memory_space<vmem_shared>>)
        tpu.yield
      }) : () -> ()
    }
    %scan3A_14 = arith.constant 80 : i32
    %barrier3A_15 = arith.constant 0 : index
    tpu.barrier barrier_id(%barrier3A_15)
    %add3A_16 = arith.constant 0 : i32
    %add3A_17 = arith.addi %mul3A_0, %add3A_16 : i32
    %add3A_18 = arith.constant 0 : i32
    %add3A_19 = arith.addi %mul3A_0, %add3A_18 : i32
    "tpu.region"() ({
      %run_scoped3A = tpu.sem_alloc : memref<!tpu.dma_semaphore, #tpu.memory_space<semaphore_mem>>
      %dma_start3A = arith.constant 0 : i32
      %dma_start3A_36 = tpu.memref_slice %arg5[%arg0, %add3A_19, %dma_start3A] : memref<2x10240x128xf32, #tpu.memory_space<hbm>> -> memref<1x128x128xf32, #tpu.memory_space<hbm>>
      %dma_start3A_37 = tpu.memref_squeeze %dma_start3A_36 : memref<1x128x128xf32, #tpu.memory_space<hbm>> -> memref<128x128xf32, #tpu.memory_space<hbm>>
      %dma_start3A_38 = arith.constant 0 : i32
      %dma_start3A_39 = tpu.memref_slice %arg6[%add3A_17, %dma_start3A_38] : memref<10240x128xf32, #tpu.memory_space<vmem_shared>> -> memref<128x128xf32, #tpu.memory_space<vmem_shared>>
      tpu.enqueue_dma source(%dma_start3A_39 : memref<128x128xf32, #tpu.memory_space<vmem_shared>>) target(%dma_start3A_37 : memref<128x128xf32, #tpu.memory_space<hbm>>) target_semaphore(%run_scoped3A : memref<!tpu.dma_semaphore, #tpu.memory_space<semaphore_mem>>)
      %dma_wait3A = arith.constant 0 : i32
      %dma_wait3A_40 = tpu.memref_slice %arg5[%arg0, %add3A_19, %dma_wait3A] : memref<2x10240x128xf32, #tpu.memory_space<hbm>> -> memref<1x128x128xf32, #tpu.memory_space<hbm>>
      %dma_wait3A_41 = tpu.memref_squeeze %dma_wait3A_40 : memref<1x128x128xf32, #tpu.memory_space<hbm>> -> memref<128x128xf32, #tpu.memory_space<hbm>>
      %dma_wait3A_42 = arith.constant 0 : i32
      %dma_wait3A_43 = tpu.memref_slice %arg6[%add3A_17, %dma_wait3A_42] : memref<10240x128xf32, #tpu.memory_space<vmem_shared>> -> memref<128x128xf32, #tpu.memory_space<vmem_shared>>
      tpu.wait_dma2 semaphore(%run_scoped3A : memref<!tpu.dma_semaphore, #tpu.memory_space<semaphore_mem>>) src(%dma_wait3A_43 : memref<128x128xf32, #tpu.memory_space<vmem_shared>>) dst(%dma_wait3A_41 : memref<128x128xf32, #tpu.memory_space<hbm>>)
      tpu.yield
    }) : () -> ()
    %add3A_20 = arith.constant 128 : i32
    %add3A_21 = arith.addi %mul3A_0, %add3A_20 : i32
    %add3A_22 = arith.constant 128 : i32
    %add3A_23 = arith.addi %mul3A_0, %add3A_22 : i32
    "tpu.region"() ({
      %run_scoped3A = tpu.sem_alloc : memref<!tpu.dma_semaphore, #tpu.memory_space<semaphore_mem>>
      %dma_start3A = arith.constant 0 : i32
      %dma_start3A_36 = tpu.memref_slice %arg5[%arg0, %add3A_23, %dma_start3A] : memref<2x10240x128xf32, #tpu.memory_space<hbm>> -> memref<1x128x128xf32, #tpu.memory_space<hbm>>
      %dma_start3A_37 = tpu.memref_squeeze %dma_start3A_36 : memref<1x128x128xf32, #tpu.memory_space<hbm>> -> memref<128x128xf32, #tpu.memory_space<hbm>>
      %dma_start3A_38 = arith.constant 0 : i32
      %dma_start3A_39 = tpu.memref_slice %arg6[%add3A_21, %dma_start3A_38] : memref<10240x128xf32, #tpu.memory_space<vmem_shared>> -> memref<128x128xf32, #tpu.memory_space<vmem_shared>>
      tpu.enqueue_dma source(%dma_start3A_39 : memref<128x128xf32, #tpu.memory_space<vmem_shared>>) target(%dma_start3A_37 : memref<128x128xf32, #tpu.memory_space<hbm>>) target_semaphore(%run_scoped3A : memref<!tpu.dma_semaphore, #tpu.memory_space<semaphore_mem>>)
      %dma_wait3A = arith.constant 0 : i32
      %dma_wait3A_40 = tpu.memref_slice %arg5[%arg0, %add3A_23, %dma_wait3A] : memref<2x10240x128xf32, #tpu.memory_space<hbm>> -> memref<1x128x128xf32, #tpu.memory_space<hbm>>
      %dma_wait3A_41 = tpu.memref_squeeze %dma_wait3A_40 : memref<1x128x128xf32, #tpu.memory_space<hbm>> -> memref<128x128xf32, #tpu.memory_space<hbm>>
      %dma_wait3A_42 = arith.constant 0 : i32
      %dma_wait3A_43 = tpu.memref_slice %arg6[%add3A_21, %dma_wait3A_42] : memref<10240x128xf32, #tpu.memory_space<vmem_shared>> -> memref<128x128xf32, #tpu.memory_space<vmem_shared>>
      tpu.wait_dma2 semaphore(%run_scoped3A : memref<!tpu.dma_semaphore, #tpu.memory_space<semaphore_mem>>) src(%dma_wait3A_43 : memref<128x128xf32, #tpu.memory_space<vmem_shared>>) dst(%dma_wait3A_41 : memref<128x128xf32, #tpu.memory_space<hbm>>)
      tpu.yield
    }) : () -> ()
    %add3A_24 = arith.constant 256 : i32
    %add3A_25 = arith.addi %mul3A_0, %add3A_24 : i32
    %add3A_26 = arith.constant 256 : i32
    %add3A_27 = arith.addi %mul3A_0, %add3A_26 : i32
    "tpu.region"() ({
      %run_scoped3A = tpu.sem_alloc : memref<!tpu.dma_semaphore, #tpu.memory_space<semaphore_mem>>
      %dma_start3A = arith.constant 0 : i32
      %dma_start3A_36 = tpu.memref_slice %arg5[%arg0, %add3A_27, %dma_start3A] : memref<2x10240x128xf32, #tpu.memory_space<hbm>> -> memref<1x128x128xf32, #tpu.memory_space<hbm>>
      %dma_start3A_37 = tpu.memref_squeeze %dma_start3A_36 : memref<1x128x128xf32, #tpu.memory_space<hbm>> -> memref<128x128xf32, #tpu.memory_space<hbm>>
      %dma_start3A_38 = arith.constant 0 : i32
      %dma_start3A_39 = tpu.memref_slice %arg6[%add3A_25, %dma_start3A_38] : memref<10240x128xf32, #tpu.memory_space<vmem_shared>> -> memref<128x128xf32, #tpu.memory_space<vmem_shared>>
      tpu.enqueue_dma source(%dma_start3A_39 : memref<128x128xf32, #tpu.memory_space<vmem_shared>>) target(%dma_start3A_37 : memref<128x128xf32, #tpu.memory_space<hbm>>) target_semaphore(%run_scoped3A : memref<!tpu.dma_semaphore, #tpu.memory_space<semaphore_mem>>)
      %dma_wait3A = arith.constant 0 : i32
      %dma_wait3A_40 = tpu.memref_slice %arg5[%arg0, %add3A_27, %dma_wait3A] : memref<2x10240x128xf32, #tpu.memory_space<hbm>> -> memref<1x128x128xf32, #tpu.memory_space<hbm>>
      %dma_wait3A_41 = tpu.memref_squeeze %dma_wait3A_40 : memref<1x128x128xf32, #tpu.memory_space<hbm>> -> memref<128x128xf32, #tpu.memory_space<hbm>>
      %dma_wait3A_42 = arith.constant 0 : i32
      %dma_wait3A_43 = tpu.memref_slice %arg6[%add3A_25, %dma_wait3A_42] : memref<10240x128xf32, #tpu.memory_space<vmem_shared>> -> memref<128x128xf32, #tpu.memory_space<vmem_shared>>
      tpu.wait_dma2 semaphore(%run_scoped3A : memref<!tpu.dma_semaphore, #tpu.memory_space<semaphore_mem>>) src(%dma_wait3A_43 : memref<128x128xf32, #tpu.memory_space<vmem_shared>>) dst(%dma_wait3A_41 : memref<128x128xf32, #tpu.memory_space<hbm>>)
      tpu.yield
    }) : () -> ()
    %add3A_28 = arith.constant 384 : i32
    %add3A_29 = arith.addi %mul3A_0, %add3A_28 : i32
    %add3A_30 = arith.constant 384 : i32
    %add3A_31 = arith.addi %mul3A_0, %add3A_30 : i32
    "tpu.region"() ({
      %run_scoped3A = tpu.sem_alloc : memref<!tpu.dma_semaphore, #tpu.memory_space<semaphore_mem>>
      %dma_start3A = arith.constant 0 : i32
      %dma_start3A_36 = tpu.memref_slice %arg5[%arg0, %add3A_31, %dma_start3A] : memref<2x10240x128xf32, #tpu.memory_space<hbm>> -> memref<1x128x128xf32, #tpu.memory_space<hbm>>
      %dma_start3A_37 = tpu.memref_squeeze %dma_start3A_36 : memref<1x128x128xf32, #tpu.memory_space<hbm>> -> memref<128x128xf32, #tpu.memory_space<hbm>>
      %dma_start3A_38 = arith.constant 0 : i32
      %dma_start3A_39 = tpu.memref_slice %arg6[%add3A_29, %dma_start3A_38] : memref<10240x128xf32, #tpu.memory_space<vmem_shared>> -> memref<128x128xf32, #tpu.memory_space<vmem_shared>>
      tpu.enqueue_dma source(%dma_start3A_39 : memref<128x128xf32, #tpu.memory_space<vmem_shared>>) target(%dma_start3A_37 : memref<128x128xf32, #tpu.memory_space<hbm>>) target_semaphore(%run_scoped3A : memref<!tpu.dma_semaphore, #tpu.memory_space<semaphore_mem>>)
      %dma_wait3A = arith.constant 0 : i32
      %dma_wait3A_40 = tpu.memref_slice %arg5[%arg0, %add3A_31, %dma_wait3A] : memref<2x10240x128xf32, #tpu.memory_space<hbm>> -> memref<1x128x128xf32, #tpu.memory_space<hbm>>
      %dma_wait3A_41 = tpu.memref_squeeze %dma_wait3A_40 : memref<1x128x128xf32, #tpu.memory_space<hbm>> -> memref<128x128xf32, #tpu.memory_space<hbm>>
      %dma_wait3A_42 = arith.constant 0 : i32
      %dma_wait3A_43 = tpu.memref_slice %arg6[%add3A_29, %dma_wait3A_42] : memref<10240x128xf32, #tpu.memory_space<vmem_shared>> -> memref<128x128xf32, #tpu.memory_space<vmem_shared>>
      tpu.wait_dma2 semaphore(%run_scoped3A : memref<!tpu.dma_semaphore, #tpu.memory_space<semaphore_mem>>) src(%dma_wait3A_43 : memref<128x128xf32, #tpu.memory_space<vmem_shared>>) dst(%dma_wait3A_41 : memref<128x128xf32, #tpu.memory_space<hbm>>)
      tpu.yield
    }) : () -> ()
    %add3A_32 = arith.constant 512 : i32
    %add3A_33 = arith.addi %mul3A_0, %add3A_32 : i32
    %add3A_34 = arith.constant 512 : i32
    %add3A_35 = arith.addi %mul3A_0, %add3A_34 : i32
    "tpu.region"() ({
      %run_scoped3A = tpu.sem_alloc : memref<!tpu.dma_semaphore, #tpu.memory_space<semaphore_mem>>
      %dma_start3A = arith.constant 0 : i32
      %dma_start3A_36 = tpu.memref_slice %arg5[%arg0, %add3A_35, %dma_start3A] : memref<2x10240x128xf32, #tpu.memory_space<hbm>> -> memref<1x128x128xf32, #tpu.memory_space<hbm>>
      %dma_start3A_37 = tpu.memref_squeeze %dma_start3A_36 : memref<1x128x128xf32, #tpu.memory_space<hbm>> -> memref<128x128xf32, #tpu.memory_space<hbm>>
      %dma_start3A_38 = arith.constant 0 : i32
      %dma_start3A_39 = tpu.memref_slice %arg6[%add3A_33, %dma_start3A_38] : memref<10240x128xf32, #tpu.memory_space<vmem_shared>> -> memref<128x128xf32, #tpu.memory_space<vmem_shared>>
      tpu.enqueue_dma source(%dma_start3A_39 : memref<128x128xf32, #tpu.memory_space<vmem_shared>>) target(%dma_start3A_37 : memref<128x128xf32, #tpu.memory_space<hbm>>) target_semaphore(%run_scoped3A : memref<!tpu.dma_semaphore, #tpu.memory_space<semaphore_mem>>)
      %dma_wait3A = arith.constant 0 : i32
      %dma_wait3A_40 = tpu.memref_slice %arg5[%arg0, %add3A_35, %dma_wait3A] : memref<2x10240x128xf32, #tpu.memory_space<hbm>> -> memref<1x128x128xf32, #tpu.memory_space<hbm>>
      %dma_wait3A_41 = tpu.memref_squeeze %dma_wait3A_40 : memref<1x128x128xf32, #tpu.memory_space<hbm>> -> memref<128x128xf32, #tpu.memory_space<hbm>>
      %dma_wait3A_42 = arith.constant 0 : i32
      %dma_wait3A_43 = tpu.memref_slice %arg6[%add3A_33, %dma_wait3A_42] : memref<10240x128xf32, #tpu.memory_space<vmem_shared>> -> memref<128x128xf32, #tpu.memory_space<vmem_shared>>
      tpu.wait_dma2 semaphore(%run_scoped3A : memref<!tpu.dma_semaphore, #tpu.memory_space<semaphore_mem>>) src(%dma_wait3A_43 : memref<128x128xf32, #tpu.memory_space<vmem_shared>>) dst(%dma_wait3A_41 : memref<128x128xf32, #tpu.memory_space<hbm>>)
      tpu.yield
    }) : () -> ()
    return
  }
}

#map = affine_map<(d0, d1) -> (0, 0)>
#map1 = affine_map<(d0, d1) -> (0, 0, 0, 0)>
#map2 = affine_map<(d0, d1) -> (0, 0, 0)>
module attributes {stable_mosaic.version = 14 : i64} {
  func.func @_agg_kernel(%arg0: i32, %arg1: i32, %arg2: memref<10000x128xf32, #tpu.memory_space<hbm>>, %arg3: memref<2x16x80x128xi32, #tpu.memory_space<hbm>>, %arg4: memref<2x16x80x128xi32, #tpu.memory_space<hbm>>, %arg5: memref<128x128xf32, #tpu.memory_space<hbm>>, %arg6: memref<2x10240x128xf32, #tpu.memory_space<hbm>>, %arg7: memref<10240x128xf32, #tpu.memory_space<vmem_shared>>, %arg8: memref<40x128xi32, #tpu.memory_space<vmem>>, %arg9: memref<40x128xi32, #tpu.memory_space<vmem>>, %arg10: memref<128x128xf32, #tpu.memory_space<vmem>>, %arg11: memref<128x128xf32, #tpu.memory_space<vmem>>, %arg12: memref<!tpu.dma_semaphore, #tpu.memory_space<semaphore_mem>>, %arg13: memref<!tpu.dma_semaphore, #tpu.memory_space<semaphore_mem>>) attributes {dimension_semantics = [#tpu.dimension_semantics<core_parallel>, #tpu.dimension_semantics<subcore_parallel>], iteration_bounds = array<i64: 2, 16>, scalar_prefetch = 0 : i64, scratch_operands = 7 : i64, tpu.core_type = #tpu.core_type<sc_vector_subcore>, window_params = [{transform_indices = #map}, {transform_indices = #map1}, {transform_indices = #map1}, {transform_indices = #map}, {transform_indices = #map2}]} {
    %mul3A = arith.constant 640 : i32
    %mul3A_0 = arith.muli %arg1, %mul3A : i32
    "tpu.region"() ({
      %run_scoped3A = tpu.sem_alloc : memref<!tpu.dma_semaphore, #tpu.memory_space<semaphore_mem>>
      tpu.enqueue_dma source(%arg5 : memref<128x128xf32, #tpu.memory_space<hbm>>) target(%arg10 : memref<128x128xf32, #tpu.memory_space<vmem>>) target_semaphore(%run_scoped3A : memref<!tpu.dma_semaphore, #tpu.memory_space<semaphore_mem>>)
      tpu.wait_dma2 semaphore(%run_scoped3A : memref<!tpu.dma_semaphore, #tpu.memory_space<semaphore_mem>>) src(%arg5 : memref<128x128xf32, #tpu.memory_space<hbm>>) dst(%arg10 : memref<128x128xf32, #tpu.memory_space<vmem>>)
      tpu.yield
    }) : () -> ()
    %add3A = arith.constant 0 : i32
    %add3A_1 = arith.addi %mul3A_0, %add3A : i32
    "tpu.region"() ({
      %run_scoped3A = tpu.sem_alloc : memref<!tpu.dma_semaphore, #tpu.memory_space<semaphore_mem>>
      %dma_start3A_55 = arith.constant 0 : i32
      %dma_start3A_56 = tpu.memref_slice %arg7[%add3A_1, %dma_start3A_55] : memref<10240x128xf32, #tpu.memory_space<vmem_shared>> -> memref<128x128xf32, #tpu.memory_space<vmem_shared>>
      %dma_start3A_57 = arith.constant 0 : i32
      %dma_start3A_58 = tpu.memref_slice %arg7[%add3A_1, %dma_start3A_57] : memref<10240x128xf32, #tpu.memory_space<vmem_shared>> -> memref<128x128xf32, #tpu.memory_space<vmem_shared>>
      tpu.enqueue_dma source(%arg10 : memref<128x128xf32, #tpu.memory_space<vmem>>) target(%dma_start3A_58 : memref<128x128xf32, #tpu.memory_space<vmem_shared>>) target_semaphore(%run_scoped3A : memref<!tpu.dma_semaphore, #tpu.memory_space<semaphore_mem>>)
      %dma_wait3A = arith.constant 0 : i32
      %dma_wait3A_59 = tpu.memref_slice %arg7[%add3A_1, %dma_wait3A] : memref<10240x128xf32, #tpu.memory_space<vmem_shared>> -> memref<128x128xf32, #tpu.memory_space<vmem_shared>>
      %dma_wait3A_60 = arith.constant 0 : i32
      %dma_wait3A_61 = tpu.memref_slice %arg7[%add3A_1, %dma_wait3A_60] : memref<10240x128xf32, #tpu.memory_space<vmem_shared>> -> memref<128x128xf32, #tpu.memory_space<vmem_shared>>
      tpu.wait_dma2 semaphore(%run_scoped3A : memref<!tpu.dma_semaphore, #tpu.memory_space<semaphore_mem>>) src(%arg10 : memref<128x128xf32, #tpu.memory_space<vmem>>) dst(%dma_wait3A_61 : memref<128x128xf32, #tpu.memory_space<vmem_shared>>)
      tpu.yield
    }) : () -> ()
    %add3A_2 = arith.constant 128 : i32
    %add3A_3 = arith.addi %mul3A_0, %add3A_2 : i32
    "tpu.region"() ({
      %run_scoped3A = tpu.sem_alloc : memref<!tpu.dma_semaphore, #tpu.memory_space<semaphore_mem>>
      %dma_start3A_55 = arith.constant 0 : i32
      %dma_start3A_56 = tpu.memref_slice %arg7[%add3A_3, %dma_start3A_55] : memref<10240x128xf32, #tpu.memory_space<vmem_shared>> -> memref<128x128xf32, #tpu.memory_space<vmem_shared>>
      %dma_start3A_57 = arith.constant 0 : i32
      %dma_start3A_58 = tpu.memref_slice %arg7[%add3A_3, %dma_start3A_57] : memref<10240x128xf32, #tpu.memory_space<vmem_shared>> -> memref<128x128xf32, #tpu.memory_space<vmem_shared>>
      tpu.enqueue_dma source(%arg10 : memref<128x128xf32, #tpu.memory_space<vmem>>) target(%dma_start3A_58 : memref<128x128xf32, #tpu.memory_space<vmem_shared>>) target_semaphore(%run_scoped3A : memref<!tpu.dma_semaphore, #tpu.memory_space<semaphore_mem>>)
      %dma_wait3A = arith.constant 0 : i32
      %dma_wait3A_59 = tpu.memref_slice %arg7[%add3A_3, %dma_wait3A] : memref<10240x128xf32, #tpu.memory_space<vmem_shared>> -> memref<128x128xf32, #tpu.memory_space<vmem_shared>>
      %dma_wait3A_60 = arith.constant 0 : i32
      %dma_wait3A_61 = tpu.memref_slice %arg7[%add3A_3, %dma_wait3A_60] : memref<10240x128xf32, #tpu.memory_space<vmem_shared>> -> memref<128x128xf32, #tpu.memory_space<vmem_shared>>
      tpu.wait_dma2 semaphore(%run_scoped3A : memref<!tpu.dma_semaphore, #tpu.memory_space<semaphore_mem>>) src(%arg10 : memref<128x128xf32, #tpu.memory_space<vmem>>) dst(%dma_wait3A_61 : memref<128x128xf32, #tpu.memory_space<vmem_shared>>)
      tpu.yield
    }) : () -> ()
    %add3A_4 = arith.constant 256 : i32
    %add3A_5 = arith.addi %mul3A_0, %add3A_4 : i32
    "tpu.region"() ({
      %run_scoped3A = tpu.sem_alloc : memref<!tpu.dma_semaphore, #tpu.memory_space<semaphore_mem>>
      %dma_start3A_55 = arith.constant 0 : i32
      %dma_start3A_56 = tpu.memref_slice %arg7[%add3A_5, %dma_start3A_55] : memref<10240x128xf32, #tpu.memory_space<vmem_shared>> -> memref<128x128xf32, #tpu.memory_space<vmem_shared>>
      %dma_start3A_57 = arith.constant 0 : i32
      %dma_start3A_58 = tpu.memref_slice %arg7[%add3A_5, %dma_start3A_57] : memref<10240x128xf32, #tpu.memory_space<vmem_shared>> -> memref<128x128xf32, #tpu.memory_space<vmem_shared>>
      tpu.enqueue_dma source(%arg10 : memref<128x128xf32, #tpu.memory_space<vmem>>) target(%dma_start3A_58 : memref<128x128xf32, #tpu.memory_space<vmem_shared>>) target_semaphore(%run_scoped3A : memref<!tpu.dma_semaphore, #tpu.memory_space<semaphore_mem>>)
      %dma_wait3A = arith.constant 0 : i32
      %dma_wait3A_59 = tpu.memref_slice %arg7[%add3A_5, %dma_wait3A] : memref<10240x128xf32, #tpu.memory_space<vmem_shared>> -> memref<128x128xf32, #tpu.memory_space<vmem_shared>>
      %dma_wait3A_60 = arith.constant 0 : i32
      %dma_wait3A_61 = tpu.memref_slice %arg7[%add3A_5, %dma_wait3A_60] : memref<10240x128xf32, #tpu.memory_space<vmem_shared>> -> memref<128x128xf32, #tpu.memory_space<vmem_shared>>
      tpu.wait_dma2 semaphore(%run_scoped3A : memref<!tpu.dma_semaphore, #tpu.memory_space<semaphore_mem>>) src(%arg10 : memref<128x128xf32, #tpu.memory_space<vmem>>) dst(%dma_wait3A_61 : memref<128x128xf32, #tpu.memory_space<vmem_shared>>)
      tpu.yield
    }) : () -> ()
    %add3A_6 = arith.constant 384 : i32
    %add3A_7 = arith.addi %mul3A_0, %add3A_6 : i32
    "tpu.region"() ({
      %run_scoped3A = tpu.sem_alloc : memref<!tpu.dma_semaphore, #tpu.memory_space<semaphore_mem>>
      %dma_start3A_55 = arith.constant 0 : i32
      %dma_start3A_56 = tpu.memref_slice %arg7[%add3A_7, %dma_start3A_55] : memref<10240x128xf32, #tpu.memory_space<vmem_shared>> -> memref<128x128xf32, #tpu.memory_space<vmem_shared>>
      %dma_start3A_57 = arith.constant 0 : i32
      %dma_start3A_58 = tpu.memref_slice %arg7[%add3A_7, %dma_start3A_57] : memref<10240x128xf32, #tpu.memory_space<vmem_shared>> -> memref<128x128xf32, #tpu.memory_space<vmem_shared>>
      tpu.enqueue_dma source(%arg10 : memref<128x128xf32, #tpu.memory_space<vmem>>) target(%dma_start3A_58 : memref<128x128xf32, #tpu.memory_space<vmem_shared>>) target_semaphore(%run_scoped3A : memref<!tpu.dma_semaphore, #tpu.memory_space<semaphore_mem>>)
      %dma_wait3A = arith.constant 0 : i32
      %dma_wait3A_59 = tpu.memref_slice %arg7[%add3A_7, %dma_wait3A] : memref<10240x128xf32, #tpu.memory_space<vmem_shared>> -> memref<128x128xf32, #tpu.memory_space<vmem_shared>>
      %dma_wait3A_60 = arith.constant 0 : i32
      %dma_wait3A_61 = tpu.memref_slice %arg7[%add3A_7, %dma_wait3A_60] : memref<10240x128xf32, #tpu.memory_space<vmem_shared>> -> memref<128x128xf32, #tpu.memory_space<vmem_shared>>
      tpu.wait_dma2 semaphore(%run_scoped3A : memref<!tpu.dma_semaphore, #tpu.memory_space<semaphore_mem>>) src(%arg10 : memref<128x128xf32, #tpu.memory_space<vmem>>) dst(%dma_wait3A_61 : memref<128x128xf32, #tpu.memory_space<vmem_shared>>)
      tpu.yield
    }) : () -> ()
    %add3A_8 = arith.constant 512 : i32
    %add3A_9 = arith.addi %mul3A_0, %add3A_8 : i32
    "tpu.region"() ({
      %run_scoped3A = tpu.sem_alloc : memref<!tpu.dma_semaphore, #tpu.memory_space<semaphore_mem>>
      %dma_start3A_55 = arith.constant 0 : i32
      %dma_start3A_56 = tpu.memref_slice %arg7[%add3A_9, %dma_start3A_55] : memref<10240x128xf32, #tpu.memory_space<vmem_shared>> -> memref<128x128xf32, #tpu.memory_space<vmem_shared>>
      %dma_start3A_57 = arith.constant 0 : i32
      %dma_start3A_58 = tpu.memref_slice %arg7[%add3A_9, %dma_start3A_57] : memref<10240x128xf32, #tpu.memory_space<vmem_shared>> -> memref<128x128xf32, #tpu.memory_space<vmem_shared>>
      tpu.enqueue_dma source(%arg10 : memref<128x128xf32, #tpu.memory_space<vmem>>) target(%dma_start3A_58 : memref<128x128xf32, #tpu.memory_space<vmem_shared>>) target_semaphore(%run_scoped3A : memref<!tpu.dma_semaphore, #tpu.memory_space<semaphore_mem>>)
      %dma_wait3A = arith.constant 0 : i32
      %dma_wait3A_59 = tpu.memref_slice %arg7[%add3A_9, %dma_wait3A] : memref<10240x128xf32, #tpu.memory_space<vmem_shared>> -> memref<128x128xf32, #tpu.memory_space<vmem_shared>>
      %dma_wait3A_60 = arith.constant 0 : i32
      %dma_wait3A_61 = tpu.memref_slice %arg7[%add3A_9, %dma_wait3A_60] : memref<10240x128xf32, #tpu.memory_space<vmem_shared>> -> memref<128x128xf32, #tpu.memory_space<vmem_shared>>
      tpu.wait_dma2 semaphore(%run_scoped3A : memref<!tpu.dma_semaphore, #tpu.memory_space<semaphore_mem>>) src(%arg10 : memref<128x128xf32, #tpu.memory_space<vmem>>) dst(%dma_wait3A_61 : memref<128x128xf32, #tpu.memory_space<vmem_shared>>)
      tpu.yield
    }) : () -> ()
    %barrier3A = arith.constant 0 : index
    tpu.barrier barrier_id(%barrier3A)
    "tpu.region"() ({
      %run_scoped3A = tpu.sem_alloc : memref<!tpu.dma_semaphore, #tpu.memory_space<semaphore_mem>>
      %dma_start3A_55 = arith.constant 0 : i32
      %dma_start3A_56 = arith.constant 0 : i32
      %dma_start3A_57 = tpu.memref_slice %arg3[%arg0, %arg1, %dma_start3A_55, %dma_start3A_56] : memref<2x16x80x128xi32, #tpu.memory_space<hbm>> -> memref<1x1x40x128xi32, #tpu.memory_space<hbm>>
      %dma_start3A_58 = tpu.memref_squeeze %dma_start3A_57 : memref<1x1x40x128xi32, #tpu.memory_space<hbm>> -> memref<40x128xi32, #tpu.memory_space<hbm>>
      %dma_start3A_59 = arith.constant 0 : i32
      %dma_start3A_60 = arith.constant 0 : i32
      %dma_start3A_61 = tpu.memref_slice %arg3[%arg0, %arg1, %dma_start3A_59, %dma_start3A_60] : memref<2x16x80x128xi32, #tpu.memory_space<hbm>> -> memref<1x1x40x128xi32, #tpu.memory_space<hbm>>
      %dma_start3A_62 = tpu.memref_squeeze %dma_start3A_61 : memref<1x1x40x128xi32, #tpu.memory_space<hbm>> -> memref<40x128xi32, #tpu.memory_space<hbm>>
      tpu.enqueue_dma source(%dma_start3A_62 : memref<40x128xi32, #tpu.memory_space<hbm>>) target(%arg8 : memref<40x128xi32, #tpu.memory_space<vmem>>) target_semaphore(%run_scoped3A : memref<!tpu.dma_semaphore, #tpu.memory_space<semaphore_mem>>)
      %dma_wait3A = arith.constant 0 : i32
      %dma_wait3A_63 = arith.constant 0 : i32
      %dma_wait3A_64 = tpu.memref_slice %arg3[%arg0, %arg1, %dma_wait3A, %dma_wait3A_63] : memref<2x16x80x128xi32, #tpu.memory_space<hbm>> -> memref<1x1x40x128xi32, #tpu.memory_space<hbm>>
      %dma_wait3A_65 = tpu.memref_squeeze %dma_wait3A_64 : memref<1x1x40x128xi32, #tpu.memory_space<hbm>> -> memref<40x128xi32, #tpu.memory_space<hbm>>
      %dma_wait3A_66 = arith.constant 0 : i32
      %dma_wait3A_67 = arith.constant 0 : i32
      %dma_wait3A_68 = tpu.memref_slice %arg3[%arg0, %arg1, %dma_wait3A_66, %dma_wait3A_67] : memref<2x16x80x128xi32, #tpu.memory_space<hbm>> -> memref<1x1x40x128xi32, #tpu.memory_space<hbm>>
      %dma_wait3A_69 = tpu.memref_squeeze %dma_wait3A_68 : memref<1x1x40x128xi32, #tpu.memory_space<hbm>> -> memref<40x128xi32, #tpu.memory_space<hbm>>
      tpu.wait_dma2 semaphore(%run_scoped3A : memref<!tpu.dma_semaphore, #tpu.memory_space<semaphore_mem>>) src(%dma_wait3A_69 : memref<40x128xi32, #tpu.memory_space<hbm>>) dst(%arg8 : memref<40x128xi32, #tpu.memory_space<vmem>>)
      tpu.yield
    }) : () -> ()
    "tpu.region"() ({
      %run_scoped3A = tpu.sem_alloc : memref<!tpu.dma_semaphore, #tpu.memory_space<semaphore_mem>>
      %dma_start3A_55 = arith.constant 0 : i32
      %dma_start3A_56 = arith.constant 0 : i32
      %dma_start3A_57 = tpu.memref_slice %arg4[%arg0, %arg1, %dma_start3A_55, %dma_start3A_56] : memref<2x16x80x128xi32, #tpu.memory_space<hbm>> -> memref<1x1x40x128xi32, #tpu.memory_space<hbm>>
      %dma_start3A_58 = tpu.memref_squeeze %dma_start3A_57 : memref<1x1x40x128xi32, #tpu.memory_space<hbm>> -> memref<40x128xi32, #tpu.memory_space<hbm>>
      %dma_start3A_59 = arith.constant 0 : i32
      %dma_start3A_60 = arith.constant 0 : i32
      %dma_start3A_61 = tpu.memref_slice %arg4[%arg0, %arg1, %dma_start3A_59, %dma_start3A_60] : memref<2x16x80x128xi32, #tpu.memory_space<hbm>> -> memref<1x1x40x128xi32, #tpu.memory_space<hbm>>
      %dma_start3A_62 = tpu.memref_squeeze %dma_start3A_61 : memref<1x1x40x128xi32, #tpu.memory_space<hbm>> -> memref<40x128xi32, #tpu.memory_space<hbm>>
      tpu.enqueue_dma source(%dma_start3A_62 : memref<40x128xi32, #tpu.memory_space<hbm>>) target(%arg9 : memref<40x128xi32, #tpu.memory_space<vmem>>) target_semaphore(%run_scoped3A : memref<!tpu.dma_semaphore, #tpu.memory_space<semaphore_mem>>)
      %dma_wait3A = arith.constant 0 : i32
      %dma_wait3A_63 = arith.constant 0 : i32
      %dma_wait3A_64 = tpu.memref_slice %arg4[%arg0, %arg1, %dma_wait3A, %dma_wait3A_63] : memref<2x16x80x128xi32, #tpu.memory_space<hbm>> -> memref<1x1x40x128xi32, #tpu.memory_space<hbm>>
      %dma_wait3A_65 = tpu.memref_squeeze %dma_wait3A_64 : memref<1x1x40x128xi32, #tpu.memory_space<hbm>> -> memref<40x128xi32, #tpu.memory_space<hbm>>
      %dma_wait3A_66 = arith.constant 0 : i32
      %dma_wait3A_67 = arith.constant 0 : i32
      %dma_wait3A_68 = tpu.memref_slice %arg4[%arg0, %arg1, %dma_wait3A_66, %dma_wait3A_67] : memref<2x16x80x128xi32, #tpu.memory_space<hbm>> -> memref<1x1x40x128xi32, #tpu.memory_space<hbm>>
      %dma_wait3A_69 = tpu.memref_squeeze %dma_wait3A_68 : memref<1x1x40x128xi32, #tpu.memory_space<hbm>> -> memref<40x128xi32, #tpu.memory_space<hbm>>
      tpu.wait_dma2 semaphore(%run_scoped3A : memref<!tpu.dma_semaphore, #tpu.memory_space<semaphore_mem>>) src(%dma_wait3A_69 : memref<40x128xi32, #tpu.memory_space<hbm>>) dst(%arg9 : memref<40x128xi32, #tpu.memory_space<vmem>>)
      tpu.yield
    }) : () -> ()
    %dma_start3A = arith.constant 0 : i32
    %dma_start3A_10 = arith.constant 0 : i32
    %dma_start3A_11 = tpu.memref_slice %arg8[%dma_start3A, %dma_start3A_10] : memref<40x128xi32, #tpu.memory_space<vmem>> -> memref<1x128xi32, #tpu.memory_space<vmem>>
    %dma_start3A_12 = tpu.memref_squeeze %dma_start3A_11 : memref<1x128xi32, #tpu.memory_space<vmem>> -> memref<128xi32, #tpu.memory_space<vmem>>
    %dma_start3A_13 = arith.constant 0 : i32
    %dma_start3A_14 = arith.constant 0 : i32
    %dma_start3A_15 = tpu.memref_slice %arg2[%dma_start3A_13, %dma_start3A_14] : memref<10000x128xf32, #tpu.memory_space<hbm>> -> memref<10000x128xf32, #tpu.memory_space<hbm>>
    tpu.enqueue_indirect_dma source(%dma_start3A_15 : memref<10000x128xf32, #tpu.memory_space<hbm>>) target(%arg10 : memref<128x128xf32, #tpu.memory_space<vmem>>) offsets(%dma_start3A_12 : memref<128xi32, #tpu.memory_space<vmem>>) semaphore(%arg12 : memref<!tpu.dma_semaphore, #tpu.memory_space<semaphore_mem>>)
    %scan3A = arith.constant 0 : i32
    %scan3A_16 = arith.constant 0 : i32
    %scan3A_17 = arith.constant 20 : i32
    %scan3A_18 = arith.addi %scan3A_16, %scan3A_17 : i32
    %scan3A_19 = arith.constant 1 : i32
    scf.for %scan3A_55 = %scan3A_16 to %scan3A_18 step %scan3A_19  : i32 {
      %mul3A_56 = arith.constant 2 : i32
      %mul3A_57 = arith.muli %mul3A_56, %scan3A_55 : i32
      %add3A_58 = arith.constant 1 : i32
      %add3A_59 = arith.addi %mul3A_57, %add3A_58 : i32
      %dma_start3A_60 = arith.constant 0 : i32
      %dma_start3A_61 = tpu.memref_slice %arg8[%add3A_59, %dma_start3A_60] : memref<40x128xi32, #tpu.memory_space<vmem>> -> memref<1x128xi32, #tpu.memory_space<vmem>>
      %dma_start3A_62 = tpu.memref_squeeze %dma_start3A_61 : memref<1x128xi32, #tpu.memory_space<vmem>> -> memref<128xi32, #tpu.memory_space<vmem>>
      %dma_start3A_63 = arith.constant 0 : i32
      %dma_start3A_64 = arith.constant 0 : i32
      %dma_start3A_65 = tpu.memref_slice %arg2[%dma_start3A_63, %dma_start3A_64] : memref<10000x128xf32, #tpu.memory_space<hbm>> -> memref<10000x128xf32, #tpu.memory_space<hbm>>
      tpu.enqueue_indirect_dma source(%dma_start3A_65 : memref<10000x128xf32, #tpu.memory_space<hbm>>) target(%arg11 : memref<128x128xf32, #tpu.memory_space<vmem>>) offsets(%dma_start3A_62 : memref<128xi32, #tpu.memory_space<vmem>>) semaphore(%arg13 : memref<!tpu.dma_semaphore, #tpu.memory_space<semaphore_mem>>)
      %dma_wait3A = arith.constant 0 : i32
      %dma_wait3A_66 = tpu.memref_slice %arg8[%mul3A_57, %dma_wait3A] : memref<40x128xi32, #tpu.memory_space<vmem>> -> memref<1x128xi32, #tpu.memory_space<vmem>>
      %dma_wait3A_67 = tpu.memref_squeeze %dma_wait3A_66 : memref<1x128xi32, #tpu.memory_space<vmem>> -> memref<128xi32, #tpu.memory_space<vmem>>
      %dma_wait3A_68 = arith.constant 0 : i32
      %dma_wait3A_69 = arith.constant 0 : i32
      %dma_wait3A_70 = tpu.memref_slice %arg2[%dma_wait3A_68, %dma_wait3A_69] : memref<10000x128xf32, #tpu.memory_space<hbm>> -> memref<10000x128xf32, #tpu.memory_space<hbm>>
      tpu.wait_indirect_dma semaphore(%arg12 : memref<!tpu.dma_semaphore, #tpu.memory_space<semaphore_mem>>) src(%dma_wait3A_70 : memref<10000x128xf32, #tpu.memory_space<hbm>>) dst(%arg10 : memref<128x128xf32, #tpu.memory_space<vmem>>)
      "tpu.region"() ({
        %run_scoped3A = tpu.sem_alloc : memref<!tpu.dma_semaphore, #tpu.memory_space<semaphore_mem>>
        %dma_start3A_83 = arith.constant 0 : i32
        %dma_start3A_84 = tpu.memref_slice %arg9[%mul3A_57, %dma_start3A_83] : memref<40x128xi32, #tpu.memory_space<vmem>> -> memref<1x128xi32, #tpu.memory_space<vmem>>
        %dma_start3A_85 = tpu.memref_squeeze %dma_start3A_84 : memref<1x128xi32, #tpu.memory_space<vmem>> -> memref<128xi32, #tpu.memory_space<vmem>>
        %dma_start3A_86 = arith.constant 0 : i32
        %dma_start3A_87 = arith.constant 0 : i32
        %dma_start3A_88 = tpu.memref_slice %arg7[%dma_start3A_86, %dma_start3A_87] : memref<10240x128xf32, #tpu.memory_space<vmem_shared>> -> memref<10240x128xf32, #tpu.memory_space<vmem_shared>>
        tpu.enqueue_indirect_dma source(%arg10 : memref<128x128xf32, #tpu.memory_space<vmem>>) target(%dma_start3A_88 : memref<10240x128xf32, #tpu.memory_space<vmem_shared>>) offsets(%dma_start3A_85 : memref<128xi32, #tpu.memory_space<vmem>>) semaphore(%run_scoped3A : memref<!tpu.dma_semaphore, #tpu.memory_space<semaphore_mem>>) {add = true}
        %dma_wait3A_89 = arith.constant 0 : i32
        %dma_wait3A_90 = tpu.memref_slice %arg9[%mul3A_57, %dma_wait3A_89] : memref<40x128xi32, #tpu.memory_space<vmem>> -> memref<1x128xi32, #tpu.memory_space<vmem>>
        %dma_wait3A_91 = tpu.memref_squeeze %dma_wait3A_90 : memref<1x128xi32, #tpu.memory_space<vmem>> -> memref<128xi32, #tpu.memory_space<vmem>>
        %dma_wait3A_92 = arith.constant 0 : i32
        %dma_wait3A_93 = arith.constant 0 : i32
        %dma_wait3A_94 = tpu.memref_slice %arg7[%dma_wait3A_92, %dma_wait3A_93] : memref<10240x128xf32, #tpu.memory_space<vmem_shared>> -> memref<10240x128xf32, #tpu.memory_space<vmem_shared>>
        tpu.wait_indirect_dma semaphore(%run_scoped3A : memref<!tpu.dma_semaphore, #tpu.memory_space<semaphore_mem>>) src(%arg10 : memref<128x128xf32, #tpu.memory_space<vmem>>) dst(%dma_wait3A_94 : memref<10240x128xf32, #tpu.memory_space<vmem_shared>>)
        tpu.yield
      }) : () -> ()
      %lt3A = arith.constant 19 : i32
      %lt3A_71 = arith.cmpi slt, %scan3A_55, %lt3A : i32
      %convert_element_type3A = arith.extui %lt3A_71 : i1 to i32
      %cond3A = arith.constant 0 : i32
      %cond3A_72 = arith.cmpi ne, %convert_element_type3A, %cond3A : i32
      scf.if %cond3A_72 {
        %add3A_83 = arith.constant 2 : i32
        %add3A_84 = arith.addi %mul3A_57, %add3A_83 : i32
        %dma_start3A_85 = arith.constant 0 : i32
        %dma_start3A_86 = tpu.memref_slice %arg8[%add3A_84, %dma_start3A_85] : memref<40x128xi32, #tpu.memory_space<vmem>> -> memref<1x128xi32, #tpu.memory_space<vmem>>
        %dma_start3A_87 = tpu.memref_squeeze %dma_start3A_86 : memref<1x128xi32, #tpu.memory_space<vmem>> -> memref<128xi32, #tpu.memory_space<vmem>>
        %dma_start3A_88 = arith.constant 0 : i32
        %dma_start3A_89 = arith.constant 0 : i32
        %dma_start3A_90 = tpu.memref_slice %arg2[%dma_start3A_88, %dma_start3A_89] : memref<10000x128xf32, #tpu.memory_space<hbm>> -> memref<10000x128xf32, #tpu.memory_space<hbm>>
        tpu.enqueue_indirect_dma source(%dma_start3A_90 : memref<10000x128xf32, #tpu.memory_space<hbm>>) target(%arg10 : memref<128x128xf32, #tpu.memory_space<vmem>>) offsets(%dma_start3A_87 : memref<128xi32, #tpu.memory_space<vmem>>) semaphore(%arg12 : memref<!tpu.dma_semaphore, #tpu.memory_space<semaphore_mem>>)
      } else {
      }
      %add3A_73 = arith.constant 1 : i32
      %add3A_74 = arith.addi %mul3A_57, %add3A_73 : i32
      %dma_wait3A_75 = arith.constant 0 : i32
      %dma_wait3A_76 = tpu.memref_slice %arg8[%add3A_74, %dma_wait3A_75] : memref<40x128xi32, #tpu.memory_space<vmem>> -> memref<1x128xi32, #tpu.memory_space<vmem>>
      %dma_wait3A_77 = tpu.memref_squeeze %dma_wait3A_76 : memref<1x128xi32, #tpu.memory_space<vmem>> -> memref<128xi32, #tpu.memory_space<vmem>>
      %dma_wait3A_78 = arith.constant 0 : i32
      %dma_wait3A_79 = arith.constant 0 : i32
      %dma_wait3A_80 = tpu.memref_slice %arg2[%dma_wait3A_78, %dma_wait3A_79] : memref<10000x128xf32, #tpu.memory_space<hbm>> -> memref<10000x128xf32, #tpu.memory_space<hbm>>
      tpu.wait_indirect_dma semaphore(%arg13 : memref<!tpu.dma_semaphore, #tpu.memory_space<semaphore_mem>>) src(%dma_wait3A_80 : memref<10000x128xf32, #tpu.memory_space<hbm>>) dst(%arg11 : memref<128x128xf32, #tpu.memory_space<vmem>>)
      %add3A_81 = arith.constant 1 : i32
      %add3A_82 = arith.addi %mul3A_57, %add3A_81 : i32
      "tpu.region"() ({
        %run_scoped3A = tpu.sem_alloc : memref<!tpu.dma_semaphore, #tpu.memory_space<semaphore_mem>>
        %dma_start3A_83 = arith.constant 0 : i32
        %dma_start3A_84 = tpu.memref_slice %arg9[%add3A_82, %dma_start3A_83] : memref<40x128xi32, #tpu.memory_space<vmem>> -> memref<1x128xi32, #tpu.memory_space<vmem>>
        %dma_start3A_85 = tpu.memref_squeeze %dma_start3A_84 : memref<1x128xi32, #tpu.memory_space<vmem>> -> memref<128xi32, #tpu.memory_space<vmem>>
        %dma_start3A_86 = arith.constant 0 : i32
        %dma_start3A_87 = arith.constant 0 : i32
        %dma_start3A_88 = tpu.memref_slice %arg7[%dma_start3A_86, %dma_start3A_87] : memref<10240x128xf32, #tpu.memory_space<vmem_shared>> -> memref<10240x128xf32, #tpu.memory_space<vmem_shared>>
        tpu.enqueue_indirect_dma source(%arg11 : memref<128x128xf32, #tpu.memory_space<vmem>>) target(%dma_start3A_88 : memref<10240x128xf32, #tpu.memory_space<vmem_shared>>) offsets(%dma_start3A_85 : memref<128xi32, #tpu.memory_space<vmem>>) semaphore(%run_scoped3A : memref<!tpu.dma_semaphore, #tpu.memory_space<semaphore_mem>>) {add = true}
        %dma_wait3A_89 = arith.constant 0 : i32
        %dma_wait3A_90 = tpu.memref_slice %arg9[%add3A_82, %dma_wait3A_89] : memref<40x128xi32, #tpu.memory_space<vmem>> -> memref<1x128xi32, #tpu.memory_space<vmem>>
        %dma_wait3A_91 = tpu.memref_squeeze %dma_wait3A_90 : memref<1x128xi32, #tpu.memory_space<vmem>> -> memref<128xi32, #tpu.memory_space<vmem>>
        %dma_wait3A_92 = arith.constant 0 : i32
        %dma_wait3A_93 = arith.constant 0 : i32
        %dma_wait3A_94 = tpu.memref_slice %arg7[%dma_wait3A_92, %dma_wait3A_93] : memref<10240x128xf32, #tpu.memory_space<vmem_shared>> -> memref<10240x128xf32, #tpu.memory_space<vmem_shared>>
        tpu.wait_indirect_dma semaphore(%run_scoped3A : memref<!tpu.dma_semaphore, #tpu.memory_space<semaphore_mem>>) src(%arg11 : memref<128x128xf32, #tpu.memory_space<vmem>>) dst(%dma_wait3A_94 : memref<10240x128xf32, #tpu.memory_space<vmem_shared>>)
        tpu.yield
      }) : () -> ()
    }
    %scan3A_20 = arith.constant 20 : i32
    "tpu.region"() ({
      %run_scoped3A = tpu.sem_alloc : memref<!tpu.dma_semaphore, #tpu.memory_space<semaphore_mem>>
      %dma_start3A_55 = arith.constant 40 : i32
      %dma_start3A_56 = arith.constant 0 : i32
      %dma_start3A_57 = tpu.memref_slice %arg3[%arg0, %arg1, %dma_start3A_55, %dma_start3A_56] : memref<2x16x80x128xi32, #tpu.memory_space<hbm>> -> memref<1x1x40x128xi32, #tpu.memory_space<hbm>>
      %dma_start3A_58 = tpu.memref_squeeze %dma_start3A_57 : memref<1x1x40x128xi32, #tpu.memory_space<hbm>> -> memref<40x128xi32, #tpu.memory_space<hbm>>
      %dma_start3A_59 = arith.constant 40 : i32
      %dma_start3A_60 = arith.constant 0 : i32
      %dma_start3A_61 = tpu.memref_slice %arg3[%arg0, %arg1, %dma_start3A_59, %dma_start3A_60] : memref<2x16x80x128xi32, #tpu.memory_space<hbm>> -> memref<1x1x40x128xi32, #tpu.memory_space<hbm>>
      %dma_start3A_62 = tpu.memref_squeeze %dma_start3A_61 : memref<1x1x40x128xi32, #tpu.memory_space<hbm>> -> memref<40x128xi32, #tpu.memory_space<hbm>>
      tpu.enqueue_dma source(%dma_start3A_62 : memref<40x128xi32, #tpu.memory_space<hbm>>) target(%arg8 : memref<40x128xi32, #tpu.memory_space<vmem>>) target_semaphore(%run_scoped3A : memref<!tpu.dma_semaphore, #tpu.memory_space<semaphore_mem>>)
      %dma_wait3A = arith.constant 40 : i32
      %dma_wait3A_63 = arith.constant 0 : i32
      %dma_wait3A_64 = tpu.memref_slice %arg3[%arg0, %arg1, %dma_wait3A, %dma_wait3A_63] : memref<2x16x80x128xi32, #tpu.memory_space<hbm>> -> memref<1x1x40x128xi32, #tpu.memory_space<hbm>>
      %dma_wait3A_65 = tpu.memref_squeeze %dma_wait3A_64 : memref<1x1x40x128xi32, #tpu.memory_space<hbm>> -> memref<40x128xi32, #tpu.memory_space<hbm>>
      %dma_wait3A_66 = arith.constant 40 : i32
      %dma_wait3A_67 = arith.constant 0 : i32
      %dma_wait3A_68 = tpu.memref_slice %arg3[%arg0, %arg1, %dma_wait3A_66, %dma_wait3A_67] : memref<2x16x80x128xi32, #tpu.memory_space<hbm>> -> memref<1x1x40x128xi32, #tpu.memory_space<hbm>>
      %dma_wait3A_69 = tpu.memref_squeeze %dma_wait3A_68 : memref<1x1x40x128xi32, #tpu.memory_space<hbm>> -> memref<40x128xi32, #tpu.memory_space<hbm>>
      tpu.wait_dma2 semaphore(%run_scoped3A : memref<!tpu.dma_semaphore, #tpu.memory_space<semaphore_mem>>) src(%dma_wait3A_69 : memref<40x128xi32, #tpu.memory_space<hbm>>) dst(%arg8 : memref<40x128xi32, #tpu.memory_space<vmem>>)
      tpu.yield
    }) : () -> ()
    "tpu.region"() ({
      %run_scoped3A = tpu.sem_alloc : memref<!tpu.dma_semaphore, #tpu.memory_space<semaphore_mem>>
      %dma_start3A_55 = arith.constant 40 : i32
      %dma_start3A_56 = arith.constant 0 : i32
      %dma_start3A_57 = tpu.memref_slice %arg4[%arg0, %arg1, %dma_start3A_55, %dma_start3A_56] : memref<2x16x80x128xi32, #tpu.memory_space<hbm>> -> memref<1x1x40x128xi32, #tpu.memory_space<hbm>>
      %dma_start3A_58 = tpu.memref_squeeze %dma_start3A_57 : memref<1x1x40x128xi32, #tpu.memory_space<hbm>> -> memref<40x128xi32, #tpu.memory_space<hbm>>
      %dma_start3A_59 = arith.constant 40 : i32
      %dma_start3A_60 = arith.constant 0 : i32
      %dma_start3A_61 = tpu.memref_slice %arg4[%arg0, %arg1, %dma_start3A_59, %dma_start3A_60] : memref<2x16x80x128xi32, #tpu.memory_space<hbm>> -> memref<1x1x40x128xi32, #tpu.memory_space<hbm>>
      %dma_start3A_62 = tpu.memref_squeeze %dma_start3A_61 : memref<1x1x40x128xi32, #tpu.memory_space<hbm>> -> memref<40x128xi32, #tpu.memory_space<hbm>>
      tpu.enqueue_dma source(%dma_start3A_62 : memref<40x128xi32, #tpu.memory_space<hbm>>) target(%arg9 : memref<40x128xi32, #tpu.memory_space<vmem>>) target_semaphore(%run_scoped3A : memref<!tpu.dma_semaphore, #tpu.memory_space<semaphore_mem>>)
      %dma_wait3A = arith.constant 40 : i32
      %dma_wait3A_63 = arith.constant 0 : i32
      %dma_wait3A_64 = tpu.memref_slice %arg4[%arg0, %arg1, %dma_wait3A, %dma_wait3A_63] : memref<2x16x80x128xi32, #tpu.memory_space<hbm>> -> memref<1x1x40x128xi32, #tpu.memory_space<hbm>>
      %dma_wait3A_65 = tpu.memref_squeeze %dma_wait3A_64 : memref<1x1x40x128xi32, #tpu.memory_space<hbm>> -> memref<40x128xi32, #tpu.memory_space<hbm>>
      %dma_wait3A_66 = arith.constant 40 : i32
      %dma_wait3A_67 = arith.constant 0 : i32
      %dma_wait3A_68 = tpu.memref_slice %arg4[%arg0, %arg1, %dma_wait3A_66, %dma_wait3A_67] : memref<2x16x80x128xi32, #tpu.memory_space<hbm>> -> memref<1x1x40x128xi32, #tpu.memory_space<hbm>>
      %dma_wait3A_69 = tpu.memref_squeeze %dma_wait3A_68 : memref<1x1x40x128xi32, #tpu.memory_space<hbm>> -> memref<40x128xi32, #tpu.memory_space<hbm>>
      tpu.wait_dma2 semaphore(%run_scoped3A : memref<!tpu.dma_semaphore, #tpu.memory_space<semaphore_mem>>) src(%dma_wait3A_69 : memref<40x128xi32, #tpu.memory_space<hbm>>) dst(%arg9 : memref<40x128xi32, #tpu.memory_space<vmem>>)
      tpu.yield
    }) : () -> ()
    %dma_start3A_21 = arith.constant 0 : i32
    %dma_start3A_22 = arith.constant 0 : i32
    %dma_start3A_23 = tpu.memref_slice %arg8[%dma_start3A_21, %dma_start3A_22] : memref<40x128xi32, #tpu.memory_space<vmem>> -> memref<1x128xi32, #tpu.memory_space<vmem>>
    %dma_start3A_24 = tpu.memref_squeeze %dma_start3A_23 : memref<1x128xi32, #tpu.memory_space<vmem>> -> memref<128xi32, #tpu.memory_space<vmem>>
    %dma_start3A_25 = arith.constant 0 : i32
    %dma_start3A_26 = arith.constant 0 : i32
    %dma_start3A_27 = tpu.memref_slice %arg2[%dma_start3A_25, %dma_start3A_26] : memref<10000x128xf32, #tpu.memory_space<hbm>> -> memref<10000x128xf32, #tpu.memory_space<hbm>>
    tpu.enqueue_indirect_dma source(%dma_start3A_27 : memref<10000x128xf32, #tpu.memory_space<hbm>>) target(%arg10 : memref<128x128xf32, #tpu.memory_space<vmem>>) offsets(%dma_start3A_24 : memref<128xi32, #tpu.memory_space<vmem>>) semaphore(%arg12 : memref<!tpu.dma_semaphore, #tpu.memory_space<semaphore_mem>>)
    %scan3A_28 = arith.constant 0 : i32
    %scan3A_29 = arith.constant 0 : i32
    %scan3A_30 = arith.constant 20 : i32
    %scan3A_31 = arith.addi %scan3A_29, %scan3A_30 : i32
    %scan3A_32 = arith.constant 1 : i32
    scf.for %scan3A_55 = %scan3A_29 to %scan3A_31 step %scan3A_32  : i32 {
      %mul3A_56 = arith.constant 2 : i32
      %mul3A_57 = arith.muli %mul3A_56, %scan3A_55 : i32
      %add3A_58 = arith.constant 1 : i32
      %add3A_59 = arith.addi %mul3A_57, %add3A_58 : i32
      %dma_start3A_60 = arith.constant 0 : i32
      %dma_start3A_61 = tpu.memref_slice %arg8[%add3A_59, %dma_start3A_60] : memref<40x128xi32, #tpu.memory_space<vmem>> -> memref<1x128xi32, #tpu.memory_space<vmem>>
      %dma_start3A_62 = tpu.memref_squeeze %dma_start3A_61 : memref<1x128xi32, #tpu.memory_space<vmem>> -> memref<128xi32, #tpu.memory_space<vmem>>
      %dma_start3A_63 = arith.constant 0 : i32
      %dma_start3A_64 = arith.constant 0 : i32
      %dma_start3A_65 = tpu.memref_slice %arg2[%dma_start3A_63, %dma_start3A_64] : memref<10000x128xf32, #tpu.memory_space<hbm>> -> memref<10000x128xf32, #tpu.memory_space<hbm>>
      tpu.enqueue_indirect_dma source(%dma_start3A_65 : memref<10000x128xf32, #tpu.memory_space<hbm>>) target(%arg11 : memref<128x128xf32, #tpu.memory_space<vmem>>) offsets(%dma_start3A_62 : memref<128xi32, #tpu.memory_space<vmem>>) semaphore(%arg13 : memref<!tpu.dma_semaphore, #tpu.memory_space<semaphore_mem>>)
      %dma_wait3A = arith.constant 0 : i32
      %dma_wait3A_66 = tpu.memref_slice %arg8[%mul3A_57, %dma_wait3A] : memref<40x128xi32, #tpu.memory_space<vmem>> -> memref<1x128xi32, #tpu.memory_space<vmem>>
      %dma_wait3A_67 = tpu.memref_squeeze %dma_wait3A_66 : memref<1x128xi32, #tpu.memory_space<vmem>> -> memref<128xi32, #tpu.memory_space<vmem>>
      %dma_wait3A_68 = arith.constant 0 : i32
      %dma_wait3A_69 = arith.constant 0 : i32
      %dma_wait3A_70 = tpu.memref_slice %arg2[%dma_wait3A_68, %dma_wait3A_69] : memref<10000x128xf32, #tpu.memory_space<hbm>> -> memref<10000x128xf32, #tpu.memory_space<hbm>>
      tpu.wait_indirect_dma semaphore(%arg12 : memref<!tpu.dma_semaphore, #tpu.memory_space<semaphore_mem>>) src(%dma_wait3A_70 : memref<10000x128xf32, #tpu.memory_space<hbm>>) dst(%arg10 : memref<128x128xf32, #tpu.memory_space<vmem>>)
      "tpu.region"() ({
        %run_scoped3A = tpu.sem_alloc : memref<!tpu.dma_semaphore, #tpu.memory_space<semaphore_mem>>
        %dma_start3A_83 = arith.constant 0 : i32
        %dma_start3A_84 = tpu.memref_slice %arg9[%mul3A_57, %dma_start3A_83] : memref<40x128xi32, #tpu.memory_space<vmem>> -> memref<1x128xi32, #tpu.memory_space<vmem>>
        %dma_start3A_85 = tpu.memref_squeeze %dma_start3A_84 : memref<1x128xi32, #tpu.memory_space<vmem>> -> memref<128xi32, #tpu.memory_space<vmem>>
        %dma_start3A_86 = arith.constant 0 : i32
        %dma_start3A_87 = arith.constant 0 : i32
        %dma_start3A_88 = tpu.memref_slice %arg7[%dma_start3A_86, %dma_start3A_87] : memref<10240x128xf32, #tpu.memory_space<vmem_shared>> -> memref<10240x128xf32, #tpu.memory_space<vmem_shared>>
        tpu.enqueue_indirect_dma source(%arg10 : memref<128x128xf32, #tpu.memory_space<vmem>>) target(%dma_start3A_88 : memref<10240x128xf32, #tpu.memory_space<vmem_shared>>) offsets(%dma_start3A_85 : memref<128xi32, #tpu.memory_space<vmem>>) semaphore(%run_scoped3A : memref<!tpu.dma_semaphore, #tpu.memory_space<semaphore_mem>>) {add = true}
        %dma_wait3A_89 = arith.constant 0 : i32
        %dma_wait3A_90 = tpu.memref_slice %arg9[%mul3A_57, %dma_wait3A_89] : memref<40x128xi32, #tpu.memory_space<vmem>> -> memref<1x128xi32, #tpu.memory_space<vmem>>
        %dma_wait3A_91 = tpu.memref_squeeze %dma_wait3A_90 : memref<1x128xi32, #tpu.memory_space<vmem>> -> memref<128xi32, #tpu.memory_space<vmem>>
        %dma_wait3A_92 = arith.constant 0 : i32
        %dma_wait3A_93 = arith.constant 0 : i32
        %dma_wait3A_94 = tpu.memref_slice %arg7[%dma_wait3A_92, %dma_wait3A_93] : memref<10240x128xf32, #tpu.memory_space<vmem_shared>> -> memref<10240x128xf32, #tpu.memory_space<vmem_shared>>
        tpu.wait_indirect_dma semaphore(%run_scoped3A : memref<!tpu.dma_semaphore, #tpu.memory_space<semaphore_mem>>) src(%arg10 : memref<128x128xf32, #tpu.memory_space<vmem>>) dst(%dma_wait3A_94 : memref<10240x128xf32, #tpu.memory_space<vmem_shared>>)
        tpu.yield
      }) : () -> ()
      %lt3A = arith.constant 19 : i32
      %lt3A_71 = arith.cmpi slt, %scan3A_55, %lt3A : i32
      %convert_element_type3A = arith.extui %lt3A_71 : i1 to i32
      %cond3A = arith.constant 0 : i32
      %cond3A_72 = arith.cmpi ne, %convert_element_type3A, %cond3A : i32
      scf.if %cond3A_72 {
        %add3A_83 = arith.constant 2 : i32
        %add3A_84 = arith.addi %mul3A_57, %add3A_83 : i32
        %dma_start3A_85 = arith.constant 0 : i32
        %dma_start3A_86 = tpu.memref_slice %arg8[%add3A_84, %dma_start3A_85] : memref<40x128xi32, #tpu.memory_space<vmem>> -> memref<1x128xi32, #tpu.memory_space<vmem>>
        %dma_start3A_87 = tpu.memref_squeeze %dma_start3A_86 : memref<1x128xi32, #tpu.memory_space<vmem>> -> memref<128xi32, #tpu.memory_space<vmem>>
        %dma_start3A_88 = arith.constant 0 : i32
        %dma_start3A_89 = arith.constant 0 : i32
        %dma_start3A_90 = tpu.memref_slice %arg2[%dma_start3A_88, %dma_start3A_89] : memref<10000x128xf32, #tpu.memory_space<hbm>> -> memref<10000x128xf32, #tpu.memory_space<hbm>>
        tpu.enqueue_indirect_dma source(%dma_start3A_90 : memref<10000x128xf32, #tpu.memory_space<hbm>>) target(%arg10 : memref<128x128xf32, #tpu.memory_space<vmem>>) offsets(%dma_start3A_87 : memref<128xi32, #tpu.memory_space<vmem>>) semaphore(%arg12 : memref<!tpu.dma_semaphore, #tpu.memory_space<semaphore_mem>>)
      } else {
      }
      %add3A_73 = arith.constant 1 : i32
      %add3A_74 = arith.addi %mul3A_57, %add3A_73 : i32
      %dma_wait3A_75 = arith.constant 0 : i32
      %dma_wait3A_76 = tpu.memref_slice %arg8[%add3A_74, %dma_wait3A_75] : memref<40x128xi32, #tpu.memory_space<vmem>> -> memref<1x128xi32, #tpu.memory_space<vmem>>
      %dma_wait3A_77 = tpu.memref_squeeze %dma_wait3A_76 : memref<1x128xi32, #tpu.memory_space<vmem>> -> memref<128xi32, #tpu.memory_space<vmem>>
      %dma_wait3A_78 = arith.constant 0 : i32
      %dma_wait3A_79 = arith.constant 0 : i32
      %dma_wait3A_80 = tpu.memref_slice %arg2[%dma_wait3A_78, %dma_wait3A_79] : memref<10000x128xf32, #tpu.memory_space<hbm>> -> memref<10000x128xf32, #tpu.memory_space<hbm>>
      tpu.wait_indirect_dma semaphore(%arg13 : memref<!tpu.dma_semaphore, #tpu.memory_space<semaphore_mem>>) src(%dma_wait3A_80 : memref<10000x128xf32, #tpu.memory_space<hbm>>) dst(%arg11 : memref<128x128xf32, #tpu.memory_space<vmem>>)
      %add3A_81 = arith.constant 1 : i32
      %add3A_82 = arith.addi %mul3A_57, %add3A_81 : i32
      "tpu.region"() ({
        %run_scoped3A = tpu.sem_alloc : memref<!tpu.dma_semaphore, #tpu.memory_space<semaphore_mem>>
        %dma_start3A_83 = arith.constant 0 : i32
        %dma_start3A_84 = tpu.memref_slice %arg9[%add3A_82, %dma_start3A_83] : memref<40x128xi32, #tpu.memory_space<vmem>> -> memref<1x128xi32, #tpu.memory_space<vmem>>
        %dma_start3A_85 = tpu.memref_squeeze %dma_start3A_84 : memref<1x128xi32, #tpu.memory_space<vmem>> -> memref<128xi32, #tpu.memory_space<vmem>>
        %dma_start3A_86 = arith.constant 0 : i32
        %dma_start3A_87 = arith.constant 0 : i32
        %dma_start3A_88 = tpu.memref_slice %arg7[%dma_start3A_86, %dma_start3A_87] : memref<10240x128xf32, #tpu.memory_space<vmem_shared>> -> memref<10240x128xf32, #tpu.memory_space<vmem_shared>>
        tpu.enqueue_indirect_dma source(%arg11 : memref<128x128xf32, #tpu.memory_space<vmem>>) target(%dma_start3A_88 : memref<10240x128xf32, #tpu.memory_space<vmem_shared>>) offsets(%dma_start3A_85 : memref<128xi32, #tpu.memory_space<vmem>>) semaphore(%run_scoped3A : memref<!tpu.dma_semaphore, #tpu.memory_space<semaphore_mem>>) {add = true}
        %dma_wait3A_89 = arith.constant 0 : i32
        %dma_wait3A_90 = tpu.memref_slice %arg9[%add3A_82, %dma_wait3A_89] : memref<40x128xi32, #tpu.memory_space<vmem>> -> memref<1x128xi32, #tpu.memory_space<vmem>>
        %dma_wait3A_91 = tpu.memref_squeeze %dma_wait3A_90 : memref<1x128xi32, #tpu.memory_space<vmem>> -> memref<128xi32, #tpu.memory_space<vmem>>
        %dma_wait3A_92 = arith.constant 0 : i32
        %dma_wait3A_93 = arith.constant 0 : i32
        %dma_wait3A_94 = tpu.memref_slice %arg7[%dma_wait3A_92, %dma_wait3A_93] : memref<10240x128xf32, #tpu.memory_space<vmem_shared>> -> memref<10240x128xf32, #tpu.memory_space<vmem_shared>>
        tpu.wait_indirect_dma semaphore(%run_scoped3A : memref<!tpu.dma_semaphore, #tpu.memory_space<semaphore_mem>>) src(%arg11 : memref<128x128xf32, #tpu.memory_space<vmem>>) dst(%dma_wait3A_94 : memref<10240x128xf32, #tpu.memory_space<vmem_shared>>)
        tpu.yield
      }) : () -> ()
    }
    %scan3A_33 = arith.constant 20 : i32
    %barrier3A_34 = arith.constant 0 : index
    tpu.barrier barrier_id(%barrier3A_34)
    %add3A_35 = arith.constant 0 : i32
    %add3A_36 = arith.addi %mul3A_0, %add3A_35 : i32
    %add3A_37 = arith.constant 0 : i32
    %add3A_38 = arith.addi %mul3A_0, %add3A_37 : i32
    "tpu.region"() ({
      %run_scoped3A = tpu.sem_alloc : memref<!tpu.dma_semaphore, #tpu.memory_space<semaphore_mem>>
      %dma_start3A_55 = arith.constant 0 : i32
      %dma_start3A_56 = tpu.memref_slice %arg6[%arg0, %add3A_38, %dma_start3A_55] : memref<2x10240x128xf32, #tpu.memory_space<hbm>> -> memref<1x128x128xf32, #tpu.memory_space<hbm>>
      %dma_start3A_57 = tpu.memref_squeeze %dma_start3A_56 : memref<1x128x128xf32, #tpu.memory_space<hbm>> -> memref<128x128xf32, #tpu.memory_space<hbm>>
      %dma_start3A_58 = arith.constant 0 : i32
      %dma_start3A_59 = tpu.memref_slice %arg7[%add3A_36, %dma_start3A_58] : memref<10240x128xf32, #tpu.memory_space<vmem_shared>> -> memref<128x128xf32, #tpu.memory_space<vmem_shared>>
      tpu.enqueue_dma source(%dma_start3A_59 : memref<128x128xf32, #tpu.memory_space<vmem_shared>>) target(%dma_start3A_57 : memref<128x128xf32, #tpu.memory_space<hbm>>) target_semaphore(%run_scoped3A : memref<!tpu.dma_semaphore, #tpu.memory_space<semaphore_mem>>)
      %dma_wait3A = arith.constant 0 : i32
      %dma_wait3A_60 = tpu.memref_slice %arg6[%arg0, %add3A_38, %dma_wait3A] : memref<2x10240x128xf32, #tpu.memory_space<hbm>> -> memref<1x128x128xf32, #tpu.memory_space<hbm>>
      %dma_wait3A_61 = tpu.memref_squeeze %dma_wait3A_60 : memref<1x128x128xf32, #tpu.memory_space<hbm>> -> memref<128x128xf32, #tpu.memory_space<hbm>>
      %dma_wait3A_62 = arith.constant 0 : i32
      %dma_wait3A_63 = tpu.memref_slice %arg7[%add3A_36, %dma_wait3A_62] : memref<10240x128xf32, #tpu.memory_space<vmem_shared>> -> memref<128x128xf32, #tpu.memory_space<vmem_shared>>
      tpu.wait_dma2 semaphore(%run_scoped3A : memref<!tpu.dma_semaphore, #tpu.memory_space<semaphore_mem>>) src(%dma_wait3A_63 : memref<128x128xf32, #tpu.memory_space<vmem_shared>>) dst(%dma_wait3A_61 : memref<128x128xf32, #tpu.memory_space<hbm>>)
      tpu.yield
    }) : () -> ()
    %add3A_39 = arith.constant 128 : i32
    %add3A_40 = arith.addi %mul3A_0, %add3A_39 : i32
    %add3A_41 = arith.constant 128 : i32
    %add3A_42 = arith.addi %mul3A_0, %add3A_41 : i32
    "tpu.region"() ({
      %run_scoped3A = tpu.sem_alloc : memref<!tpu.dma_semaphore, #tpu.memory_space<semaphore_mem>>
      %dma_start3A_55 = arith.constant 0 : i32
      %dma_start3A_56 = tpu.memref_slice %arg6[%arg0, %add3A_42, %dma_start3A_55] : memref<2x10240x128xf32, #tpu.memory_space<hbm>> -> memref<1x128x128xf32, #tpu.memory_space<hbm>>
      %dma_start3A_57 = tpu.memref_squeeze %dma_start3A_56 : memref<1x128x128xf32, #tpu.memory_space<hbm>> -> memref<128x128xf32, #tpu.memory_space<hbm>>
      %dma_start3A_58 = arith.constant 0 : i32
      %dma_start3A_59 = tpu.memref_slice %arg7[%add3A_40, %dma_start3A_58] : memref<10240x128xf32, #tpu.memory_space<vmem_shared>> -> memref<128x128xf32, #tpu.memory_space<vmem_shared>>
      tpu.enqueue_dma source(%dma_start3A_59 : memref<128x128xf32, #tpu.memory_space<vmem_shared>>) target(%dma_start3A_57 : memref<128x128xf32, #tpu.memory_space<hbm>>) target_semaphore(%run_scoped3A : memref<!tpu.dma_semaphore, #tpu.memory_space<semaphore_mem>>)
      %dma_wait3A = arith.constant 0 : i32
      %dma_wait3A_60 = tpu.memref_slice %arg6[%arg0, %add3A_42, %dma_wait3A] : memref<2x10240x128xf32, #tpu.memory_space<hbm>> -> memref<1x128x128xf32, #tpu.memory_space<hbm>>
      %dma_wait3A_61 = tpu.memref_squeeze %dma_wait3A_60 : memref<1x128x128xf32, #tpu.memory_space<hbm>> -> memref<128x128xf32, #tpu.memory_space<hbm>>
      %dma_wait3A_62 = arith.constant 0 : i32
      %dma_wait3A_63 = tpu.memref_slice %arg7[%add3A_40, %dma_wait3A_62] : memref<10240x128xf32, #tpu.memory_space<vmem_shared>> -> memref<128x128xf32, #tpu.memory_space<vmem_shared>>
      tpu.wait_dma2 semaphore(%run_scoped3A : memref<!tpu.dma_semaphore, #tpu.memory_space<semaphore_mem>>) src(%dma_wait3A_63 : memref<128x128xf32, #tpu.memory_space<vmem_shared>>) dst(%dma_wait3A_61 : memref<128x128xf32, #tpu.memory_space<hbm>>)
      tpu.yield
    }) : () -> ()
    %add3A_43 = arith.constant 256 : i32
    %add3A_44 = arith.addi %mul3A_0, %add3A_43 : i32
    %add3A_45 = arith.constant 256 : i32
    %add3A_46 = arith.addi %mul3A_0, %add3A_45 : i32
    "tpu.region"() ({
      %run_scoped3A = tpu.sem_alloc : memref<!tpu.dma_semaphore, #tpu.memory_space<semaphore_mem>>
      %dma_start3A_55 = arith.constant 0 : i32
      %dma_start3A_56 = tpu.memref_slice %arg6[%arg0, %add3A_46, %dma_start3A_55] : memref<2x10240x128xf32, #tpu.memory_space<hbm>> -> memref<1x128x128xf32, #tpu.memory_space<hbm>>
      %dma_start3A_57 = tpu.memref_squeeze %dma_start3A_56 : memref<1x128x128xf32, #tpu.memory_space<hbm>> -> memref<128x128xf32, #tpu.memory_space<hbm>>
      %dma_start3A_58 = arith.constant 0 : i32
      %dma_start3A_59 = tpu.memref_slice %arg7[%add3A_44, %dma_start3A_58] : memref<10240x128xf32, #tpu.memory_space<vmem_shared>> -> memref<128x128xf32, #tpu.memory_space<vmem_shared>>
      tpu.enqueue_dma source(%dma_start3A_59 : memref<128x128xf32, #tpu.memory_space<vmem_shared>>) target(%dma_start3A_57 : memref<128x128xf32, #tpu.memory_space<hbm>>) target_semaphore(%run_scoped3A : memref<!tpu.dma_semaphore, #tpu.memory_space<semaphore_mem>>)
      %dma_wait3A = arith.constant 0 : i32
      %dma_wait3A_60 = tpu.memref_slice %arg6[%arg0, %add3A_46, %dma_wait3A] : memref<2x10240x128xf32, #tpu.memory_space<hbm>> -> memref<1x128x128xf32, #tpu.memory_space<hbm>>
      %dma_wait3A_61 = tpu.memref_squeeze %dma_wait3A_60 : memref<1x128x128xf32, #tpu.memory_space<hbm>> -> memref<128x128xf32, #tpu.memory_space<hbm>>
      %dma_wait3A_62 = arith.constant 0 : i32
      %dma_wait3A_63 = tpu.memref_slice %arg7[%add3A_44, %dma_wait3A_62] : memref<10240x128xf32, #tpu.memory_space<vmem_shared>> -> memref<128x128xf32, #tpu.memory_space<vmem_shared>>
      tpu.wait_dma2 semaphore(%run_scoped3A : memref<!tpu.dma_semaphore, #tpu.memory_space<semaphore_mem>>) src(%dma_wait3A_63 : memref<128x128xf32, #tpu.memory_space<vmem_shared>>) dst(%dma_wait3A_61 : memref<128x128xf32, #tpu.memory_space<hbm>>)
      tpu.yield
    }) : () -> ()
    %add3A_47 = arith.constant 384 : i32
    %add3A_48 = arith.addi %mul3A_0, %add3A_47 : i32
    %add3A_49 = arith.constant 384 : i32
    %add3A_50 = arith.addi %mul3A_0, %add3A_49 : i32
    "tpu.region"() ({
      %run_scoped3A = tpu.sem_alloc : memref<!tpu.dma_semaphore, #tpu.memory_space<semaphore_mem>>
      %dma_start3A_55 = arith.constant 0 : i32
      %dma_start3A_56 = tpu.memref_slice %arg6[%arg0, %add3A_50, %dma_start3A_55] : memref<2x10240x128xf32, #tpu.memory_space<hbm>> -> memref<1x128x128xf32, #tpu.memory_space<hbm>>
      %dma_start3A_57 = tpu.memref_squeeze %dma_start3A_56 : memref<1x128x128xf32, #tpu.memory_space<hbm>> -> memref<128x128xf32, #tpu.memory_space<hbm>>
      %dma_start3A_58 = arith.constant 0 : i32
      %dma_start3A_59 = tpu.memref_slice %arg7[%add3A_48, %dma_start3A_58] : memref<10240x128xf32, #tpu.memory_space<vmem_shared>> -> memref<128x128xf32, #tpu.memory_space<vmem_shared>>
      tpu.enqueue_dma source(%dma_start3A_59 : memref<128x128xf32, #tpu.memory_space<vmem_shared>>) target(%dma_start3A_57 : memref<128x128xf32, #tpu.memory_space<hbm>>) target_semaphore(%run_scoped3A : memref<!tpu.dma_semaphore, #tpu.memory_space<semaphore_mem>>)
      %dma_wait3A = arith.constant 0 : i32
      %dma_wait3A_60 = tpu.memref_slice %arg6[%arg0, %add3A_50, %dma_wait3A] : memref<2x10240x128xf32, #tpu.memory_space<hbm>> -> memref<1x128x128xf32, #tpu.memory_space<hbm>>
      %dma_wait3A_61 = tpu.memref_squeeze %dma_wait3A_60 : memref<1x128x128xf32, #tpu.memory_space<hbm>> -> memref<128x128xf32, #tpu.memory_space<hbm>>
      %dma_wait3A_62 = arith.constant 0 : i32
      %dma_wait3A_63 = tpu.memref_slice %arg7[%add3A_48, %dma_wait3A_62] : memref<10240x128xf32, #tpu.memory_space<vmem_shared>> -> memref<128x128xf32, #tpu.memory_space<vmem_shared>>
      tpu.wait_dma2 semaphore(%run_scoped3A : memref<!tpu.dma_semaphore, #tpu.memory_space<semaphore_mem>>) src(%dma_wait3A_63 : memref<128x128xf32, #tpu.memory_space<vmem_shared>>) dst(%dma_wait3A_61 : memref<128x128xf32, #tpu.memory_space<hbm>>)
      tpu.yield
    }) : () -> ()
    %add3A_51 = arith.constant 512 : i32
    %add3A_52 = arith.addi %mul3A_0, %add3A_51 : i32
    %add3A_53 = arith.constant 512 : i32
    %add3A_54 = arith.addi %mul3A_0, %add3A_53 : i32
    "tpu.region"() ({
      %run_scoped3A = tpu.sem_alloc : memref<!tpu.dma_semaphore, #tpu.memory_space<semaphore_mem>>
      %dma_start3A_55 = arith.constant 0 : i32
      %dma_start3A_56 = tpu.memref_slice %arg6[%arg0, %add3A_54, %dma_start3A_55] : memref<2x10240x128xf32, #tpu.memory_space<hbm>> -> memref<1x128x128xf32, #tpu.memory_space<hbm>>
      %dma_start3A_57 = tpu.memref_squeeze %dma_start3A_56 : memref<1x128x128xf32, #tpu.memory_space<hbm>> -> memref<128x128xf32, #tpu.memory_space<hbm>>
      %dma_start3A_58 = arith.constant 0 : i32
      %dma_start3A_59 = tpu.memref_slice %arg7[%add3A_52, %dma_start3A_58] : memref<10240x128xf32, #tpu.memory_space<vmem_shared>> -> memref<128x128xf32, #tpu.memory_space<vmem_shared>>
      tpu.enqueue_dma source(%dma_start3A_59 : memref<128x128xf32, #tpu.memory_space<vmem_shared>>) target(%dma_start3A_57 : memref<128x128xf32, #tpu.memory_space<hbm>>) target_semaphore(%run_scoped3A : memref<!tpu.dma_semaphore, #tpu.memory_space<semaphore_mem>>)
      %dma_wait3A = arith.constant 0 : i32
      %dma_wait3A_60 = tpu.memref_slice %arg6[%arg0, %add3A_54, %dma_wait3A] : memref<2x10240x128xf32, #tpu.memory_space<hbm>> -> memref<1x128x128xf32, #tpu.memory_space<hbm>>
      %dma_wait3A_61 = tpu.memref_squeeze %dma_wait3A_60 : memref<1x128x128xf32, #tpu.memory_space<hbm>> -> memref<128x128xf32, #tpu.memory_space<hbm>>
      %dma_wait3A_62 = arith.constant 0 : i32
      %dma_wait3A_63 = tpu.memref_slice %arg7[%add3A_52, %dma_wait3A_62] : memref<10240x128xf32, #tpu.memory_space<vmem_shared>> -> memref<128x128xf32, #tpu.memory_space<vmem_shared>>
      tpu.wait_dma2 semaphore(%run_scoped3A : memref<!tpu.dma_semaphore, #tpu.memory_space<semaphore_mem>>) src(%dma_wait3A_63 : memref<128x128xf32, #tpu.memory_space<vmem_shared>>) dst(%dma_wait3A_61 : memref<128x128xf32, #tpu.memory_space<hbm>>)
      tpu.yield
    }) : () -> ()
    return
  }
}

module attributes {stable_mosaic.version = 14 : i64} {
  func.func @_tc1_body(%arg0: i32, %arg1: memref<2x1000x128xf32, #tpu.memory_space<vmem>>, %arg2: memref<1000x128xf32, #tpu.memory_space<vmem>>, %arg3: memref<128x128xf32, #tpu.memory_space<vmem>>, %arg4: memref<1000x128xf32, #tpu.memory_space<vmem>>) attributes {dimension_semantics = [#tpu.dimension_semantics<arbitrary>], iteration_bounds = array<i64: 10>, scalar_prefetch = 0 : i64, scratch_operands = 0 : i64, tpu.core_type = #tpu.core_type<tc>, window_params = [{transform_indices = @transform_0, window_bounds = array<i64: 2, 1000, 128>}, {transform_indices = @transform_1, window_bounds = array<i64: 1000, 128>}, {pipeline_mode = #tpu.pipeline_mode<synchronous>, transform_indices = @transform_2, window_bounds = array<i64: 128, 128>}, {transform_indices = @transform_3, window_bounds = array<i64: 1000, 128>}]} {
    %get3A = arith.constant 0 : index
    %get3A_0 = arith.constant 0 : index
    %get3A_1 = arith.constant 0 : index
    %get3A_2 = vector.load %arg1[%get3A, %get3A_0, %get3A_1] : memref<2x1000x128xf32, #tpu.memory_space<vmem>>, vector<2x1000x128xf32>
    %slice3A = vector.extract_strided_slice %get3A_2 {offsets = [0, 0, 0], sizes = [1, 1000, 1], strides = [1, 1, 1]} : vector<2x1000x128xf32> to vector<1x1000x1xf32>
    %squeeze3A = vector.shape_cast %slice3A : vector<1x1000x1xf32> to vector<1000x1xf32>
    %slice3A_3 = vector.extract_strided_slice %get3A_2 {offsets = [1, 0, 0], sizes = [1, 1000, 1], strides = [1, 1, 1]} : vector<2x1000x128xf32> to vector<1x1000x1xf32>
    %squeeze3A_4 = vector.shape_cast %slice3A_3 : vector<1x1000x1xf32> to vector<1000x1xf32>
    %add3A = arith.addf %squeeze3A, %squeeze3A_4 : vector<1000x1xf32>
    %add3A_5 = arith.constant 1.000000e+00 : f32
    %add3A_6 = vector.broadcast %add3A_5 : f32 to vector<1000x1xf32>
    %add3A_7 = arith.addf %add3A, %add3A_6 : vector<1000x1xf32>
    %rsqrt3A = math.rsqrt %add3A_7 : vector<1000x1xf32>
    %get3A_8 = arith.constant 0 : index
    %get3A_9 = arith.constant 0 : index
    %get3A_10 = vector.load %arg2[%get3A_8, %get3A_9] : memref<1000x128xf32, #tpu.memory_space<vmem>>, vector<1000x128xf32>
    %get3A_11 = arith.constant 0 : index
    %get3A_12 = arith.constant 0 : index
    %get3A_13 = vector.load %arg3[%get3A_11, %get3A_12] : memref<128x128xf32, #tpu.memory_space<vmem>>, vector<128x128xf32>
    %dot_general3A = arith.constant dense<0.000000e+00> : vector<1000x128xf32>
    %dot_general3A_14 = tpu.matmul %get3A_10, %get3A_13, %dot_general3A {dimension_numbers = #tpu.dot_dimension_numbers<[1], [0], [0], [1], [0, 0, 1, 1], [], []>, transpose_lhs_hint = false} : vector<1000x128xf32>, vector<128x128xf32>, vector<1000x128xf32> -> vector<1000x128xf32>
    %mul3A = vector.broadcast %rsqrt3A : vector<1000x1xf32> to vector<1000x128xf32>
    %mul3A_15 = arith.mulf %dot_general3A_14, %mul3A : vector<1000x128xf32>
    %swap3A = arith.constant 0 : index
    %swap3A_16 = arith.constant 0 : index
    %swap3A_17 = vector.load %arg4[%swap3A, %swap3A_16] : memref<1000x128xf32, #tpu.memory_space<vmem>>, vector<1000x128xf32>
    tpu.vector_store %arg4[%swap3A, %swap3A_16], %mul3A_15 {strides = array<i32>} : memref<1000x128xf32, #tpu.memory_space<vmem>>, vector<1000x128xf32>,
    return
  }
  func.func @transform_0(%arg0: i32) -> (i32, i32, i32) {
    %c0_i32 = arith.constant 0 : i32
    %c0_i32_0 = arith.constant 0 : i32
    %c0_i32_1 = arith.constant 0 : i32
    return %c0_i32, %arg0, %c0_i32_0 : i32, i32, i32
  }
  func.func @transform_1(%arg0: i32) -> (i32, i32) {
    %c0_i32 = arith.constant 0 : i32
    %c0_i32_0 = arith.constant 0 : i32
    return %arg0, %c0_i32 : i32, i32
  }
  func.func @transform_2(%arg0: i32) -> (i32, i32) {
    %c0_i32 = arith.constant 0 : i32
    %c0_i32_0 = arith.constant 0 : i32
    %c0_i32_1 = arith.constant 0 : i32
    return %c0_i32, %c0_i32_0 : i32, i32
  }
  func.func @transform_3(%arg0: i32) -> (i32, i32) {
    %c0_i32 = arith.constant 0 : i32
    %c0_i32_0 = arith.constant 0 : i32
    return %arg0, %c0_i32 : i32, i32
  }
}

module attributes {stable_mosaic.version = 14 : i64} {
  func.func @_tc2_body(%arg0: i32, %arg1: memref<2x1000x128xf32, #tpu.memory_space<vmem>>, %arg2: memref<2x1000x128xf32, #tpu.memory_space<vmem>>, %arg3: memref<1000x128xf32, #tpu.memory_space<vmem>>, %arg4: memref<128x128xf32, #tpu.memory_space<vmem>>, %arg5: memref<1x128xf32, #tpu.memory_space<vmem>>, %arg6: memref<1000x128xf32, #tpu.memory_space<vmem>>) attributes {dimension_semantics = [#tpu.dimension_semantics<arbitrary>], iteration_bounds = array<i64: 10>, scalar_prefetch = 0 : i64, scratch_operands = 0 : i64, tpu.core_type = #tpu.core_type<tc>, window_params = [{transform_indices = @transform_0, window_bounds = array<i64: 2, 1000, 128>}, {transform_indices = @transform_1, window_bounds = array<i64: 2, 1000, 128>}, {transform_indices = @transform_2, window_bounds = array<i64: 1000, 128>}, {pipeline_mode = #tpu.pipeline_mode<synchronous>, transform_indices = @transform_3, window_bounds = array<i64: 128, 128>}, {pipeline_mode = #tpu.pipeline_mode<synchronous>, transform_indices = @transform_4, window_bounds = array<i64: 1, 128>}, {transform_indices = @transform_5, window_bounds = array<i64: 1000, 128>}]} {
    %get3A = arith.constant 0 : index
    %get3A_0 = arith.constant 0 : index
    %get3A_1 = arith.constant 0 : index
    %get3A_2 = vector.load %arg1[%get3A, %get3A_0, %get3A_1] : memref<2x1000x128xf32, #tpu.memory_space<vmem>>, vector<2x1000x128xf32>
    %slice3A = vector.extract_strided_slice %get3A_2 {offsets = [0, 0, 0], sizes = [1, 1000, 1], strides = [1, 1, 1]} : vector<2x1000x128xf32> to vector<1x1000x1xf32>
    %squeeze3A = vector.shape_cast %slice3A : vector<1x1000x1xf32> to vector<1000x1xf32>
    %slice3A_3 = vector.extract_strided_slice %get3A_2 {offsets = [1, 0, 0], sizes = [1, 1000, 1], strides = [1, 1, 1]} : vector<2x1000x128xf32> to vector<1x1000x1xf32>
    %squeeze3A_4 = vector.shape_cast %slice3A_3 : vector<1x1000x1xf32> to vector<1000x1xf32>
    %add3A = arith.addf %squeeze3A, %squeeze3A_4 : vector<1000x1xf32>
    %add3A_5 = arith.constant 1.000000e+00 : f32
    %add3A_6 = vector.broadcast %add3A_5 : f32 to vector<1000x1xf32>
    %add3A_7 = arith.addf %add3A, %add3A_6 : vector<1000x1xf32>
    %rsqrt3A = math.rsqrt %add3A_7 : vector<1000x1xf32>
    %get3A_8 = arith.constant 0 : index
    %get3A_9 = arith.constant 0 : index
    %get3A_10 = arith.constant 0 : index
    %get3A_11 = vector.load %arg2[%get3A_8, %get3A_9, %get3A_10] : memref<2x1000x128xf32, #tpu.memory_space<vmem>>, vector<2x1000x128xf32>
    %slice3A_12 = vector.extract_strided_slice %get3A_11 {offsets = [0, 0, 0], sizes = [1, 1000, 128], strides = [1, 1, 1]} : vector<2x1000x128xf32> to vector<1x1000x128xf32>
    %squeeze3A_13 = vector.shape_cast %slice3A_12 : vector<1x1000x128xf32> to vector<1000x128xf32>
    %slice3A_14 = vector.extract_strided_slice %get3A_11 {offsets = [1, 0, 0], sizes = [1, 1000, 128], strides = [1, 1, 1]} : vector<2x1000x128xf32> to vector<1x1000x128xf32>
    %squeeze3A_15 = vector.shape_cast %slice3A_14 : vector<1x1000x128xf32> to vector<1000x128xf32>
    %add3A_16 = arith.addf %squeeze3A_13, %squeeze3A_15 : vector<1000x128xf32>
    %get3A_17 = arith.constant 0 : index
    %get3A_18 = arith.constant 0 : index
    %get3A_19 = vector.load %arg3[%get3A_17, %get3A_18] : memref<1000x128xf32, #tpu.memory_space<vmem>>, vector<1000x128xf32>
    %add3A_20 = arith.addf %add3A_16, %get3A_19 : vector<1000x128xf32>
    %mul3A = vector.broadcast %rsqrt3A : vector<1000x1xf32> to vector<1000x128xf32>
    %mul3A_21 = arith.mulf %mul3A, %add3A_20 : vector<1000x128xf32>
    %get3A_22 = arith.constant 0 : index
    %get3A_23 = arith.constant 0 : index
    %get3A_24 = vector.load %arg5[%get3A_22, %get3A_23] : memref<1x128xf32, #tpu.memory_space<vmem>>, vector<1x128xf32>
    %add3A_25 = vector.broadcast %get3A_24 : vector<1x128xf32> to vector<1000x128xf32>
    %add3A_26 = arith.addf %mul3A_21, %add3A_25 : vector<1000x128xf32>
    %max3A = arith.constant 0.000000e+00 : f32
    %max3A_27 = vector.broadcast %max3A : f32 to vector<1000x128xf32>
    %max3A_28 = arith.maximumf %add3A_26, %max3A_27 : vector<1000x128xf32>
    %get3A_29 = arith.constant 0 : index
    %get3A_30 = arith.constant 0 : index
    %get3A_31 = vector.load %arg4[%get3A_29, %get3A_30] : memref<128x128xf32, #tpu.memory_space<vmem>>, vector<128x128xf32>
    %dot_general3A = arith.constant dense<0.000000e+00> : vector<1000x128xf32>
    %dot_general3A_32 = tpu.matmul %max3A_28, %get3A_31, %dot_general3A {dimension_numbers = #tpu.dot_dimension_numbers<[1], [0], [0], [1], [0, 0, 1, 1], [], []>, transpose_lhs_hint = false} : vector<1000x128xf32>, vector<128x128xf32>, vector<1000x128xf32> -> vector<1000x128xf32>
    %mul3A_33 = vector.broadcast %rsqrt3A : vector<1000x1xf32> to vector<1000x128xf32>
    %mul3A_34 = arith.mulf %dot_general3A_32, %mul3A_33 : vector<1000x128xf32>
    %swap3A = arith.constant 0 : index
    %swap3A_35 = arith.constant 0 : index
    %swap3A_36 = vector.load %arg6[%swap3A, %swap3A_35] : memref<1000x128xf32, #tpu.memory_space<vmem>>, vector<1000x128xf32>
    tpu.vector_store %arg6[%swap3A, %swap3A_35], %mul3A_34 {strides = array<i32>} : memref<1000x128xf32, #tpu.memory_space<vmem>>, vector<1000x128xf32>,
    return
  }
  func.func @transform_0(%arg0: i32) -> (i32, i32, i32) {
    %c0_i32 = arith.constant 0 : i32
    %c0_i32_0 = arith.constant 0 : i32
    %c0_i32_1 = arith.constant 0 : i32
    return %c0_i32, %arg0, %c0_i32_0 : i32, i32, i32
  }
  func.func @transform_1(%arg0: i32) -> (i32, i32, i32) {
    %c0_i32 = arith.constant 0 : i32
    %c0_i32_0 = arith.constant 0 : i32
    %c0_i32_1 = arith.constant 0 : i32
    return %c0_i32, %arg0, %c0_i32_0 : i32, i32, i32
  }
  func.func @transform_2(%arg0: i32) -> (i32, i32) {
    %c0_i32 = arith.constant 0 : i32
    %c0_i32_0 = arith.constant 0 : i32
    return %arg0, %c0_i32 : i32, i32
  }
  func.func @transform_3(%arg0: i32) -> (i32, i32) {
    %c0_i32 = arith.constant 0 : i32
    %c0_i32_0 = arith.constant 0 : i32
    %c0_i32_1 = arith.constant 0 : i32
    return %c0_i32, %c0_i32_0 : i32, i32
  }
  func.func @transform_4(%arg0: i32) -> (i32, i32) {
    %c0_i32 = arith.constant 0 : i32
    %c0_i32_0 = arith.constant 0 : i32
    %c0_i32_1 = arith.constant 0 : i32
    return %c0_i32, %c0_i32_0 : i32, i32
  }
  func.func @transform_5(%arg0: i32) -> (i32, i32) {
    %c0_i32 = arith.constant 0 : i32
    %c0_i32_0 = arith.constant 0 : i32
    return %arg0, %c0_i32 : i32, i32
  }
}

module attributes {stable_mosaic.version = 14 : i64} {
  func.func @_tc3_body(%arg0: i32, %arg1: memref<2x1000x128xf32, #tpu.memory_space<vmem>>, %arg2: memref<2x1000x128xf32, #tpu.memory_space<vmem>>, %arg3: memref<1000x128xf32, #tpu.memory_space<vmem>>, %arg4: memref<128x128xf32, #tpu.memory_space<vmem>>, %arg5: memref<1x128xf32, #tpu.memory_space<vmem>>, %arg6: memref<1x128xf32, #tpu.memory_space<vmem>>, %arg7: memref<1000x128xf32, #tpu.memory_space<vmem>>) attributes {dimension_semantics = [#tpu.dimension_semantics<arbitrary>], iteration_bounds = array<i64: 10>, scalar_prefetch = 0 : i64, scratch_operands = 0 : i64, tpu.core_type = #tpu.core_type<tc>, window_params = [{transform_indices = @transform_0, window_bounds = array<i64: 2, 1000, 128>}, {transform_indices = @transform_1, window_bounds = array<i64: 2, 1000, 128>}, {transform_indices = @transform_2, window_bounds = array<i64: 1000, 128>}, {pipeline_mode = #tpu.pipeline_mode<synchronous>, transform_indices = @transform_3, window_bounds = array<i64: 128, 128>}, {pipeline_mode = #tpu.pipeline_mode<synchronous>, transform_indices = @transform_4, window_bounds = array<i64: 1, 128>}, {pipeline_mode = #tpu.pipeline_mode<synchronous>, transform_indices = @transform_5, window_bounds = array<i64: 1, 128>}, {transform_indices = @transform_6, window_bounds = array<i64: 1000, 128>}]} {
    %get3A = arith.constant 0 : index
    %get3A_0 = arith.constant 0 : index
    %get3A_1 = arith.constant 0 : index
    %get3A_2 = vector.load %arg1[%get3A, %get3A_0, %get3A_1] : memref<2x1000x128xf32, #tpu.memory_space<vmem>>, vector<2x1000x128xf32>
    %slice3A = vector.extract_strided_slice %get3A_2 {offsets = [0, 0, 0], sizes = [1, 1000, 1], strides = [1, 1, 1]} : vector<2x1000x128xf32> to vector<1x1000x1xf32>
    %squeeze3A = vector.shape_cast %slice3A : vector<1x1000x1xf32> to vector<1000x1xf32>
    %slice3A_3 = vector.extract_strided_slice %get3A_2 {offsets = [1, 0, 0], sizes = [1, 1000, 1], strides = [1, 1, 1]} : vector<2x1000x128xf32> to vector<1x1000x1xf32>
    %squeeze3A_4 = vector.shape_cast %slice3A_3 : vector<1x1000x1xf32> to vector<1000x1xf32>
    %add3A = arith.addf %squeeze3A, %squeeze3A_4 : vector<1000x1xf32>
    %add3A_5 = arith.constant 1.000000e+00 : f32
    %add3A_6 = vector.broadcast %add3A_5 : f32 to vector<1000x1xf32>
    %add3A_7 = arith.addf %add3A, %add3A_6 : vector<1000x1xf32>
    %rsqrt3A = math.rsqrt %add3A_7 : vector<1000x1xf32>
    %get3A_8 = arith.constant 0 : index
    %get3A_9 = arith.constant 0 : index
    %get3A_10 = arith.constant 0 : index
    %get3A_11 = vector.load %arg2[%get3A_8, %get3A_9, %get3A_10] : memref<2x1000x128xf32, #tpu.memory_space<vmem>>, vector<2x1000x128xf32>
    %slice3A_12 = vector.extract_strided_slice %get3A_11 {offsets = [0, 0, 0], sizes = [1, 1000, 128], strides = [1, 1, 1]} : vector<2x1000x128xf32> to vector<1x1000x128xf32>
    %squeeze3A_13 = vector.shape_cast %slice3A_12 : vector<1x1000x128xf32> to vector<1000x128xf32>
    %slice3A_14 = vector.extract_strided_slice %get3A_11 {offsets = [1, 0, 0], sizes = [1, 1000, 128], strides = [1, 1, 1]} : vector<2x1000x128xf32> to vector<1x1000x128xf32>
    %squeeze3A_15 = vector.shape_cast %slice3A_14 : vector<1x1000x128xf32> to vector<1000x128xf32>
    %add3A_16 = arith.addf %squeeze3A_13, %squeeze3A_15 : vector<1000x128xf32>
    %get3A_17 = arith.constant 0 : index
    %get3A_18 = arith.constant 0 : index
    %get3A_19 = vector.load %arg3[%get3A_17, %get3A_18] : memref<1000x128xf32, #tpu.memory_space<vmem>>, vector<1000x128xf32>
    %add3A_20 = arith.addf %add3A_16, %get3A_19 : vector<1000x128xf32>
    %mul3A = vector.broadcast %rsqrt3A : vector<1000x1xf32> to vector<1000x128xf32>
    %mul3A_21 = arith.mulf %mul3A, %add3A_20 : vector<1000x128xf32>
    %get3A_22 = arith.constant 0 : index
    %get3A_23 = arith.constant 0 : index
    %get3A_24 = vector.load %arg5[%get3A_22, %get3A_23] : memref<1x128xf32, #tpu.memory_space<vmem>>, vector<1x128xf32>
    %add3A_25 = vector.broadcast %get3A_24 : vector<1x128xf32> to vector<1000x128xf32>
    %add3A_26 = arith.addf %mul3A_21, %add3A_25 : vector<1000x128xf32>
    %max3A = arith.constant 0.000000e+00 : f32
    %max3A_27 = vector.broadcast %max3A : f32 to vector<1000x128xf32>
    %max3A_28 = arith.maximumf %add3A_26, %max3A_27 : vector<1000x128xf32>
    %get3A_29 = arith.constant 0 : index
    %get3A_30 = arith.constant 0 : index
    %get3A_31 = vector.load %arg4[%get3A_29, %get3A_30] : memref<128x128xf32, #tpu.memory_space<vmem>>, vector<128x128xf32>
    %dot_general3A = arith.constant dense<0.000000e+00> : vector<1000x128xf32>
    %dot_general3A_32 = tpu.matmul %max3A_28, %get3A_31, %dot_general3A {dimension_numbers = #tpu.dot_dimension_numbers<[1], [0], [0], [1], [0, 0, 1, 1], [], []>, transpose_lhs_hint = false} : vector<1000x128xf32>, vector<128x128xf32>, vector<1000x128xf32> -> vector<1000x128xf32>
    %get3A_33 = arith.constant 0 : index
    %get3A_34 = arith.constant 0 : index
    %get3A_35 = vector.load %arg6[%get3A_33, %get3A_34] : memref<1x128xf32, #tpu.memory_space<vmem>>, vector<1x128xf32>
    %add3A_36 = vector.broadcast %get3A_35 : vector<1x128xf32> to vector<1000x128xf32>
    %add3A_37 = arith.addf %dot_general3A_32, %add3A_36 : vector<1000x128xf32>
    %reduce_max3A = arith.constant dense<0xFF800000> : vector<1000xf32>
    %reduce_max3A_38 = vector.multi_reduction <maximumf>, %add3A_37, %reduce_max3A [1] : vector<1000x128xf32> to vector<1000xf32>
    %broadcast_in_dim3A = vector.shape_cast %reduce_max3A_38 : vector<1000xf32> to vector<1000x1xf32>
    %sub3A = vector.broadcast %broadcast_in_dim3A : vector<1000x1xf32> to vector<1000x128xf32>
    %sub3A_39 = arith.subf %add3A_37, %sub3A : vector<1000x128xf32>
    %exp3A = math.exp %sub3A_39 : vector<1000x128xf32>
    %reduce_sum3A = arith.constant dense<0.000000e+00> : vector<1000xf32>
    %reduce_sum3A_40 = vector.multi_reduction <add>, %exp3A, %reduce_sum3A [1] : vector<1000x128xf32> to vector<1000xf32>
    %broadcast_in_dim3A_41 = vector.shape_cast %reduce_sum3A_40 : vector<1000xf32> to vector<1000x1xf32>
    %log3A = math.log %broadcast_in_dim3A_41 : vector<1000x1xf32>
    %add3A_42 = arith.addf %broadcast_in_dim3A, %log3A : vector<1000x1xf32>
    %sub3A_43 = vector.broadcast %add3A_42 : vector<1000x1xf32> to vector<1000x128xf32>
    %sub3A_44 = arith.subf %add3A_37, %sub3A_43 : vector<1000x128xf32>
    %swap3A = arith.constant 0 : index
    %swap3A_45 = arith.constant 0 : index
    %swap3A_46 = vector.load %arg7[%swap3A, %swap3A_45] : memref<1000x128xf32, #tpu.memory_space<vmem>>, vector<1000x128xf32>
    tpu.vector_store %arg7[%swap3A, %swap3A_45], %sub3A_44 {strides = array<i32>} : memref<1000x128xf32, #tpu.memory_space<vmem>>, vector<1000x128xf32>,
    return
  }
  func.func @transform_0(%arg0: i32) -> (i32, i32, i32) {
    %c0_i32 = arith.constant 0 : i32
    %c0_i32_0 = arith.constant 0 : i32
    %c0_i32_1 = arith.constant 0 : i32
    return %c0_i32, %arg0, %c0_i32_0 : i32, i32, i32
  }
  func.func @transform_1(%arg0: i32) -> (i32, i32, i32) {
    %c0_i32 = arith.constant 0 : i32
    %c0_i32_0 = arith.constant 0 : i32
    %c0_i32_1 = arith.constant 0 : i32
    return %c0_i32, %arg0, %c0_i32_0 : i32, i32, i32
  }
  func.func @transform_2(%arg0: i32) -> (i32, i32) {
    %c0_i32 = arith.constant 0 : i32
    %c0_i32_0 = arith.constant 0 : i32
    return %arg0, %c0_i32 : i32, i32
  }
  func.func @transform_3(%arg0: i32) -> (i32, i32) {
    %c0_i32 = arith.constant 0 : i32
    %c0_i32_0 = arith.constant 0 : i32
    %c0_i32_1 = arith.constant 0 : i32
    return %c0_i32, %c0_i32_0 : i32, i32
  }
  func.func @transform_4(%arg0: i32) -> (i32, i32) {
    %c0_i32 = arith.constant 0 : i32
    %c0_i32_0 = arith.constant 0 : i32
    %c0_i32_1 = arith.constant 0 : i32
    return %c0_i32, %c0_i32_0 : i32, i32
  }
  func.func @transform_5(%arg0: i32) -> (i32, i32) {
    %c0_i32 = arith.constant 0 : i32
    %c0_i32_0 = arith.constant 0 : i32
    %c0_i32_1 = arith.constant 0 : i32
    return %c0_i32, %c0_i32_0 : i32, i32
  }
  func.func @transform_6(%arg0: i32) -> (i32, i32) {
    %c0_i32 = arith.constant 0 : i32
    %c0_i32_0 = arith.constant 0 : i32
    return %arg0, %c0_i32 : i32, i32
  }
}

</mosaic_0001>

<sc_bundles>
// kernel: kernel.11.cloned.1.call-start
scs
__scs_entry_jumppad:
0x0: {  	(pc) =	sbr.rel $0x88, $3  }
0x1: {  	(tag) =	ssettag $0x0;
	lr =	simm.s32 $0x1  }
0x2: {  	[smem:$0x3F99] =	sst lr;
	_ =	strace $0xD0000000  }
0x3: {  	_ = 	snop  }
0x4: {  	_ = 	snop  }
0x5: {  	_ = 	snop  }
0x6: {  	_ = 	snop  }
0x7: {  	_ = 	snop  }
__scs_overlays_trampoline_lowered:
0x8: {  	[smem:$0x3FA8] =	sst s0  }
0x9: {  	[smem:$0x3FA9] =	sst s1  }
0xa: {  	[smem:$0x3FAA] =	sst s2  }
0xb: {  	[smem:$0x3FAB] =	sst s3  }
0xc: {  	[smem:$0x3FAC] =	sst s4  }
0xd: {  	[smem:$0x3FAD] =	sst s5  }
0xe: {  	[smem:$0x3FAE] =	sst s6  }
0xf: {  	[smem:$0x3FAF] =	sst s7  }
0x10: {  	[smem:$0x3FB0] =	sst s8  }
0x11: {  	[smem:$0x3FB1] =	sst s9;
	s0 =	simm.s32 @!p0 $0x0  }
0x12: {  	s1 =	sld [smem:$0x3F97];
	s0 =	simm.s32 @p0 $0x1  }
0x13: {  	[smem:$0x3FB2] =	sst s0;
	s0 =	simm.s32 @!p1 $0x0  }
0x14: {  	s2 =	sld [smem:$0x3F96];
	s0 =	simm.s32 @p1 $0x1  }
0x15: {  	[smem:$0x3FB3] =	sst s0;
	s0 =	simm.s32 @!p2 $0x0  }
0x16: {  	s3 =	sld [smem:$0x3FDB];
	s0 =	simm.s32 @p2 $0x1  }
0x17: {  	s4 =	simm.s32 $0x1BF5;
	[smem:$0x3FB5] =	sst s0  }
0x18: {  	s0 =	sld [smem:$0x3F98];
	_ =	swait.ge [sflag:s4], $0x0  }
0x19: {  	s7 =	sld [smem:$0x3F99]  }
0x1a: {  	s8 =	sadd.s32 $0xFFFFE003, lr  }
0x1b: {  	s9 =	sadd.s32 $0xFFFFFEF7, lr;
	s5 =	simm.s32 $0xFFFFFFFF;
	p2 =	slt.u32 s8, $0xFFFFF086  }
0x1c: {  	p1 =	slt.u32 s9, $0xF7A;
	s5 =	simm.s32 @!p2 $0x0  }
0x1d: {  	s5 =	simm.s32 @p1 $0x1;
	p0 =	seq.s32 s7, s2  }
0x1e: {  	s7 =	smul.u32 @!p0 $0xF7A, s2;
	p2 =	seq.s32 @!p0 s5, $0x0  }
0x1f: {  	s9 =	smul.u32 $0xF7A, s1;
	s8 =	simm.s32 @!p0 $0x1BF5;
	p2 =	por !p2, p0  }
0x20: {  	[sflag:s8] =	ssyncset.s32 @!p0 $0xFFFFF086;
	s6 =	sadd.s32 @!p0 s3, s7;
	s7 =	simm.s32 @!p0 $0x108  }
0x21: {  	s3 =	sadd.s32 s3, s9;
	s6 =	sadd.s32 @!p0 $0x88, s6;
	s7 =	simm.s32 @p2 $0x1082  }
0x22: {  	[simem:s7], [sflag:s8] =	dma.local @!p0 [hbm:s6], $0xF7A  }
0x23: {  	s9 =	sor.u32 $0xD0000000, s2;
	s6 =	simm.s32 $0x108;
	_ =	swait.ge @!p0 [sflag:s8], $0x0  }
0x24: {  	s3 =	sadd.s32 $0x88, s3;
	s6 =	simm.s32 @!p1 $0x1082;
	[sflag:s4] =	ssyncset.s32 $0xFFFFF086  }
0x25: {  	[simem:s6], [sflag:s4] =	dma.local [hbm:s3], $0xF7A  }
0x26: {  	[smem:$0x3F99] =	sst s1;
	(tag) =	ssettag s2;
	_ =	strace s9  }
0x27: {  	s1 =	sld [smem:$0x3FA9]  }
0x28: {  	s2 =	sld [smem:$0x3FAA]  }
0x29: {  	s4 =	sld [smem:$0x3FAC]  }
0x2a: {  	p0 =	seq.s32 s5, $0x0;
	s5 =	sld [smem:$0x3FAD]  }
0x2b: {  	s6 =	sld [smem:$0x3FAE]  }
0x2c: {  	s7 =	sld [smem:$0x3FAF]  }
0x2d: {  	s3 =	simm.s32 $0x108;
	s8 =	sld [smem:$0x3FB0]  }
0x2e: {  	s3 =	simm.s32 @!p0 $0x1082;
	s9 =	sld [smem:$0x3FB1]  }
0x2f: {  	lr =	sadd.s32 s0, s3;
	s0 =	sld [smem:$0x3FA8]  }
0x30: {  	s3 =	sld [smem:$0x3FAB]  }
0x31: {  	[smem:$0x3FB4] =	sst s10  }
0x32: {  	s10 =	sld [smem:$0x3FB2];
	_ =	sdelay $0x3  }
0x33: {  	p0 =	seq.s32 s10, $0x1;
	s10 =	sld [smem:$0x3FB4];
	_ =	sdelay $0x3  }
0x34: {  	[smem:$0x3FB4] =	sst s10  }
0x35: {  	s10 =	sld [smem:$0x3FB3];
	_ =	sdelay $0x3  }
0x36: {  	p1 =	seq.s32 s10, $0x1;
	s10 =	sld [smem:$0x3FB4];
	_ =	sdelay $0x3  }
0x37: {  	[smem:$0x3FB4] =	sst s10  }
0x38: {  	s10 =	sld [smem:$0x3FB5]  }
0x39: {  	_ = 	snop;
	(pc) =	sbr.ind lr, $3  }
0x3a: {  	_ = 	snop  }
0x3b: {  	_ = 	snop  }
0x3c: {  	p2 =	seq.s32 s10, $0x1;
	s10 =	sld [smem:$0x3FB4]  }
0x3d: {  	_ =	shalt  }
0x3e: {  	_ =	shalt  }
0x3f: {  	_ =	shalt  }
0x40: {  	_ =	shalt  }
0x41: {  	_ =	shalt  }
0x42: {  	_ =	shalt  }
0x43: {  	_ =	shalt  }
0x44: {  	_ =	shalt  }
0x45: {  	_ =	shalt  }
0x46: {  	_ =	shalt  }
0x47: {  	_ =	shalt  }
0x48: {  	_ =	shalt  }
0x49: {  	_ =	shalt  }
0x4a: {  	_ =	shalt  }
0x4b: {  	_ =	shalt  }
0x4c: {  	_ =	shalt  }
0x4d: {  	_ =	shalt  }
0x4e: {  	_ =	shalt  }
0x4f: {  	_ =	shalt  }
0x50: {  	_ =	shalt  }
0x51: {  	_ =	shalt  }
0x52: {  	_ =	shalt  }
0x53: {  	_ =	shalt  }
0x54: {  	_ =	shalt  }
0x55: {  	_ =	shalt  }
0x56: {  	_ =	shalt  }
0x57: {  	_ =	shalt  }
0x58: {  	_ =	shalt  }
0x59: {  	_ =	shalt  }
0x5a: {  	_ =	shalt  }
0x5b: {  	_ =	shalt  }
0x5c: {  	_ =	shalt  }
0x5d: {  	_ =	shalt  }
0x5e: {  	_ =	shalt  }
0x5f: {  	_ =	shalt  }
0x60: {  	_ =	shalt  }
0x61: {  	_ =	shalt  }
0x62: {  	_ =	shalt  }
0x63: {  	_ =	shalt  }
0x64: {  	_ =	shalt  }
0x65: {  	_ =	shalt  }
0x66: {  	_ =	shalt  }
0x67: {  	_ =	shalt  }
0x68: {  	_ =	shalt  }
0x69: {  	_ =	shalt  }
0x6a: {  	_ =	shalt  }
0x6b: {  	_ =	shalt  }
0x6c: {  	_ =	shalt  }
0x6d: {  	_ =	shalt  }
0x6e: {  	_ =	shalt  }
0x6f: {  	_ =	shalt  }
0x70: {  	_ =	shalt  }
0x71: {  	_ =	shalt  }
0x72: {  	_ =	shalt  }
0x73: {  	_ =	shalt  }
0x74: {  	_ =	shalt  }
0x75: {  	_ =	shalt  }
0x76: {  	_ =	shalt  }
0x77: {  	_ =	shalt  }
0x78: {  	_ =	shalt  }
0x79: {  	_ =	shalt  }
0x7a: {  	_ =	shalt  }
0x7b: {  	_ =	shalt  }
0x7c: {  	_ =	shalt  }
0x7d: {  	_ =	shalt  }
0x7e: {  	_ =	shalt  }
0x7f: {  	_ =	shalt  }
0x80: {  	_ =	shalt  }
0x81: {  	_ =	shalt  }
0x82: {  	_ =	shalt  }
0x83: {  	_ =	shalt  }
0x84: {  	_ =	shalt  }
0x85: {  	_ =	shalt  }
0x86: {  	_ =	shalt  }
0x87: {  	_ =	shalt  }
.Lfunc_end0:
.L_simem_size_0:
called_computation.1_lowered:
.L_overlay_start_0:
0x88: {  	s2 =	sld [smem:$0x3FD9]  }
0x89: {  	s3 =	sld [smem:$0x3FFE];
	_ =	sdelay $0x1  }
0x8a: {  	s1 =	srdreg.scid  }
0x8b: {  	s0 =	sand.u32 $0x1, s1  }
0x8c: {  	s17 =	sshll.u32 s0, $0xA;
	s2 =	sadd.s32 s3, s2  }
0x8d: {  	s2 =	sadd.s32 s2, s17  }
0x8e: {  	[smem:$0x3FC0] =	sst s2  }
0x8f: {  	_ = 	snop  }
0x90: {  	s2 =	sld [smem:$0x3FD0];
	(tm) =	ssettm $0x1  }
0x91: {  	s18 =	sld [smem:$0x3FFB];
	_ =	sdelay $0x3  }
0x92: {  	_ =	strace s18  }
0x93: {  	s3 =	sld [smem:$0x3FFC];
	_ =	sdelay $0x3  }
0x94: {  	_ =	strace s3  }
0x95: {  	s3 =	sld [smem:$0x3FFD];
	_ =	sdelay $0x3  }
0x96: {  	_ =	strace s3  }
0x97: {  	_ =	strace $0x8FFFFFFF  }
0x98: {  	s19 =	sld [smem:$0x3FDB];
	_ =	sdelay $0x1  }
0x99: {  	s4 =	simm.s32 $_scs_section_size  }
0x9a: {  	s5 =	simm.s32 $_size__tile_overlayer_lowered;
	s6 =	simm.s32 $_tile_overlayer_lowered  }
0x9b: {  	s22 =	simm.s32 $0x1BFF;
	s21 =	sshll.u32 s6, $0x1;
	s3 =	sadd.s32 s4, s19  }
0x9c: {  	s7 =	simm.s32 $0x0;
	s20 =	sshll.u32 s5, $0x1;
	s5 =	sadd.s32 s21, s3  }
0x9d: {  	[timem:s7], [sflag:s22] =	dma.local [hbm:s5], s20  }
0x9e: {  	_ =	swait.ge [sflag:s22], s20  }
0x9f: {  	s4 =	ssub.s32 $0x0, s20;
	[sflag:s22] =	ssyncset.done $0x0  }
0xa0: {  	[sflag:s22] =	ssyncadd.s32 s4;
	_ =	sdelay $0x1  }
0xa1: {  	s23 =	simm.s32 $0x1B8B  }
0xa2: {  	_ =	swait.ge [sflag:s23], $0x1  }
0xa3: {  	[sflag:s23] =	ssyncset.done $0x0  }
0xa4: {  	s25 =	simm.s32 $0x1B8E;
	s24 =	sld [smem:$0x3FFE];
	[sflag:s23] =	ssyncadd.s32 $0xFFFFFFFF  }
0xa5: {  	s26 =	simm.s32 $execute0_lowered;
	[smem:$0x3FD2] =	sst s25  }
0xa6: {  	s5 =	sshll.u32 s26, $0x1;
	_ =	strace $0x80000049;
	[dreg:$0x1] =	wrdreg $0xFFFFFFFF  }
0xa7: {  	s28 =	simm.s32 $_size_execute0_lowered;
	s3 =	sadd.s32 s3, s5;
	[dreg:$0x0] =	wrdreg $0x0  }
0xa8: {  	s5 =	sshll.u32 s28, $0x1;
	[dreg:$0x2] =	wrdreg s3  }
0xa9: {  	[dreg:$0x3] =	wrdreg s5  }
0xaa: {  	[dreg:$0x4] =	wrdreg $0xC0  }
0xab: {  	_ =	task [dreg:s7], $0x5FFFF  }
0xac: {  	[dreg:$0x1] =	wrdreg $0xFFFFFFFF  }
0xad: {  	[dreg:$0x0] =	wrdreg $0x60  }
0xae: {  	[dreg:$0x2] =	wrdreg s24  }
0xaf: {  	[dreg:$0x3] =	wrdreg s2  }
0xb0: {  	[dreg:$0x4] =	wrdreg $0x0  }
0xb1: {  	[dreg:$0x5] =	wrdreg $0x9  }
0xb2: {  	_ =	task.clear_ibuf [dreg:s7], $0x6FFFF;
	_ =	strace $0x90000049  }
0xb3: {  	s29 =	simm.s32 $0x9;
	_ =	strace $0x8000004B  }
0xb4: {  	_ =	swait.ge [sflag:s29], $0x1  }
0xb5: {  	[sflag:s29] =	ssyncadd.s32 $0xFFFFFFFF  }
0xb6: {  	_ =	strace $0x9000004B  }
0xb7: {  	_ =	sfence  }
0xb8: {  	s30 =	sld [smem:$0x0];
	_ =	sdelay $0x2  }
0xb9: {  	s31 =	sshll.u32 s1, $0xD;
	s1 =	sshrl.u32 s1, $0x2  }
0xba: {  	s3 =	sand.u32 $0x4000, s31;
	s1 =	sadd.s32 s1, s30  }
0xbb: {  	s0 =	sor.u32 s3, s0;
	s1 =	sshll.u32 s1, $0x11  }
0xbc: {  	s0 =	sor.u32 s1, s0  }
0xbd: {  	s0 =	sadd.s32 $0x8F2B, s0  }
0xbe: {  	[sflag:s0] =	ssyncadd.remote.s32 $0x1  }
0xbf: {  	_ =	sfence.sel $0xFFFF  }
0xc0: {  	[dreg:$0x0] =	wrdreg $0xFFFFFFFF;
	(pc) =	sbr.abs _section_cstart, $3  }
0xc1: {  	[dreg:$0x1] =	wrdreg $0xFFFFFFFF  }
0xc2: {  	_ =	task.clear_ibuf [dreg:s7], $0x2FFFF;
	_ =	strace $0x9FFFFFFF  }
0xc3: {  	(tm) =	ssettm $0x7FFFFFFF  }
tec
execute0_lowered:
.L_overlay_start_1:
0x0: {  	(tag) =	ssettag $0x1  }
0x1: {  	s0 =	rddreg [dreg:$0x0]  }
0x2: {  	s3 =	rddreg [dreg:$0x1]  }
0x3: {  	s1 =	rddreg [dreg:$0x2];
	s2 =	simm.s32 $0x0;
	s5 =	srdreg.scid  }
0x4: {  	s9 =	stileid.u32;
	s28 =	simm.s32 $0x1;
	s29 =	simm.s32 $0x2  }
0x5: {  	s30 =	simm.s32 $0x15380;
	s31 =	simm.s32 $0x16700;
	[smem:$0x7FF] =	sst s2  }
0x6: {  	s4 =	sadd.s32 $0x3000, s0;
	s11 =	sadd.s32 $0x53800, s0;
	s6 =	smul.u32 $0x50000, s9  }
0x7: {  	s5 =	sand.u32 $0x1, s5;
	s7 =	sadd.s32 $0x2800, s0;
	s14 =	smul.u32 $0x14000, s9  }
0x8: {  	s0 =	sadd.s32 $0x5D800, s0;
	s12 =	smul.u32 $0x2800, s9;
	_ =	strace $0x8000004A  }
0x9: {  	[dreg:$0x4] =	wrdreg s7;
	s15 =	ssub.s32 $0x2, s5;
	s10 =	smul.u32 $0x28000, s5  }
0xa: {  	s5 =	smul.u32 $0x140000, s5;
	s8 =	sshrl.u32 s15, $0x1;
	s6 =	sshrl.u32 s6, $0x2  }
0xb: {  	s17 =	sadd.s32 $0x8000, s14;
	s18 =	sadd.s32 $0xC000, s14;
	s19 =	sadd.s32 $0x10000, s14  }
0xc: {  	s20 =	ssub.s32 s15, s8;
	s6 =	sadd.s32 s6, s1;
	s15 =	sadd.s32 $0x4000, s14  }
0xd: {  	s8 =	sadd.s32 s17, s1;
	s9 =	sadd.s32 s18, s1;
	s12 =	sadd.s32 s12, s10  }
0xe: {  	s10 =	sadd.s32 s19, s1;
	s21 =	sadd.s32 s14, s5;
	s24 =	sadd.s32 s5, s17  }
0xf: {  	s25 =	sadd.s32 s5, s18;
	s7 =	sadd.s32 s15, s1;
	s13 =	sshrl.u32 s12, $0x3  }
0x10: {  	s15 =	sadd.s32 s5, s15;
	s22 =	sshrl.u32 s21, $0x3;
	s5 =	sadd.s32 s5, s19  }
0x11: {  	s26 =	sshrl.u32 s25, $0x3;
	s20 =	smax.u32 s20, $0x1;
	s21 =	simm.s32 $0x16800  }
0x12: {  	s25 =	simm.s32 $0x80;
	s12 =	sadd.s32 s11, s13;
	s16 =	sadd.s32 s3, s13  }
0x13: {  	s23 =	sshrl.u32 s15, $0x3;
	s15 =	sadd.s32 s0, s22;
	s5 =	sshrl.u32 s5, $0x3  }
0x14: {  	s18 =	sadd.s32 s0, s26;
	s22 =	simm.s32 $0x3;
	[dreg:$0x5] =	wrdreg s12  }
0x15: {  	s26 =	simm.s32 $0x1A800;
	[dreg:$0x6] =	wrdreg s16;
	s16 =	sadd.s32 $0x280, s13  }
0x16: {  	s19 =	sadd.s32 s0, s5;
	s11 =	sadd.s32 s11, s16;
	s3 =	sadd.s32 s3, s16  }
0x17: {  	s16 =	sadd.s32 s0, s23;
	s23 =	simm.s32 $0x14000;
	[dreg:$0x7] =	wrdreg s11  }
0x18: {  	[dreg:$0x8] =	wrdreg s3;
	s3 =	sshrl.u32 s24, $0x3;
	s24 =	simm.s32 $0x15400  }
0x19: {  	s17 =	sadd.s32 s0, s3;
	s0 =	simm.s32 $0x16780;
	s3 =	simm.s32 $0x0  }
.LBB2_1:
0x1a: {  	s5 =	rddreg [dreg:$0x4]  }
0x1b: {  	[tilespmem:s21], [sflag:$0x3] =	stream.linear.gather [hbm4b:s5+s2], $0x4000, $0x38;
	[tilespmem:$0x1E800] =	vst v63  }
0x1c: {  	_ =	swait.ge [sflag:s22], $0x4000  }
0x1d: {  	[sflag:s22] =	ssyncset.done $0x0  }
0x1e: {  	[sflag:s22] =	ssyncadd.s32 $0xFFFFC000  }
0x1f: {  	[spmem:s6] =	stream.linear.scatter [tilespmem:s21], [sflag:$0x3], $0x4000, $0x38;
	[tilespmem:$0x1E800] =	vst v63  }
0x20: {  	_ =	swait.ge [sflag:s22], $0x4000  }
0x21: {  	[sflag:s22] =	ssyncset.done $0x0  }
0x22: {  	[sflag:s22] =	ssyncadd.s32 $0xFFFFC000  }
0x23: {  	[spmem:s7] =	stream.linear.scatter [tilespmem:s21], [sflag:$0x3], $0x4000, $0x38;
	[tilespmem:$0x1E800] =	vst v63  }
0x24: {  	_ =	swait.ge [sflag:s22], $0x4000  }
0x25: {  	[sflag:s22] =	ssyncset.done $0x0  }
0x26: {  	[sflag:s22] =	ssyncadd.s32 $0xFFFFC000  }
0x27: {  	[spmem:s8] =	stream.linear.scatter [tilespmem:s21], [sflag:$0x3], $0x4000, $0x38;
	[tilespmem:$0x1E800] =	vst v63  }
0x28: {  	_ =	swait.ge [sflag:s22], $0x4000  }
0x29: {  	[sflag:s22] =	ssyncset.done $0x0  }
0x2a: {  	[sflag:s22] =	ssyncadd.s32 $0xFFFFC000  }
0x2b: {  	[spmem:s9] =	stream.linear.scatter [tilespmem:s21], [sflag:$0x3], $0x4000, $0x38;
	[tilespmem:$0x1E800] =	vst v63  }
0x2c: {  	_ =	swait.ge [sflag:s22], $0x4000  }
0x2d: {  	[sflag:s22] =	ssyncset.done $0x0  }
0x2e: {  	[sflag:s22] =	ssyncadd.s32 $0xFFFFC000  }
0x2f: {  	[spmem:s10] =	stream.linear.scatter [tilespmem:s21], [sflag:$0x3], $0x4000, $0x38;
	[tilespmem:$0x1E800] =	vst v63  }
0x30: {  	_ =	swait.ge [sflag:s22], $0x4000  }
0x31: {  	[sflag:s22] =	ssyncset.done $0x0  }
0x32: {  	[sflag:s22] =	ssyncadd.s32 $0xFFFFC000  }
0x33: {  	[bflag:$0x0] =	sbarrier.arrive $0xFFFF  }
0x34: {  	s13 =	rddreg [dreg:$0x5]  }
0x35: {  	[tilespmem:s23], [sflag:$0x3] =	stream.linear.gather [hbm4b:s13+s2], $0x1400, $0x38;
	[tilespmem:$0x1E800] =	vst v63  }
0x36: {  	_ =	swait.ge [sflag:s22], $0x1400  }
0x37: {  	[sflag:s22] =	ssyncset.done $0x0  }
0x38: {  	s14 =	rddreg [dreg:$0x6];
	[sflag:s22] =	ssyncadd.s32 $0xFFFFEC00  }
0x39: {  	[tilespmem:s24], [sflag:$0x3] =	stream.linear.gather [hbm4b:s14+s2], $0x1400, $0x38;
	[tilespmem:$0x1E800] =	vst v63  }
0x3a: {  	_ =	swait.ge [sflag:s22], $0x1400  }
0x3b: {  	[sflag:s22] =	ssyncset.done $0x0  }
0x3c: {  	[sflag:s22] =	ssyncadd.s32 $0xFFFFEC00  }
0x3d: {  	[tilespmem:s21], [sflag:$0x1] =	stream.indirect.gather [hbm4b:s4+s25], $0x80, s23, s25, $0xb8;
	[tilespmem:$0x1E800] =	vst v63  }
0x3e: {  	s11 =	simm.s32 $0x14080  }
0x3f: {  	[tilespmem:s26], [sflag:$0x2] =	stream.indirect.gather [hbm4b:s4+s25], $0x80, s11, s25, $0xb8;
	[tilespmem:$0x1E800] =	vst v63  }
0x40: {  	_ =	swait.ge [sflag:s28], $0x4000  }
0x41: {  	[sflag:s28] =	ssyncset.done $0x0  }
0x42: {  	s12 =	simm.s32 $0x15400;
	[sflag:s28] =	ssyncadd.s32 $0xFFFFC000  }
0x43: {  	[spmem:s1] =	stream.indirect.scatter.add.f32 [tilespmem:s21], [sflag:$0x3], $0x80, s12, s25, $0xb8;
	[tilespmem:$0x1E800] =	vst v63  }
0x44: {  	_ =	swait.ge [sflag:s22], $0x4000  }
0x45: {  	[sflag:s22] =	ssyncset.done $0x0  }
0x46: {  	s13 =	simm.s32 $0x14100;
	[sflag:s22] =	ssyncadd.s32 $0xFFFFC000  }
0x47: {  	[tilespmem:s21], [sflag:$0x1] =	stream.indirect.gather [hbm4b:s4+s25], $0x80, s13, s25, $0xb8;
	[tilespmem:$0x1E800] =	vst v63  }
0x48: {  	_ =	swait.ge [sflag:s29], $0x4000  }
0x49: {  	[sflag:s29] =	ssyncset.done $0x0  }
0x4a: {  	s14 =	simm.s32 $0x15480;
	[sflag:s29] =	ssyncadd.s32 $0xFFFFC000  }
0x4b: {  	[spmem:s1] =	stream.indirect.scatter.add.f32 [tilespmem:s26], [sflag:$0x3], $0x80, s14, s25, $0xb8;
	[tilespmem:$0x1E800] =	vst v63  }
0x4c: {  	_ =	swait.ge [sflag:s22], $0x4000  }
0x4d: {  	s5 =	simm.s32 $0x100;
	s11 =	simm.s32 $0x800;
	[sflag:s22] =	ssyncset.done $0x0  }
.LBB2_2:
0x4e: {  	s12 =	sadd.s32 $0x14080, s5  }
0x4f: {  	[sflag:s22] =	ssyncadd.s32 $0xFFFFC000;
	s13 =	smov.u32 s11;
	s14 =	sadd.s32 $0x400, s11  }
0x50: {  	[tilespmem:s26], [sflag:$0x2] =	stream.indirect.gather [hbm4b:s4+s25], $0x80, s12, s25, $0xb8;
	[tilespmem:$0x1E800] =	vst v63  }
0x51: {  	p0 =	sne.s32 s11, $0x4800;
	_ =	swait.ge [sflag:s28], $0x4000  }
0x52: {  	[sflag:s28] =	ssyncset.done $0x0  }
0x53: {  	s11 =	sadd.s32 $0x15400, s5;
	[sflag:s28] =	ssyncadd.s32 $0xFFFFC000  }
0x54: {  	[spmem:s1] =	stream.indirect.scatter.add.f32 [tilespmem:s21], [sflag:$0x3], $0x80, s11, s25, $0xb8;
	[tilespmem:$0x1E800] =	vst v63  }
0x55: {  	_ =	swait.ge [sflag:s22], $0x4000  }
0x56: {  	[sflag:s22] =	ssyncset.done $0x0  }
0x57: {  	s11 =	sadd.s32 $0x14100, s5;
	[sflag:s22] =	ssyncadd.s32 $0xFFFFC000  }
0x58: {  	[tilespmem:s21], [sflag:$0x1] =	stream.indirect.gather [hbm4b:s4+s25], $0x80, s11, s25, $0xb8;
	[tilespmem:$0x1E800] =	vst v63  }
0x59: {  	_ =	swait.ge [sflag:s29], $0x4000  }
.Ltmp0:
0x5a: {  	[sflag:s29] =	ssyncset.done $0x0;
	(pc) =	sbr.rel @p0 .LBB2_2-.Ltmp0, $4  }
0x5b: {  	s5 =	sadd.s32 $0x15480, s5;
	[sflag:s29] =	ssyncadd.s32 $0xFFFFC000  }
0x5c: {  	[spmem:s1] =	stream.indirect.scatter.add.f32 [tilespmem:s26], [sflag:$0x3], $0x80, s5, s25, $0xb8;
	[tilespmem:$0x1E800] =	vst v63  }
0x5d: {  	_ =	swait.ge [sflag:s22], $0x4000  }
0x5e: {  	s11 =	smov.u32 s14;
	s5 =	sshra.s32 s13, $0x2;
	[sflag:s22] =	ssyncset.done $0x0  }
0x5f: {  	s11 =	sadd.s32 $0x14080, s5;
	[sflag:s22] =	ssyncadd.s32 $0xFFFFC000  }
0x60: {  	[tilespmem:s26], [sflag:$0x2] =	stream.indirect.gather [hbm4b:s4+s25], $0x80, s11, s25, $0xb8;
	[tilespmem:$0x1E800] =	vst v63  }
0x61: {  	_ =	swait.ge [sflag:s28], $0x4000  }
0x62: {  	[sflag:s28] =	ssyncset.done $0x0  }
0x63: {  	s13 =	sadd.s32 $0x15400, s5;
	[sflag:s28] =	ssyncadd.s32 $0xFFFFC000  }
0x64: {  	[spmem:s1] =	stream.indirect.scatter.add.f32 [tilespmem:s21], [sflag:$0x3], $0x80, s13, s25, $0xb8;
	[tilespmem:$0x1E800] =	vst v63  }
0x65: {  	_ =	swait.ge [sflag:s22], $0x4000  }
0x66: {  	[sflag:s22] =	ssyncset.done $0x0  }
0x67: {  	s14 =	sadd.s32 $0x14100, s5;
	[sflag:s22] =	ssyncadd.s32 $0xFFFFC000  }
0x68: {  	[tilespmem:s21], [sflag:$0x1] =	stream.indirect.gather [hbm4b:s4+s25], $0x80, s14, s25, $0xb8;
	[tilespmem:$0x1E800] =	vst v63  }
0x69: {  	_ =	swait.ge [sflag:s29], $0x4000  }
0x6a: {  	[sflag:s29] =	ssyncset.done $0x0  }
0x6b: {  	s11 =	sadd.s32 $0x15480, s5;
	[sflag:s29] =	ssyncadd.s32 $0xFFFFC000  }
0x6c: {  	[spmem:s1] =	stream.indirect.scatter.add.f32 [tilespmem:s26], [sflag:$0x3], $0x80, s11, s25, $0xb8;
	[tilespmem:$0x1E800] =	vst v63  }
0x6d: {  	_ =	swait.ge [sflag:s22], $0x4000  }
0x6e: {  	[sflag:s22] =	ssyncset.done $0x0  }
0x6f: {  	[sflag:s22] =	ssyncadd.s32 $0xFFFFC000  }
0x70: {  	[tilespmem:s26], [sflag:$0x2] =	stream.indirect.gather [hbm4b:s4+s25], $0x80, s30, s25, $0xb8;
	[tilespmem:$0x1E800] =	vst v63  }
0x71: {  	_ =	swait.ge [sflag:s28], $0x4000  }
0x72: {  	[sflag:s28] =	ssyncset.done $0x0  }
0x73: {  	[sflag:s28] =	ssyncadd.s32 $0xFFFFC000  }
0x74: {  	[spmem:s1] =	stream.indirect.scatter.add.f32 [tilespmem:s21], [sflag:$0x3], $0x80, s31, s25, $0xb8;
	[tilespmem:$0x1E800] =	vst v63  }
0x75: {  	_ =	swait.ge [sflag:s22], $0x4000  }
0x76: {  	[sflag:s22] =	ssyncset.done $0x0  }
0x77: {  	[sflag:s22] =	ssyncadd.s32 $0xFFFFC000  }
0x78: {  	_ =	swait.ge [sflag:s29], $0x4000  }
0x79: {  	[sflag:s29] =	ssyncset.done $0x0  }
0x7a: {  	[sflag:s29] =	ssyncadd.s32 $0xFFFFC000  }
0x7b: {  	[spmem:s1] =	stream.indirect.scatter.add.f32 [tilespmem:s26], [sflag:$0x3], $0x80, s0, s25, $0xb8;
	[tilespmem:$0x1E800] =	vst v63  }
0x7c: {  	_ =	swait.ge [sflag:s22], $0x4000  }
0x7d: {  	[sflag:s22] =	ssyncset.done $0x0  }
0x7e: {  	s12 =	simm.s32 $0x0;
	s13 =	rddreg [dreg:$0x7];
	[sflag:s22] =	ssyncadd.s32 $0xFFFFC000  }
0x7f: {  	[tilespmem:s23], [sflag:$0x3] =	stream.linear.gather [hbm4b:s13+s12], $0x1400, $0x38;
	[tilespmem:$0x1E800] =	vst v63  }
0x80: {  	_ =	swait.ge [sflag:s22], $0x1400  }
0x81: {  	[sflag:s22] =	ssyncset.done $0x0  }
0x82: {  	s14 =	rddreg [dreg:$0x8];
	[sflag:s22] =	ssyncadd.s32 $0xFFFFEC00  }
0x83: {  	[tilespmem:s24], [sflag:$0x3] =	stream.linear.gather [hbm4b:s14+s12], $0x1400, $0x38;
	[tilespmem:$0x1E800] =	vst v63  }
0x84: {  	_ =	swait.ge [sflag:s22], $0x1400  }
0x85: {  	[sflag:s22] =	ssyncset.done $0x0  }
0x86: {  	[sflag:s22] =	ssyncadd.s32 $0xFFFFEC00  }
0x87: {  	[tilespmem:s21], [sflag:$0x1] =	stream.indirect.gather [hbm4b:s4+s25], $0x80, s23, s25, $0xb8;
	[tilespmem:$0x1E800] =	vst v63  }
0x88: {  	s11 =	simm.s32 $0x14080  }
0x89: {  	[tilespmem:s26], [sflag:$0x2] =	stream.indirect.gather [hbm4b:s4+s25], $0x80, s11, s25, $0xb8;
	[tilespmem:$0x1E800] =	vst v63  }
0x8a: {  	_ =	swait.ge [sflag:s28], $0x4000  }
0x8b: {  	[sflag:s28] =	ssyncset.done $0x0  }
0x8c: {  	s12 =	simm.s32 $0x15400;
	[sflag:s28] =	ssyncadd.s32 $0xFFFFC000  }
0x8d: {  	[spmem:s1] =	stream.indirect.scatter.add.f32 [tilespmem:s21], [sflag:$0x3], $0x80, s12, s25, $0xb8;
	[tilespmem:$0x1E800] =	vst v63  }
0x8e: {  	_ =	swait.ge [sflag:s22], $0x4000  }
0x8f: {  	[sflag:s22] =	ssyncset.done $0x0  }
0x90: {  	s13 =	simm.s32 $0x14100;
	[sflag:s22] =	ssyncadd.s32 $0xFFFFC000  }
0x91: {  	[tilespmem:s21], [sflag:$0x1] =	stream.indirect.gather [hbm4b:s4+s25], $0x80, s13, s25, $0xb8;
	[tilespmem:$0x1E800] =	vst v63  }
0x92: {  	_ =	swait.ge [sflag:s29], $0x4000  }
0x93: {  	[sflag:s29] =	ssyncset.done $0x0  }
0x94: {  	s14 =	simm.s32 $0x15480;
	[sflag:s29] =	ssyncadd.s32 $0xFFFFC000  }
0x95: {  	[spmem:s1] =	stream.indirect.scatter.add.f32 [tilespmem:s26], [sflag:$0x3], $0x80, s14, s25, $0xb8;
	[tilespmem:$0x1E800] =	vst v63  }
0x96: {  	_ =	swait.ge [sflag:s22], $0x4000  }
0x97: {  	s5 =	simm.s32 $0x100;
	s11 =	simm.s32 $0x800;
	[sflag:s22] =	ssyncset.done $0x0  }
.LBB2_4:
0x98: {  	s12 =	sadd.s32 $0x14080, s5  }
0x99: {  	[sflag:s22] =	ssyncadd.s32 $0xFFFFC000;
	s13 =	smov.u32 s11;
	s14 =	sadd.s32 $0x400, s11  }
0x9a: {  	[tilespmem:s26], [sflag:$0x2] =	stream.indirect.gather [hbm4b:s4+s25], $0x80, s12, s25, $0xb8;
	[tilespmem:$0x1E800] =	vst v63  }
0x9b: {  	p0 =	sne.s32 s11, $0x4800;
	_ =	swait.ge [sflag:s28], $0x4000  }
0x9c: {  	[sflag:s28] =	ssyncset.done $0x0  }
0x9d: {  	s11 =	sadd.s32 $0x15400, s5;
	[sflag:s28] =	ssyncadd.s32 $0xFFFFC000  }
0x9e: {  	[spmem:s1] =	stream.indirect.scatter.add.f32 [tilespmem:s21], [sflag:$0x3], $0x80, s11, s25, $0xb8;
	[tilespmem:$0x1E800] =	vst v63  }
0x9f: {  	_ =	swait.ge [sflag:s22], $0x4000  }
0xa0: {  	[sflag:s22] =	ssyncset.done $0x0  }
0xa1: {  	s11 =	sadd.s32 $0x14100, s5;
	[sflag:s22] =	ssyncadd.s32 $0xFFFFC000  }
0xa2: {  	[tilespmem:s21], [sflag:$0x1] =	stream.indirect.gather [hbm4b:s4+s25], $0x80, s11, s25, $0xb8;
	[tilespmem:$0x1E800] =	vst v63  }
0xa3: {  	_ =	swait.ge [sflag:s29], $0x4000  }
.Ltmp1:
0xa4: {  	[sflag:s29] =	ssyncset.done $0x0;
	(pc) =	sbr.rel @p0 .LBB2_4-.Ltmp1, $4  }
0xa5: {  	s5 =	sadd.s32 $0x15480, s5;
	[sflag:s29] =	ssyncadd.s32 $0xFFFFC000  }
0xa6: {  	[spmem:s1] =	stream.indirect.scatter.add.f32 [tilespmem:s26], [sflag:$0x3], $0x80, s5, s25, $0xb8;
	[tilespmem:$0x1E800] =	vst v63  }
0xa7: {  	_ =	swait.ge [sflag:s22], $0x4000  }
0xa8: {  	s11 =	smov.u32 s14;
	s5 =	sshra.s32 s13, $0x2;
	[sflag:s22] =	ssyncset.done $0x0  }
0xa9: {  	s11 =	sadd.s32 $0x14080, s5;
	[sflag:s22] =	ssyncadd.s32 $0xFFFFC000  }
0xaa: {  	[tilespmem:s26], [sflag:$0x2] =	stream.indirect.gather [hbm4b:s4+s25], $0x80, s11, s25, $0xb8;
	[tilespmem:$0x1E800] =	vst v63  }
0xab: {  	_ =	swait.ge [sflag:s28], $0x4000  }
0xac: {  	[sflag:s28] =	ssyncset.done $0x0  }
0xad: {  	s13 =	sadd.s32 $0x15400, s5;
	[sflag:s28] =	ssyncadd.s32 $0xFFFFC000  }
0xae: {  	[spmem:s1] =	stream.indirect.scatter.add.f32 [tilespmem:s21], [sflag:$0x3], $0x80, s13, s25, $0xb8;
	[tilespmem:$0x1E800] =	vst v63  }
0xaf: {  	_ =	swait.ge [sflag:s22], $0x4000  }
0xb0: {  	[sflag:s22] =	ssyncset.done $0x0  }
0xb1: {  	s14 =	sadd.s32 $0x14100, s5;
	[sflag:s22] =	ssyncadd.s32 $0xFFFFC000  }
0xb2: {  	[tilespmem:s21], [sflag:$0x1] =	stream.indirect.gather [hbm4b:s4+s25], $0x80, s14, s25, $0xb8;
	[tilespmem:$0x1E800] =	vst v63  }
0xb3: {  	_ =	swait.ge [sflag:s29], $0x4000  }
0xb4: {  	[sflag:s29] =	ssyncset.done $0x0  }
0xb5: {  	s11 =	sadd.s32 $0x15480, s5;
	[sflag:s29] =	ssyncadd.s32 $0xFFFFC000  }
0xb6: {  	[spmem:s1] =	stream.indirect.scatter.add.f32 [tilespmem:s26], [sflag:$0x3], $0x80, s11, s25, $0xb8;
	[tilespmem:$0x1E800] =	vst v63  }
0xb7: {  	_ =	swait.ge [sflag:s22], $0x4000  }
0xb8: {  	[sflag:s22] =	ssyncset.done $0x0  }
0xb9: {  	[sflag:s22] =	ssyncadd.s32 $0xFFFFC000  }
0xba: {  	[tilespmem:s26], [sflag:$0x2] =	stream.indirect.gather [hbm4b:s4+s25], $0x80, s30, s25, $0xb8;
	[tilespmem:$0x1E800] =	vst v63  }
0xbb: {  	_ =	swait.ge [sflag:s28], $0x4000  }
0xbc: {  	[sflag:s28] =	ssyncset.done $0x0  }
0xbd: {  	[sflag:s28] =	ssyncadd.s32 $0xFFFFC000  }
0xbe: {  	[spmem:s1] =	stream.indirect.scatter.add.f32 [tilespmem:s21], [sflag:$0x3], $0x80, s31, s25, $0xb8;
	[tilespmem:$0x1E800] =	vst v63  }
0xbf: {  	_ =	swait.ge [sflag:s22], $0x4000  }
0xc0: {  	[sflag:s22] =	ssyncset.done $0x0  }
0xc1: {  	[sflag:s22] =	ssyncadd.s32 $0xFFFFC000  }
0xc2: {  	_ =	swait.ge [sflag:s29], $0x4000  }
0xc3: {  	[sflag:s29] =	ssyncset.done $0x0  }
0xc4: {  	[sflag:s29] =	ssyncadd.s32 $0xFFFFC000  }
0xc5: {  	[spmem:s1] =	stream.indirect.scatter.add.f32 [tilespmem:s26], [sflag:$0x3], $0x80, s0, s25, $0xb8;
	[tilespmem:$0x1E800] =	vst v63  }
0xc6: {  	_ =	swait.ge [sflag:s22], $0x4000  }
0xc7: {  	s12 =	stileid.u32;
	[sflag:s22] =	ssyncset.done $0x0  }
0xc8: {  	s5 =	sshll.u32 s12, $0x6;
	[sflag:s22] =	ssyncadd.s32 $0xFFFFC000  }
0xc9: {  	s5 =	sor.u32 $0x1C03, s5;
	s13 =	sshrl.u32 s6, $0x3;
	[bflag:$0x0] =	sbarrier.arrive $0xFFFF  }
0xca: {  	[hbm:s15], [sflag:s5] =	dma.local [spmem:s13], $0x800  }
0xcb: {  	_ =	swait.ge [sflag:s22], $0x800  }
0xcc: {  	[sflag:s22] =	ssyncset.done $0x0  }
0xcd: {  	s14 =	sshrl.u32 s7, $0x3;
	[sflag:s22] =	ssyncadd.s32 $0xFFFFF800  }
0xce: {  	[hbm:s16], [sflag:s5] =	dma.local [spmem:s14], $0x800  }
0xcf: {  	_ =	swait.ge [sflag:s22], $0x800  }
0xd0: {  	[sflag:s22] =	ssyncset.done $0x0  }
0xd1: {  	s12 =	sshrl.u32 s8, $0x3;
	[sflag:s22] =	ssyncadd.s32 $0xFFFFF800  }
0xd2: {  	[hbm:s17], [sflag:s5] =	dma.local [spmem:s12], $0x800  }
0xd3: {  	_ =	swait.ge [sflag:s22], $0x800  }
0xd4: {  	[sflag:s22] =	ssyncset.done $0x0  }
0xd5: {  	s13 =	sshrl.u32 s9, $0x3;
	[sflag:s22] =	ssyncadd.s32 $0xFFFFF800  }
0xd6: {  	[hbm:s18], [sflag:s5] =	dma.local [spmem:s13], $0x800  }
0xd7: {  	s3 =	sadd.s32 $0x1, s3;
	_ =	swait.ge [sflag:s22], $0x800  }
0xd8: {  	p0 =	sne.s32 s3, s20;
	[sflag:s22] =	ssyncset.done $0x0  }
.Ltmp2:
0xd9: {  	s14 =	sshrl.u32 s10, $0x3;
	[sflag:s22] =	ssyncadd.s32 $0xFFFFF800;
	(pc) =	sbr.rel @p0 .LBB2_1-.Ltmp2, $4  }
0xda: {  	[hbm:s19], [sflag:s5] =	dma.local [spmem:s14], $0x800  }
0xdb: {  	_ =	swait.ge [sflag:s22], $0x800  }
0xdc: {  	[sflag:s22] =	ssyncset.done $0x0  }
0xdd: {  	[sflag:s22] =	ssyncadd.s32 $0xFFFFF800  }
0xde: {  	_ =	sfence.sel $0x180000  }
0xdf: {  	[bflag:$0x0] =	sbarrier.arrive $0xFFFF  }
0xe0: {  	_ =	strace $0x9000004A  }
0xe1: {  	s0 =	stileid.u32;
	[bflag:$0x2] =	sbarrier.arrive $0xFFFF  }
0xe2: {  	p0 =	sne.s32 s0, $0x0;
	s0 =	rddreg [dreg:$0x3]  }
0xe3: {  	s0 =	sadd.s32 @!p0 $0x100000, s0  }
0xe4: {  	[sflag:s0] =	ssyncadd.tile.s32 @!p0 $0x1;
	_ =	shalt  }
.Lfunc_end2:
_tile_overlayer_lowered:
.L_overlay_start_2:
0xe5: {  	(tag) =	ssettag $0x2  }
0xe6: {  	s0 =	rddreg [dreg:$0x0];
	s2 =	stileid.u32  }
0xe7: {  	s1 =	rddreg [dreg:$0x1];
	p0 =	sne.s32 s2, $0x0  }
0xe8: {  	s3 =	rddreg [dreg:$0x2];
	[bflag:$0x3] =	sbarrier.arrive $0xFFFF;
	s2 =	simm.s32 @!p0 $0x1C03  }
0xe9: {  	[timem:s3], [sflag:s2] =	dma.local @!p0 [hbm:s0], s1  }
0xea: {  	s0 =	simm.s32 @!p0 $0x3  }
0xeb: {  	_ =	swait.ge @!p0 [sflag:s0], s1  }
0xec: {  	s1 =	ssub.s32 @!p0 $0x0, s1;
	[sflag:s0] =	ssyncset.done @!p0 $0x0  }
0xed: {  	[sflag:s0] =	ssyncadd.s32 @!p0 s1  }
0xee: {  	[bflag:$0x3] =	sbarrier.arrive $0xFFFF  }
0xef: {  	_ =	shalt  }

// kernel: kernel.14.cloned.1.call-start
scs
__scs_entry_jumppad:
0x0: {  	(pc) =	sbr.rel $0x88, $3  }
0x1: {  	(tag) =	ssettag $0x0;
	lr =	simm.s32 $0x1  }
0x2: {  	[smem:$0x3F99] =	sst lr;
	_ =	strace $0xD0000000  }
0x3: {  	_ = 	snop  }
0x4: {  	_ = 	snop  }
0x5: {  	_ = 	snop  }
0x6: {  	_ = 	snop  }
0x7: {  	_ = 	snop  }
__scs_overlays_trampoline_lowered:
0x8: {  	[smem:$0x3FA8] =	sst s0  }
0x9: {  	[smem:$0x3FA9] =	sst s1  }
0xa: {  	[smem:$0x3FAA] =	sst s2  }
0xb: {  	[smem:$0x3FAB] =	sst s3  }
0xc: {  	[smem:$0x3FAC] =	sst s4  }
0xd: {  	[smem:$0x3FAD] =	sst s5  }
0xe: {  	[smem:$0x3FAE] =	sst s6  }
0xf: {  	[smem:$0x3FAF] =	sst s7  }
0x10: {  	[smem:$0x3FB0] =	sst s8  }
0x11: {  	[smem:$0x3FB1] =	sst s9;
	s0 =	simm.s32 @!p0 $0x0  }
0x12: {  	s1 =	sld [smem:$0x3F97];
	s0 =	simm.s32 @p0 $0x1  }
0x13: {  	[smem:$0x3FB2] =	sst s0;
	s0 =	simm.s32 @!p1 $0x0  }
0x14: {  	s2 =	sld [smem:$0x3F96];
	s0 =	simm.s32 @p1 $0x1  }
0x15: {  	[smem:$0x3FB3] =	sst s0;
	s0 =	simm.s32 @!p2 $0x0  }
0x16: {  	s3 =	sld [smem:$0x3FDB];
	s0 =	simm.s32 @p2 $0x1  }
0x17: {  	s4 =	simm.s32 $0x1BF5;
	[smem:$0x3FB5] =	sst s0  }
0x18: {  	s0 =	sld [smem:$0x3F98];
	_ =	swait.ge [sflag:s4], $0x0  }
0x19: {  	s7 =	sld [smem:$0x3F99]  }
0x1a: {  	s8 =	sadd.s32 $0xFFFFE003, lr  }
0x1b: {  	s9 =	sadd.s32 $0xFFFFFEF7, lr;
	s5 =	simm.s32 $0xFFFFFFFF;
	p2 =	slt.u32 s8, $0xFFFFF086  }
0x1c: {  	p1 =	slt.u32 s9, $0xF7A;
	s5 =	simm.s32 @!p2 $0x0  }
0x1d: {  	s5 =	simm.s32 @p1 $0x1;
	p0 =	seq.s32 s7, s2  }
0x1e: {  	s7 =	smul.u32 @!p0 $0xF7A, s2;
	p2 =	seq.s32 @!p0 s5, $0x0  }
0x1f: {  	s9 =	smul.u32 $0xF7A, s1;
	s8 =	simm.s32 @!p0 $0x1BF5;
	p2 =	por !p2, p0  }
0x20: {  	[sflag:s8] =	ssyncset.s32 @!p0 $0xFFFFF086;
	s6 =	sadd.s32 @!p0 s3, s7;
	s7 =	simm.s32 @!p0 $0x108  }
0x21: {  	s3 =	sadd.s32 s3, s9;
	s6 =	sadd.s32 @!p0 $0x88, s6;
	s7 =	simm.s32 @p2 $0x1082  }
0x22: {  	[simem:s7], [sflag:s8] =	dma.local @!p0 [hbm:s6], $0xF7A  }
0x23: {  	s9 =	sor.u32 $0xD0000000, s2;
	s6 =	simm.s32 $0x108;
	_ =	swait.ge @!p0 [sflag:s8], $0x0  }
0x24: {  	s3 =	sadd.s32 $0x88, s3;
	s6 =	simm.s32 @!p1 $0x1082;
	[sflag:s4] =	ssyncset.s32 $0xFFFFF086  }
0x25: {  	[simem:s6], [sflag:s4] =	dma.local [hbm:s3], $0xF7A  }
0x26: {  	[smem:$0x3F99] =	sst s1;
	(tag) =	ssettag s2;
	_ =	strace s9  }
0x27: {  	s1 =	sld [smem:$0x3FA9]  }
0x28: {  	s2 =	sld [smem:$0x3FAA]  }
0x29: {  	s4 =	sld [smem:$0x3FAC]  }
0x2a: {  	p0 =	seq.s32 s5, $0x0;
	s5 =	sld [smem:$0x3FAD]  }
0x2b: {  	s6 =	sld [smem:$0x3FAE]  }
0x2c: {  	s7 =	sld [smem:$0x3FAF]  }
0x2d: {  	s3 =	simm.s32 $0x108;
	s8 =	sld [smem:$0x3FB0]  }
0x2e: {  	s3 =	simm.s32 @!p0 $0x1082;
	s9 =	sld [smem:$0x3FB1]  }
0x2f: {  	lr =	sadd.s32 s0, s3;
	s0 =	sld [smem:$0x3FA8]  }
0x30: {  	s3 =	sld [smem:$0x3FAB]  }
0x31: {  	[smem:$0x3FB4] =	sst s10  }
0x32: {  	s10 =	sld [smem:$0x3FB2];
	_ =	sdelay $0x3  }
0x33: {  	p0 =	seq.s32 s10, $0x1;
	s10 =	sld [smem:$0x3FB4];
	_ =	sdelay $0x3  }
0x34: {  	[smem:$0x3FB4] =	sst s10  }
0x35: {  	s10 =	sld [smem:$0x3FB3];
	_ =	sdelay $0x3  }
0x36: {  	p1 =	seq.s32 s10, $0x1;
	s10 =	sld [smem:$0x3FB4];
	_ =	sdelay $0x3  }
0x37: {  	[smem:$0x3FB4] =	sst s10  }
0x38: {  	s10 =	sld [smem:$0x3FB5]  }
0x39: {  	_ = 	snop;
	(pc) =	sbr.ind lr, $3  }
0x3a: {  	_ = 	snop  }
0x3b: {  	_ = 	snop  }
0x3c: {  	p2 =	seq.s32 s10, $0x1;
	s10 =	sld [smem:$0x3FB4]  }
0x3d: {  	_ =	shalt  }
0x3e: {  	_ =	shalt  }
0x3f: {  	_ =	shalt  }
0x40: {  	_ =	shalt  }
0x41: {  	_ =	shalt  }
0x42: {  	_ =	shalt  }
0x43: {  	_ =	shalt  }
0x44: {  	_ =	shalt  }
0x45: {  	_ =	shalt  }
0x46: {  	_ =	shalt  }
0x47: {  	_ =	shalt  }
0x48: {  	_ =	shalt  }
0x49: {  	_ =	shalt  }
0x4a: {  	_ =	shalt  }
0x4b: {  	_ =	shalt  }
0x4c: {  	_ =	shalt  }
0x4d: {  	_ =	shalt  }
0x4e: {  	_ =	shalt  }
0x4f: {  	_ =	shalt  }
0x50: {  	_ =	shalt  }
0x51: {  	_ =	shalt  }
0x52: {  	_ =	shalt  }
0x53: {  	_ =	shalt  }
0x54: {  	_ =	shalt  }
0x55: {  	_ =	shalt  }
0x56: {  	_ =	shalt  }
0x57: {  	_ =	shalt  }
0x58: {  	_ =	shalt  }
0x59: {  	_ =	shalt  }
0x5a: {  	_ =	shalt  }
0x5b: {  	_ =	shalt  }
0x5c: {  	_ =	shalt  }
0x5d: {  	_ =	shalt  }
0x5e: {  	_ =	shalt  }
0x5f: {  	_ =	shalt  }
0x60: {  	_ =	shalt  }
0x61: {  	_ =	shalt  }
0x62: {  	_ =	shalt  }
0x63: {  	_ =	shalt  }
0x64: {  	_ =	shalt  }
0x65: {  	_ =	shalt  }
0x66: {  	_ =	shalt  }
0x67: {  	_ =	shalt  }
0x68: {  	_ =	shalt  }
0x69: {  	_ =	shalt  }
0x6a: {  	_ =	shalt  }
0x6b: {  	_ =	shalt  }
0x6c: {  	_ =	shalt  }
0x6d: {  	_ =	shalt  }
0x6e: {  	_ =	shalt  }
0x6f: {  	_ =	shalt  }
0x70: {  	_ =	shalt  }
0x71: {  	_ =	shalt  }
0x72: {  	_ =	shalt  }
0x73: {  	_ =	shalt  }
0x74: {  	_ =	shalt  }
0x75: {  	_ =	shalt  }
0x76: {  	_ =	shalt  }
0x77: {  	_ =	shalt  }
0x78: {  	_ =	shalt  }
0x79: {  	_ =	shalt  }
0x7a: {  	_ =	shalt  }
0x7b: {  	_ =	shalt  }
0x7c: {  	_ =	shalt  }
0x7d: {  	_ =	shalt  }
0x7e: {  	_ =	shalt  }
0x7f: {  	_ =	shalt  }
0x80: {  	_ =	shalt  }
0x81: {  	_ =	shalt  }
0x82: {  	_ =	shalt  }
0x83: {  	_ =	shalt  }
0x84: {  	_ =	shalt  }
0x85: {  	_ =	shalt  }
0x86: {  	_ =	shalt  }
0x87: {  	_ =	shalt  }
.Lfunc_end0:
.L_simem_size_0:
called_computation.2_lowered:
.L_overlay_start_0:
0x88: {  	s2 =	sld [smem:$0x3FD9]  }
0x89: {  	s3 =	sld [smem:$0x3FFE];
	_ =	sdelay $0x1  }
0x8a: {  	s1 =	srdreg.scid  }
0x8b: {  	s0 =	sand.u32 $0x1, s1  }
0x8c: {  	s17 =	sshll.u32 s0, $0xA;
	s2 =	sadd.s32 s3, s2  }
0x8d: {  	s2 =	sadd.s32 s2, s17  }
0x8e: {  	[smem:$0x3FC0] =	sst s2  }
0x8f: {  	_ = 	snop  }
0x90: {  	s2 =	sld [smem:$0x3FD0];
	(tm) =	ssettm $0x1  }
0x91: {  	s18 =	sld [smem:$0x3FFB];
	_ =	sdelay $0x3  }
0x92: {  	_ =	strace s18  }
0x93: {  	s3 =	sld [smem:$0x3FFC];
	_ =	sdelay $0x3  }
0x94: {  	_ =	strace s3  }
0x95: {  	s3 =	sld [smem:$0x3FFD];
	_ =	sdelay $0x3  }
0x96: {  	_ =	strace s3  }
0x97: {  	_ =	strace $0x8FFFFFFF  }
0x98: {  	s19 =	sld [smem:$0x3FDB];
	_ =	sdelay $0x1  }
0x99: {  	s4 =	simm.s32 $_scs_section_size  }
0x9a: {  	s5 =	simm.s32 $_size__tile_overlayer_lowered;
	s6 =	simm.s32 $_tile_overlayer_lowered  }
0x9b: {  	s22 =	simm.s32 $0x1BFF;
	s21 =	sshll.u32 s6, $0x1;
	s3 =	sadd.s32 s4, s19  }
0x9c: {  	s7 =	simm.s32 $0x0;
	s20 =	sshll.u32 s5, $0x1;
	s5 =	sadd.s32 s21, s3  }
0x9d: {  	[timem:s7], [sflag:s22] =	dma.local [hbm:s5], s20  }
0x9e: {  	_ =	swait.ge [sflag:s22], s20  }
0x9f: {  	s4 =	ssub.s32 $0x0, s20;
	[sflag:s22] =	ssyncset.done $0x0  }
0xa0: {  	[sflag:s22] =	ssyncadd.s32 s4;
	_ =	sdelay $0x1  }
0xa1: {  	s23 =	simm.s32 $0x1B8B  }
0xa2: {  	_ =	swait.ge [sflag:s23], $0x1  }
0xa3: {  	[sflag:s23] =	ssyncset.done $0x0  }
0xa4: {  	s25 =	simm.s32 $0x1B8E;
	s24 =	sld [smem:$0x3FFE];
	[sflag:s23] =	ssyncadd.s32 $0xFFFFFFFF  }
0xa5: {  	s26 =	simm.s32 $execute0_lowered;
	[smem:$0x3FD2] =	sst s25  }
0xa6: {  	s5 =	sshll.u32 s26, $0x1;
	_ =	strace $0x8000004C;
	[dreg:$0x1] =	wrdreg $0xFFFFFFFF  }
0xa7: {  	s28 =	simm.s32 $_size_execute0_lowered;
	s3 =	sadd.s32 s3, s5;
	[dreg:$0x0] =	wrdreg $0x0  }
0xa8: {  	s5 =	sshll.u32 s28, $0x1;
	[dreg:$0x2] =	wrdreg s3  }
0xa9: {  	[dreg:$0x3] =	wrdreg s5  }
0xaa: {  	[dreg:$0x4] =	wrdreg $0xC0  }
0xab: {  	_ =	task [dreg:s7], $0x5FFFF  }
0xac: {  	[dreg:$0x1] =	wrdreg $0xFFFFFFFF  }
0xad: {  	[dreg:$0x0] =	wrdreg $0x60  }
0xae: {  	[dreg:$0x2] =	wrdreg s24  }
0xaf: {  	[dreg:$0x3] =	wrdreg s2  }
0xb0: {  	[dreg:$0x4] =	wrdreg $0x0  }
0xb1: {  	[dreg:$0x5] =	wrdreg $0x9  }
0xb2: {  	_ =	task.clear_ibuf [dreg:s7], $0x6FFFF;
	_ =	strace $0x9000004C  }
0xb3: {  	s29 =	simm.s32 $0x9;
	_ =	strace $0x8000004E  }
0xb4: {  	_ =	swait.ge [sflag:s29], $0x1  }
0xb5: {  	[sflag:s29] =	ssyncadd.s32 $0xFFFFFFFF  }
0xb6: {  	_ =	strace $0x9000004E  }
0xb7: {  	_ =	sfence  }
0xb8: {  	s30 =	sld [smem:$0x0];
	_ =	sdelay $0x2  }
0xb9: {  	s31 =	sshll.u32 s1, $0xD;
	s1 =	sshrl.u32 s1, $0x2  }
0xba: {  	s3 =	sand.u32 $0x4000, s31;
	s1 =	sadd.s32 s1, s30  }
0xbb: {  	s0 =	sor.u32 s3, s0;
	s1 =	sshll.u32 s1, $0x11  }
0xbc: {  	s0 =	sor.u32 s1, s0  }
0xbd: {  	s0 =	sadd.s32 $0x8F2B, s0  }
0xbe: {  	[sflag:s0] =	ssyncadd.remote.s32 $0x1  }
0xbf: {  	_ =	sfence.sel $0xFFFF  }
0xc0: {  	[dreg:$0x0] =	wrdreg $0xFFFFFFFF;
	(pc) =	sbr.abs _section_cstart, $3  }
0xc1: {  	[dreg:$0x1] =	wrdreg $0xFFFFFFFF  }
0xc2: {  	_ =	task.clear_ibuf [dreg:s7], $0x2FFFF;
	_ =	strace $0x9FFFFFFF  }
0xc3: {  	(tm) =	ssettm $0x7FFFFFFF  }
tec
execute0_lowered:
.L_overlay_start_1:
0x0: {  	(tag) =	ssettag $0x1  }
0x1: {  	s0 =	rddreg [dreg:$0x0]  }
0x2: {  	s3 =	rddreg [dreg:$0x1]  }
0x3: {  	s1 =	rddreg [dreg:$0x2];
	s2 =	simm.s32 $0x0;
	s5 =	srdreg.scid  }
0x4: {  	s9 =	stileid.u32;
	s28 =	simm.s32 $0x1;
	s29 =	simm.s32 $0x2  }
0x5: {  	s30 =	simm.s32 $0x15380;
	s31 =	simm.s32 $0x16700;
	[smem:$0x7FF] =	sst s2  }
0x6: {  	s4 =	sadd.s32 $0x3000, s0;
	s11 =	sadd.s32 $0x53800, s0;
	s6 =	smul.u32 $0x50000, s9  }
0x7: {  	s5 =	sand.u32 $0x1, s5;
	s7 =	sadd.s32 $0x2800, s0;
	s14 =	smul.u32 $0x14000, s9  }
0x8: {  	s0 =	sadd.s32 $0x5D800, s0;
	s12 =	smul.u32 $0x2800, s9;
	_ =	strace $0x8000004D  }
0x9: {  	[dreg:$0x4] =	wrdreg s7;
	s15 =	ssub.s32 $0x2, s5;
	s10 =	smul.u32 $0x28000, s5  }
0xa: {  	s5 =	smul.u32 $0x140000, s5;
	s8 =	sshrl.u32 s15, $0x1;
	s6 =	sshrl.u32 s6, $0x2  }
0xb: {  	s17 =	sadd.s32 $0x8000, s14;
	s18 =	sadd.s32 $0xC000, s14;
	s19 =	sadd.s32 $0x10000, s14  }
0xc: {  	s20 =	ssub.s32 s15, s8;
	s6 =	sadd.s32 s6, s1;
	s15 =	sadd.s32 $0x4000, s14  }
0xd: {  	s8 =	sadd.s32 s17, s1;
	s9 =	sadd.s32 s18, s1;
	s12 =	sadd.s32 s12, s10  }
0xe: {  	s10 =	sadd.s32 s19, s1;
	s21 =	sadd.s32 s14, s5;
	s24 =	sadd.s32 s5, s17  }
0xf: {  	s25 =	sadd.s32 s5, s18;
	s7 =	sadd.s32 s15, s1;
	s13 =	sshrl.u32 s12, $0x3  }
0x10: {  	s15 =	sadd.s32 s5, s15;
	s22 =	sshrl.u32 s21, $0x3;
	s5 =	sadd.s32 s5, s19  }
0x11: {  	s26 =	sshrl.u32 s25, $0x3;
	s20 =	smax.u32 s20, $0x1;
	s21 =	simm.s32 $0x16800  }
0x12: {  	s25 =	simm.s32 $0x80;
	s12 =	sadd.s32 s11, s13;
	s16 =	sadd.s32 s3, s13  }
0x13: {  	s23 =	sshrl.u32 s15, $0x3;
	s15 =	sadd.s32 s0, s22;
	s5 =	sshrl.u32 s5, $0x3  }
0x14: {  	s18 =	sadd.s32 s0, s26;
	s22 =	simm.s32 $0x3;
	[dreg:$0x5] =	wrdreg s12  }
0x15: {  	s26 =	simm.s32 $0x1A800;
	[dreg:$0x6] =	wrdreg s16;
	s16 =	sadd.s32 $0x280, s13  }
0x16: {  	s19 =	sadd.s32 s0, s5;
	s11 =	sadd.s32 s11, s16;
	s3 =	sadd.s32 s3, s16  }
0x17: {  	s16 =	sadd.s32 s0, s23;
	s23 =	simm.s32 $0x14000;
	[dreg:$0x7] =	wrdreg s11  }
0x18: {  	[dreg:$0x8] =	wrdreg s3;
	s3 =	sshrl.u32 s24, $0x3;
	s24 =	simm.s32 $0x15400  }
0x19: {  	s17 =	sadd.s32 s0, s3;
	s0 =	simm.s32 $0x16780;
	s3 =	simm.s32 $0x0  }
.LBB2_1:
0x1a: {  	s5 =	rddreg [dreg:$0x4]  }
0x1b: {  	[tilespmem:s21], [sflag:$0x3] =	stream.linear.gather [hbm4b:s5+s2], $0x4000, $0x38;
	[tilespmem:$0x1E800] =	vst v63  }
0x1c: {  	_ =	swait.ge [sflag:s22], $0x4000  }
0x1d: {  	[sflag:s22] =	ssyncset.done $0x0  }
0x1e: {  	[sflag:s22] =	ssyncadd.s32 $0xFFFFC000  }
0x1f: {  	[spmem:s6] =	stream.linear.scatter [tilespmem:s21], [sflag:$0x3], $0x4000, $0x38;
	[tilespmem:$0x1E800] =	vst v63  }
0x20: {  	_ =	swait.ge [sflag:s22], $0x4000  }
0x21: {  	[sflag:s22] =	ssyncset.done $0x0  }
0x22: {  	[sflag:s22] =	ssyncadd.s32 $0xFFFFC000  }
0x23: {  	[spmem:s7] =	stream.linear.scatter [tilespmem:s21], [sflag:$0x3], $0x4000, $0x38;
	[tilespmem:$0x1E800] =	vst v63  }
0x24: {  	_ =	swait.ge [sflag:s22], $0x4000  }
0x25: {  	[sflag:s22] =	ssyncset.done $0x0  }
0x26: {  	[sflag:s22] =	ssyncadd.s32 $0xFFFFC000  }
0x27: {  	[spmem:s8] =	stream.linear.scatter [tilespmem:s21], [sflag:$0x3], $0x4000, $0x38;
	[tilespmem:$0x1E800] =	vst v63  }
0x28: {  	_ =	swait.ge [sflag:s22], $0x4000  }
0x29: {  	[sflag:s22] =	ssyncset.done $0x0  }
0x2a: {  	[sflag:s22] =	ssyncadd.s32 $0xFFFFC000  }
0x2b: {  	[spmem:s9] =	stream.linear.scatter [tilespmem:s21], [sflag:$0x3], $0x4000, $0x38;
	[tilespmem:$0x1E800] =	vst v63  }
0x2c: {  	_ =	swait.ge [sflag:s22], $0x4000  }
0x2d: {  	[sflag:s22] =	ssyncset.done $0x0  }
0x2e: {  	[sflag:s22] =	ssyncadd.s32 $0xFFFFC000  }
0x2f: {  	[spmem:s10] =	stream.linear.scatter [tilespmem:s21], [sflag:$0x3], $0x4000, $0x38;
	[tilespmem:$0x1E800] =	vst v63  }
0x30: {  	_ =	swait.ge [sflag:s22], $0x4000  }
0x31: {  	[sflag:s22] =	ssyncset.done $0x0  }
0x32: {  	[sflag:s22] =	ssyncadd.s32 $0xFFFFC000  }
0x33: {  	[bflag:$0x0] =	sbarrier.arrive $0xFFFF  }
0x34: {  	s13 =	rddreg [dreg:$0x5]  }
0x35: {  	[tilespmem:s23], [sflag:$0x3] =	stream.linear.gather [hbm4b:s13+s2], $0x1400, $0x38;
	[tilespmem:$0x1E800] =	vst v63  }
0x36: {  	_ =	swait.ge [sflag:s22], $0x1400  }
0x37: {  	[sflag:s22] =	ssyncset.done $0x0  }
0x38: {  	s14 =	rddreg [dreg:$0x6];
	[sflag:s22] =	ssyncadd.s32 $0xFFFFEC00  }
0x39: {  	[tilespmem:s24], [sflag:$0x3] =	stream.linear.gather [hbm4b:s14+s2], $0x1400, $0x38;
	[tilespmem:$0x1E800] =	vst v63  }
0x3a: {  	_ =	swait.ge [sflag:s22], $0x1400  }
0x3b: {  	[sflag:s22] =	ssyncset.done $0x0  }
0x3c: {  	[sflag:s22] =	ssyncadd.s32 $0xFFFFEC00  }
0x3d: {  	[tilespmem:s21], [sflag:$0x1] =	stream.indirect.gather [hbm4b:s4+s25], $0x80, s23, s25, $0xb8;
	[tilespmem:$0x1E800] =	vst v63  }
0x3e: {  	s11 =	simm.s32 $0x14080  }
0x3f: {  	[tilespmem:s26], [sflag:$0x2] =	stream.indirect.gather [hbm4b:s4+s25], $0x80, s11, s25, $0xb8;
	[tilespmem:$0x1E800] =	vst v63  }
0x40: {  	_ =	swait.ge [sflag:s28], $0x4000  }
0x41: {  	[sflag:s28] =	ssyncset.done $0x0  }
0x42: {  	s12 =	simm.s32 $0x15400;
	[sflag:s28] =	ssyncadd.s32 $0xFFFFC000  }
0x43: {  	[spmem:s1] =	stream.indirect.scatter.add.f32 [tilespmem:s21], [sflag:$0x3], $0x80, s12, s25, $0xb8;
	[tilespmem:$0x1E800] =	vst v63  }
0x44: {  	_ =	swait.ge [sflag:s22], $0x4000  }
0x45: {  	[sflag:s22] =	ssyncset.done $0x0  }
0x46: {  	s13 =	simm.s32 $0x14100;
	[sflag:s22] =	ssyncadd.s32 $0xFFFFC000  }
0x47: {  	[tilespmem:s21], [sflag:$0x1] =	stream.indirect.gather [hbm4b:s4+s25], $0x80, s13, s25, $0xb8;
	[tilespmem:$0x1E800] =	vst v63  }
0x48: {  	_ =	swait.ge [sflag:s29], $0x4000  }
0x49: {  	[sflag:s29] =	ssyncset.done $0x0  }
0x4a: {  	s14 =	simm.s32 $0x15480;
	[sflag:s29] =	ssyncadd.s32 $0xFFFFC000  }
0x4b: {  	[spmem:s1] =	stream.indirect.scatter.add.f32 [tilespmem:s26], [sflag:$0x3], $0x80, s14, s25, $0xb8;
	[tilespmem:$0x1E800] =	vst v63  }
0x4c: {  	_ =	swait.ge [sflag:s22], $0x4000  }
0x4d: {  	s5 =	simm.s32 $0x100;
	s11 =	simm.s32 $0x800;
	[sflag:s22] =	ssyncset.done $0x0  }
.LBB2_2:
0x4e: {  	s12 =	sadd.s32 $0x14080, s5  }
0x4f: {  	[sflag:s22] =	ssyncadd.s32 $0xFFFFC000;
	s13 =	smov.u32 s11;
	s14 =	sadd.s32 $0x400, s11  }
0x50: {  	[tilespmem:s26], [sflag:$0x2] =	stream.indirect.gather [hbm4b:s4+s25], $0x80, s12, s25, $0xb8;
	[tilespmem:$0x1E800] =	vst v63  }
0x51: {  	p0 =	sne.s32 s11, $0x4800;
	_ =	swait.ge [sflag:s28], $0x4000  }
0x52: {  	[sflag:s28] =	ssyncset.done $0x0  }
0x53: {  	s11 =	sadd.s32 $0x15400, s5;
	[sflag:s28] =	ssyncadd.s32 $0xFFFFC000  }
0x54: {  	[spmem:s1] =	stream.indirect.scatter.add.f32 [tilespmem:s21], [sflag:$0x3], $0x80, s11, s25, $0xb8;
	[tilespmem:$0x1E800] =	vst v63  }
0x55: {  	_ =	swait.ge [sflag:s22], $0x4000  }
0x56: {  	[sflag:s22] =	ssyncset.done $0x0  }
0x57: {  	s11 =	sadd.s32 $0x14100, s5;
	[sflag:s22] =	ssyncadd.s32 $0xFFFFC000  }
0x58: {  	[tilespmem:s21], [sflag:$0x1] =	stream.indirect.gather [hbm4b:s4+s25], $0x80, s11, s25, $0xb8;
	[tilespmem:$0x1E800] =	vst v63  }
0x59: {  	_ =	swait.ge [sflag:s29], $0x4000  }
.Ltmp0:
0x5a: {  	[sflag:s29] =	ssyncset.done $0x0;
	(pc) =	sbr.rel @p0 .LBB2_2-.Ltmp0, $4  }
0x5b: {  	s5 =	sadd.s32 $0x15480, s5;
	[sflag:s29] =	ssyncadd.s32 $0xFFFFC000  }
0x5c: {  	[spmem:s1] =	stream.indirect.scatter.add.f32 [tilespmem:s26], [sflag:$0x3], $0x80, s5, s25, $0xb8;
	[tilespmem:$0x1E800] =	vst v63  }
0x5d: {  	_ =	swait.ge [sflag:s22], $0x4000  }
0x5e: {  	s11 =	smov.u32 s14;
	s5 =	sshra.s32 s13, $0x2;
	[sflag:s22] =	ssyncset.done $0x0  }
0x5f: {  	s11 =	sadd.s32 $0x14080, s5;
	[sflag:s22] =	ssyncadd.s32 $0xFFFFC000  }
0x60: {  	[tilespmem:s26], [sflag:$0x2] =	stream.indirect.gather [hbm4b:s4+s25], $0x80, s11, s25, $0xb8;
	[tilespmem:$0x1E800] =	vst v63  }
0x61: {  	_ =	swait.ge [sflag:s28], $0x4000  }
0x62: {  	[sflag:s28] =	ssyncset.done $0x0  }
0x63: {  	s13 =	sadd.s32 $0x15400, s5;
	[sflag:s28] =	ssyncadd.s32 $0xFFFFC000  }
0x64: {  	[spmem:s1] =	stream.indirect.scatter.add.f32 [tilespmem:s21], [sflag:$0x3], $0x80, s13, s25, $0xb8;
	[tilespmem:$0x1E800] =	vst v63  }
0x65: {  	_ =	swait.ge [sflag:s22], $0x4000  }
0x66: {  	[sflag:s22] =	ssyncset.done $0x0  }
0x67: {  	s14 =	sadd.s32 $0x14100, s5;
	[sflag:s22] =	ssyncadd.s32 $0xFFFFC000  }
0x68: {  	[tilespmem:s21], [sflag:$0x1] =	stream.indirect.gather [hbm4b:s4+s25], $0x80, s14, s25, $0xb8;
	[tilespmem:$0x1E800] =	vst v63  }
0x69: {  	_ =	swait.ge [sflag:s29], $0x4000  }
0x6a: {  	[sflag:s29] =	ssyncset.done $0x0  }
0x6b: {  	s11 =	sadd.s32 $0x15480, s5;
	[sflag:s29] =	ssyncadd.s32 $0xFFFFC000  }
0x6c: {  	[spmem:s1] =	stream.indirect.scatter.add.f32 [tilespmem:s26], [sflag:$0x3], $0x80, s11, s25, $0xb8;
	[tilespmem:$0x1E800] =	vst v63  }
0x6d: {  	_ =	swait.ge [sflag:s22], $0x4000  }
0x6e: {  	[sflag:s22] =	ssyncset.done $0x0  }
0x6f: {  	[sflag:s22] =	ssyncadd.s32 $0xFFFFC000  }
0x70: {  	[tilespmem:s26], [sflag:$0x2] =	stream.indirect.gather [hbm4b:s4+s25], $0x80, s30, s25, $0xb8;
	[tilespmem:$0x1E800] =	vst v63  }
0x71: {  	_ =	swait.ge [sflag:s28], $0x4000  }
0x72: {  	[sflag:s28] =	ssyncset.done $0x0  }
0x73: {  	[sflag:s28] =	ssyncadd.s32 $0xFFFFC000  }
0x74: {  	[spmem:s1] =	stream.indirect.scatter.add.f32 [tilespmem:s21], [sflag:$0x3], $0x80, s31, s25, $0xb8;
	[tilespmem:$0x1E800] =	vst v63  }
0x75: {  	_ =	swait.ge [sflag:s22], $0x4000  }
0x76: {  	[sflag:s22] =	ssyncset.done $0x0  }
0x77: {  	[sflag:s22] =	ssyncadd.s32 $0xFFFFC000  }
0x78: {  	_ =	swait.ge [sflag:s29], $0x4000  }
0x79: {  	[sflag:s29] =	ssyncset.done $0x0  }
0x7a: {  	[sflag:s29] =	ssyncadd.s32 $0xFFFFC000  }
0x7b: {  	[spmem:s1] =	stream.indirect.scatter.add.f32 [tilespmem:s26], [sflag:$0x3], $0x80, s0, s25, $0xb8;
	[tilespmem:$0x1E800] =	vst v63  }
0x7c: {  	_ =	swait.ge [sflag:s22], $0x4000  }
0x7d: {  	[sflag:s22] =	ssyncset.done $0x0  }
0x7e: {  	s12 =	simm.s32 $0x0;
	s13 =	rddreg [dreg:$0x7];
	[sflag:s22] =	ssyncadd.s32 $0xFFFFC000  }
0x7f: {  	[tilespmem:s23], [sflag:$0x3] =	stream.linear.gather [hbm4b:s13+s12], $0x1400, $0x38;
	[tilespmem:$0x1E800] =	vst v63  }
0x80: {  	_ =	swait.ge [sflag:s22], $0x1400  }
0x81: {  	[sflag:s22] =	ssyncset.done $0x0  }
0x82: {  	s14 =	rddreg [dreg:$0x8];
	[sflag:s22] =	ssyncadd.s32 $0xFFFFEC00  }
0x83: {  	[tilespmem:s24], [sflag:$0x3] =	stream.linear.gather [hbm4b:s14+s12], $0x1400, $0x38;
	[tilespmem:$0x1E800] =	vst v63  }
0x84: {  	_ =	swait.ge [sflag:s22], $0x1400  }
0x85: {  	[sflag:s22] =	ssyncset.done $0x0  }
0x86: {  	[sflag:s22] =	ssyncadd.s32 $0xFFFFEC00  }
0x87: {  	[tilespmem:s21], [sflag:$0x1] =	stream.indirect.gather [hbm4b:s4+s25], $0x80, s23, s25, $0xb8;
	[tilespmem:$0x1E800] =	vst v63  }
0x88: {  	s11 =	simm.s32 $0x14080  }
0x89: {  	[tilespmem:s26], [sflag:$0x2] =	stream.indirect.gather [hbm4b:s4+s25], $0x80, s11, s25, $0xb8;
	[tilespmem:$0x1E800] =	vst v63  }
0x8a: {  	_ =	swait.ge [sflag:s28], $0x4000  }
0x8b: {  	[sflag:s28] =	ssyncset.done $0x0  }
0x8c: {  	s12 =	simm.s32 $0x15400;
	[sflag:s28] =	ssyncadd.s32 $0xFFFFC000  }
0x8d: {  	[spmem:s1] =	stream.indirect.scatter.add.f32 [tilespmem:s21], [sflag:$0x3], $0x80, s12, s25, $0xb8;
	[tilespmem:$0x1E800] =	vst v63  }
0x8e: {  	_ =	swait.ge [sflag:s22], $0x4000  }
0x8f: {  	[sflag:s22] =	ssyncset.done $0x0  }
0x90: {  	s13 =	simm.s32 $0x14100;
	[sflag:s22] =	ssyncadd.s32 $0xFFFFC000  }
0x91: {  	[tilespmem:s21], [sflag:$0x1] =	stream.indirect.gather [hbm4b:s4+s25], $0x80, s13, s25, $0xb8;
	[tilespmem:$0x1E800] =	vst v63  }
0x92: {  	_ =	swait.ge [sflag:s29], $0x4000  }
0x93: {  	[sflag:s29] =	ssyncset.done $0x0  }
0x94: {  	s14 =	simm.s32 $0x15480;
	[sflag:s29] =	ssyncadd.s32 $0xFFFFC000  }
0x95: {  	[spmem:s1] =	stream.indirect.scatter.add.f32 [tilespmem:s26], [sflag:$0x3], $0x80, s14, s25, $0xb8;
	[tilespmem:$0x1E800] =	vst v63  }
0x96: {  	_ =	swait.ge [sflag:s22], $0x4000  }
0x97: {  	s5 =	simm.s32 $0x100;
	s11 =	simm.s32 $0x800;
	[sflag:s22] =	ssyncset.done $0x0  }
.LBB2_4:
0x98: {  	s12 =	sadd.s32 $0x14080, s5  }
0x99: {  	[sflag:s22] =	ssyncadd.s32 $0xFFFFC000;
	s13 =	smov.u32 s11;
	s14 =	sadd.s32 $0x400, s11  }
0x9a: {  	[tilespmem:s26], [sflag:$0x2] =	stream.indirect.gather [hbm4b:s4+s25], $0x80, s12, s25, $0xb8;
	[tilespmem:$0x1E800] =	vst v63  }
0x9b: {  	p0 =	sne.s32 s11, $0x4800;
	_ =	swait.ge [sflag:s28], $0x4000  }
0x9c: {  	[sflag:s28] =	ssyncset.done $0x0  }
0x9d: {  	s11 =	sadd.s32 $0x15400, s5;
	[sflag:s28] =	ssyncadd.s32 $0xFFFFC000  }
0x9e: {  	[spmem:s1] =	stream.indirect.scatter.add.f32 [tilespmem:s21], [sflag:$0x3], $0x80, s11, s25, $0xb8;
	[tilespmem:$0x1E800] =	vst v63  }
0x9f: {  	_ =	swait.ge [sflag:s22], $0x4000  }
0xa0: {  	[sflag:s22] =	ssyncset.done $0x0  }
0xa1: {  	s11 =	sadd.s32 $0x14100, s5;
	[sflag:s22] =	ssyncadd.s32 $0xFFFFC000  }
0xa2: {  	[tilespmem:s21], [sflag:$0x1] =	stream.indirect.gather [hbm4b:s4+s25], $0x80, s11, s25, $0xb8;
	[tilespmem:$0x1E800] =	vst v63  }
0xa3: {  	_ =	swait.ge [sflag:s29], $0x4000  }
.Ltmp1:
0xa4: {  	[sflag:s29] =	ssyncset.done $0x0;
	(pc) =	sbr.rel @p0 .LBB2_4-.Ltmp1, $4  }
0xa5: {  	s5 =	sadd.s32 $0x15480, s5;
	[sflag:s29] =	ssyncadd.s32 $0xFFFFC000  }
0xa6: {  	[spmem:s1] =	stream.indirect.scatter.add.f32 [tilespmem:s26], [sflag:$0x3], $0x80, s5, s25, $0xb8;
	[tilespmem:$0x1E800] =	vst v63  }
0xa7: {  	_ =	swait.ge [sflag:s22], $0x4000  }
0xa8: {  	s11 =	smov.u32 s14;
	s5 =	sshra.s32 s13, $0x2;
	[sflag:s22] =	ssyncset.done $0x0  }
0xa9: {  	s11 =	sadd.s32 $0x14080, s5;
	[sflag:s22] =	ssyncadd.s32 $0xFFFFC000  }
0xaa: {  	[tilespmem:s26], [sflag:$0x2] =	stream.indirect.gather [hbm4b:s4+s25], $0x80, s11, s25, $0xb8;
	[tilespmem:$0x1E800] =	vst v63  }
0xab: {  	_ =	swait.ge [sflag:s28], $0x4000  }
0xac: {  	[sflag:s28] =	ssyncset.done $0x0  }
0xad: {  	s13 =	sadd.s32 $0x15400, s5;
	[sflag:s28] =	ssyncadd.s32 $0xFFFFC000  }
0xae: {  	[spmem:s1] =	stream.indirect.scatter.add.f32 [tilespmem:s21], [sflag:$0x3], $0x80, s13, s25, $0xb8;
	[tilespmem:$0x1E800] =	vst v63  }
0xaf: {  	_ =	swait.ge [sflag:s22], $0x4000  }
0xb0: {  	[sflag:s22] =	ssyncset.done $0x0  }
0xb1: {  	s14 =	sadd.s32 $0x14100, s5;
	[sflag:s22] =	ssyncadd.s32 $0xFFFFC000  }
0xb2: {  	[tilespmem:s21], [sflag:$0x1] =	stream.indirect.gather [hbm4b:s4+s25], $0x80, s14, s25, $0xb8;
	[tilespmem:$0x1E800] =	vst v63  }
0xb3: {  	_ =	swait.ge [sflag:s29], $0x4000  }
0xb4: {  	[sflag:s29] =	ssyncset.done $0x0  }
0xb5: {  	s11 =	sadd.s32 $0x15480, s5;
	[sflag:s29] =	ssyncadd.s32 $0xFFFFC000  }
0xb6: {  	[spmem:s1] =	stream.indirect.scatter.add.f32 [tilespmem:s26], [sflag:$0x3], $0x80, s11, s25, $0xb8;
	[tilespmem:$0x1E800] =	vst v63  }
0xb7: {  	_ =	swait.ge [sflag:s22], $0x4000  }
0xb8: {  	[sflag:s22] =	ssyncset.done $0x0  }
0xb9: {  	[sflag:s22] =	ssyncadd.s32 $0xFFFFC000  }
0xba: {  	[tilespmem:s26], [sflag:$0x2] =	stream.indirect.gather [hbm4b:s4+s25], $0x80, s30, s25, $0xb8;
	[tilespmem:$0x1E800] =	vst v63  }
0xbb: {  	_ =	swait.ge [sflag:s28], $0x4000  }
0xbc: {  	[sflag:s28] =	ssyncset.done $0x0  }
0xbd: {  	[sflag:s28] =	ssyncadd.s32 $0xFFFFC000  }
0xbe: {  	[spmem:s1] =	stream.indirect.scatter.add.f32 [tilespmem:s21], [sflag:$0x3], $0x80, s31, s25, $0xb8;
	[tilespmem:$0x1E800] =	vst v63  }
0xbf: {  	_ =	swait.ge [sflag:s22], $0x4000  }
0xc0: {  	[sflag:s22] =	ssyncset.done $0x0  }
0xc1: {  	[sflag:s22] =	ssyncadd.s32 $0xFFFFC000  }
0xc2: {  	_ =	swait.ge [sflag:s29], $0x4000  }
0xc3: {  	[sflag:s29] =	ssyncset.done $0x0  }
0xc4: {  	[sflag:s29] =	ssyncadd.s32 $0xFFFFC000  }
0xc5: {  	[spmem:s1] =	stream.indirect.scatter.add.f32 [tilespmem:s26], [sflag:$0x3], $0x80, s0, s25, $0xb8;
	[tilespmem:$0x1E800] =	vst v63  }
0xc6: {  	_ =	swait.ge [sflag:s22], $0x4000  }
0xc7: {  	s12 =	stileid.u32;
	[sflag:s22] =	ssyncset.done $0x0  }
0xc8: {  	s5 =	sshll.u32 s12, $0x6;
	[sflag:s22] =	ssyncadd.s32 $0xFFFFC000  }
0xc9: {  	s5 =	sor.u32 $0x1C03, s5;
	s13 =	sshrl.u32 s6, $0x3;
	[bflag:$0x0] =	sbarrier.arrive $0xFFFF  }
0xca: {  	[hbm:s15], [sflag:s5] =	dma.local [spmem:s13], $0x800  }
0xcb: {  	_ =	swait.ge [sflag:s22], $0x800  }
0xcc: {  	[sflag:s22] =	ssyncset.done $0x0  }
0xcd: {  	s14 =	sshrl.u32 s7, $0x3;
	[sflag:s22] =	ssyncadd.s32 $0xFFFFF800  }
0xce: {  	[hbm:s16], [sflag:s5] =	dma.local [spmem:s14], $0x800  }
0xcf: {  	_ =	swait.ge [sflag:s22], $0x800  }
0xd0: {  	[sflag:s22] =	ssyncset.done $0x0  }
0xd1: {  	s12 =	sshrl.u32 s8, $0x3;
	[sflag:s22] =	ssyncadd.s32 $0xFFFFF800  }
0xd2: {  	[hbm:s17], [sflag:s5] =	dma.local [spmem:s12], $0x800  }
0xd3: {  	_ =	swait.ge [sflag:s22], $0x800  }
0xd4: {  	[sflag:s22] =	ssyncset.done $0x0  }
0xd5: {  	s13 =	sshrl.u32 s9, $0x3;
	[sflag:s22] =	ssyncadd.s32 $0xFFFFF800  }
0xd6: {  	[hbm:s18], [sflag:s5] =	dma.local [spmem:s13], $0x800  }
0xd7: {  	s3 =	sadd.s32 $0x1, s3;
	_ =	swait.ge [sflag:s22], $0x800  }
0xd8: {  	p0 =	sne.s32 s3, s20;
	[sflag:s22] =	ssyncset.done $0x0  }
.Ltmp2:
0xd9: {  	s14 =	sshrl.u32 s10, $0x3;
	[sflag:s22] =	ssyncadd.s32 $0xFFFFF800;
	(pc) =	sbr.rel @p0 .LBB2_1-.Ltmp2, $4  }
0xda: {  	[hbm:s19], [sflag:s5] =	dma.local [spmem:s14], $0x800  }
0xdb: {  	_ =	swait.ge [sflag:s22], $0x800  }
0xdc: {  	[sflag:s22] =	ssyncset.done $0x0  }
0xdd: {  	[sflag:s22] =	ssyncadd.s32 $0xFFFFF800  }
0xde: {  	_ =	sfence.sel $0x180000  }
0xdf: {  	[bflag:$0x0] =	sbarrier.arrive $0xFFFF  }
0xe0: {  	_ =	strace $0x9000004D  }
0xe1: {  	s0 =	stileid.u32;
	[bflag:$0x2] =	sbarrier.arrive $0xFFFF  }
0xe2: {  	p0 =	sne.s32 s0, $0x0;
	s0 =	rddreg [dreg:$0x3]  }
0xe3: {  	s0 =	sadd.s32 @!p0 $0x100000, s0  }
0xe4: {  	[sflag:s0] =	ssyncadd.tile.s32 @!p0 $0x1;
	_ =	shalt  }
.Lfunc_end2:
_tile_overlayer_lowered:
.L_overlay_start_2:
0xe5: {  	(tag) =	ssettag $0x2  }
0xe6: {  	s0 =	rddreg [dreg:$0x0];
	s2 =	stileid.u32  }
0xe7: {  	s1 =	rddreg [dreg:$0x1];
	p0 =	sne.s32 s2, $0x0  }
0xe8: {  	s3 =	rddreg [dreg:$0x2];
	[bflag:$0x3] =	sbarrier.arrive $0xFFFF;
	s2 =	simm.s32 @!p0 $0x1C03  }
0xe9: {  	[timem:s3], [sflag:s2] =	dma.local @!p0 [hbm:s0], s1  }
0xea: {  	s0 =	simm.s32 @!p0 $0x3  }
0xeb: {  	_ =	swait.ge @!p0 [sflag:s0], s1  }
0xec: {  	s1 =	ssub.s32 @!p0 $0x0, s1;
	[sflag:s0] =	ssyncset.done @!p0 $0x0  }
0xed: {  	[sflag:s0] =	ssyncadd.s32 @!p0 s1  }
0xee: {  	[bflag:$0x3] =	sbarrier.arrive $0xFFFF  }
0xef: {  	_ =	shalt  }

// kernel: kernel.8.cloned.1.call-start
scs
__scs_entry_jumppad:
0x0: {  	(pc) =	sbr.rel $0x88, $3  }
0x1: {  	(tag) =	ssettag $0x0;
	lr =	simm.s32 $0x1  }
0x2: {  	[smem:$0x3F99] =	sst lr;
	_ =	strace $0xD0000000  }
0x3: {  	_ = 	snop  }
0x4: {  	_ = 	snop  }
0x5: {  	_ = 	snop  }
0x6: {  	_ = 	snop  }
0x7: {  	_ = 	snop  }
__scs_overlays_trampoline_lowered:
0x8: {  	[smem:$0x3FA8] =	sst s0  }
0x9: {  	[smem:$0x3FA9] =	sst s1  }
0xa: {  	[smem:$0x3FAA] =	sst s2  }
0xb: {  	[smem:$0x3FAB] =	sst s3  }
0xc: {  	[smem:$0x3FAC] =	sst s4  }
0xd: {  	[smem:$0x3FAD] =	sst s5  }
0xe: {  	[smem:$0x3FAE] =	sst s6  }
0xf: {  	[smem:$0x3FAF] =	sst s7  }
0x10: {  	[smem:$0x3FB0] =	sst s8  }
0x11: {  	[smem:$0x3FB1] =	sst s9;
	s0 =	simm.s32 @!p0 $0x0  }
0x12: {  	s1 =	sld [smem:$0x3F97];
	s0 =	simm.s32 @p0 $0x1  }
0x13: {  	[smem:$0x3FB2] =	sst s0;
	s0 =	simm.s32 @!p1 $0x0  }
0x14: {  	s2 =	sld [smem:$0x3F96];
	s0 =	simm.s32 @p1 $0x1  }
0x15: {  	[smem:$0x3FB3] =	sst s0;
	s0 =	simm.s32 @!p2 $0x0  }
0x16: {  	s3 =	sld [smem:$0x3FDB];
	s0 =	simm.s32 @p2 $0x1  }
0x17: {  	s4 =	simm.s32 $0x1BF5;
	[smem:$0x3FB5] =	sst s0  }
0x18: {  	s0 =	sld [smem:$0x3F98];
	_ =	swait.ge [sflag:s4], $0x0  }
0x19: {  	s7 =	sld [smem:$0x3F99]  }
0x1a: {  	s8 =	sadd.s32 $0xFFFFE003, lr  }
0x1b: {  	s9 =	sadd.s32 $0xFFFFFEF7, lr;
	s5 =	simm.s32 $0xFFFFFFFF;
	p2 =	slt.u32 s8, $0xFFFFF086  }
0x1c: {  	p1 =	slt.u32 s9, $0xF7A;
	s5 =	simm.s32 @!p2 $0x0  }
0x1d: {  	s5 =	simm.s32 @p1 $0x1;
	p0 =	seq.s32 s7, s2  }
0x1e: {  	s7 =	smul.u32 @!p0 $0xF7A, s2;
	p2 =	seq.s32 @!p0 s5, $0x0  }
0x1f: {  	s9 =	smul.u32 $0xF7A, s1;
	s8 =	simm.s32 @!p0 $0x1BF5;
	p2 =	por !p2, p0  }
0x20: {  	[sflag:s8] =	ssyncset.s32 @!p0 $0xFFFFF086;
	s6 =	sadd.s32 @!p0 s3, s7;
	s7 =	simm.s32 @!p0 $0x108  }
0x21: {  	s3 =	sadd.s32 s3, s9;
	s6 =	sadd.s32 @!p0 $0x88, s6;
	s7 =	simm.s32 @p2 $0x1082  }
0x22: {  	[simem:s7], [sflag:s8] =	dma.local @!p0 [hbm:s6], $0xF7A  }
0x23: {  	s9 =	sor.u32 $0xD0000000, s2;
	s6 =	simm.s32 $0x108;
	_ =	swait.ge @!p0 [sflag:s8], $0x0  }
0x24: {  	s3 =	sadd.s32 $0x88, s3;
	s6 =	simm.s32 @!p1 $0x1082;
	[sflag:s4] =	ssyncset.s32 $0xFFFFF086  }
0x25: {  	[simem:s6], [sflag:s4] =	dma.local [hbm:s3], $0xF7A  }
0x26: {  	[smem:$0x3F99] =	sst s1;
	(tag) =	ssettag s2;
	_ =	strace s9  }
0x27: {  	s1 =	sld [smem:$0x3FA9]  }
0x28: {  	s2 =	sld [smem:$0x3FAA]  }
0x29: {  	s4 =	sld [smem:$0x3FAC]  }
0x2a: {  	p0 =	seq.s32 s5, $0x0;
	s5 =	sld [smem:$0x3FAD]  }
0x2b: {  	s6 =	sld [smem:$0x3FAE]  }
0x2c: {  	s7 =	sld [smem:$0x3FAF]  }
0x2d: {  	s3 =	simm.s32 $0x108;
	s8 =	sld [smem:$0x3FB0]  }
0x2e: {  	s3 =	simm.s32 @!p0 $0x1082;
	s9 =	sld [smem:$0x3FB1]  }
0x2f: {  	lr =	sadd.s32 s0, s3;
	s0 =	sld [smem:$0x3FA8]  }
0x30: {  	s3 =	sld [smem:$0x3FAB]  }
0x31: {  	[smem:$0x3FB4] =	sst s10  }
0x32: {  	s10 =	sld [smem:$0x3FB2];
	_ =	sdelay $0x3  }
0x33: {  	p0 =	seq.s32 s10, $0x1;
	s10 =	sld [smem:$0x3FB4];
	_ =	sdelay $0x3  }
0x34: {  	[smem:$0x3FB4] =	sst s10  }
0x35: {  	s10 =	sld [smem:$0x3FB3];
	_ =	sdelay $0x3  }
0x36: {  	p1 =	seq.s32 s10, $0x1;
	s10 =	sld [smem:$0x3FB4];
	_ =	sdelay $0x3  }
0x37: {  	[smem:$0x3FB4] =	sst s10  }
0x38: {  	s10 =	sld [smem:$0x3FB5]  }
0x39: {  	_ = 	snop;
	(pc) =	sbr.ind lr, $3  }
0x3a: {  	_ = 	snop  }
0x3b: {  	_ = 	snop  }
0x3c: {  	p2 =	seq.s32 s10, $0x1;
	s10 =	sld [smem:$0x3FB4]  }
0x3d: {  	_ =	shalt  }
0x3e: {  	_ =	shalt  }
0x3f: {  	_ =	shalt  }
0x40: {  	_ =	shalt  }
0x41: {  	_ =	shalt  }
0x42: {  	_ =	shalt  }
0x43: {  	_ =	shalt  }
0x44: {  	_ =	shalt  }
0x45: {  	_ =	shalt  }
0x46: {  	_ =	shalt  }
0x47: {  	_ =	shalt  }
0x48: {  	_ =	shalt  }
0x49: {  	_ =	shalt  }
0x4a: {  	_ =	shalt  }
0x4b: {  	_ =	shalt  }
0x4c: {  	_ =	shalt  }
0x4d: {  	_ =	shalt  }
0x4e: {  	_ =	shalt  }
0x4f: {  	_ =	shalt  }
0x50: {  	_ =	shalt  }
0x51: {  	_ =	shalt  }
0x52: {  	_ =	shalt  }
0x53: {  	_ =	shalt  }
0x54: {  	_ =	shalt  }
0x55: {  	_ =	shalt  }
0x56: {  	_ =	shalt  }
0x57: {  	_ =	shalt  }
0x58: {  	_ =	shalt  }
0x59: {  	_ =	shalt  }
0x5a: {  	_ =	shalt  }
0x5b: {  	_ =	shalt  }
0x5c: {  	_ =	shalt  }
0x5d: {  	_ =	shalt  }
0x5e: {  	_ =	shalt  }
0x5f: {  	_ =	shalt  }
0x60: {  	_ =	shalt  }
0x61: {  	_ =	shalt  }
0x62: {  	_ =	shalt  }
0x63: {  	_ =	shalt  }
0x64: {  	_ =	shalt  }
0x65: {  	_ =	shalt  }
0x66: {  	_ =	shalt  }
0x67: {  	_ =	shalt  }
0x68: {  	_ =	shalt  }
0x69: {  	_ =	shalt  }
0x6a: {  	_ =	shalt  }
0x6b: {  	_ =	shalt  }
0x6c: {  	_ =	shalt  }
0x6d: {  	_ =	shalt  }
0x6e: {  	_ =	shalt  }
0x6f: {  	_ =	shalt  }
0x70: {  	_ =	shalt  }
0x71: {  	_ =	shalt  }
0x72: {  	_ =	shalt  }
0x73: {  	_ =	shalt  }
0x74: {  	_ =	shalt  }
0x75: {  	_ =	shalt  }
0x76: {  	_ =	shalt  }
0x77: {  	_ =	shalt  }
0x78: {  	_ =	shalt  }
0x79: {  	_ =	shalt  }
0x7a: {  	_ =	shalt  }
0x7b: {  	_ =	shalt  }
0x7c: {  	_ =	shalt  }
0x7d: {  	_ =	shalt  }
0x7e: {  	_ =	shalt  }
0x7f: {  	_ =	shalt  }
0x80: {  	_ =	shalt  }
0x81: {  	_ =	shalt  }
0x82: {  	_ =	shalt  }
0x83: {  	_ =	shalt  }
0x84: {  	_ =	shalt  }
0x85: {  	_ =	shalt  }
0x86: {  	_ =	shalt  }
0x87: {  	_ =	shalt  }
.Lfunc_end0:
.L_simem_size_0:
called_computation_lowered:
.L_overlay_start_0:
0x88: {  	s2 =	sld [smem:$0x3FD9]  }
0x89: {  	s3 =	sld [smem:$0x3FFE];
	_ =	sdelay $0x1  }
0x8a: {  	s1 =	srdreg.scid  }
0x8b: {  	s0 =	sand.u32 $0x1, s1  }
0x8c: {  	s17 =	sshll.u32 s0, $0xA;
	s2 =	sadd.s32 s3, s2  }
0x8d: {  	s2 =	sadd.s32 s2, s17  }
0x8e: {  	[smem:$0x3FC0] =	sst s2  }
0x8f: {  	_ = 	snop  }
0x90: {  	s2 =	sld [smem:$0x3FD0];
	(tm) =	ssettm $0x1  }
0x91: {  	s18 =	sld [smem:$0x3FFB];
	_ =	sdelay $0x3  }
0x92: {  	_ =	strace s18  }
0x93: {  	s3 =	sld [smem:$0x3FFC];
	_ =	sdelay $0x3  }
0x94: {  	_ =	strace s3  }
0x95: {  	s3 =	sld [smem:$0x3FFD];
	_ =	sdelay $0x3  }
0x96: {  	_ =	strace s3  }
0x97: {  	_ =	strace $0x8FFFFFFF  }
0x98: {  	s19 =	sld [smem:$0x3FDB];
	_ =	sdelay $0x1  }
0x99: {  	s4 =	simm.s32 $_scs_section_size  }
0x9a: {  	s5 =	simm.s32 $_size__tile_overlayer_lowered;
	s6 =	simm.s32 $_tile_overlayer_lowered  }
0x9b: {  	s22 =	simm.s32 $0x1BFF;
	s21 =	sshll.u32 s6, $0x1;
	s3 =	sadd.s32 s4, s19  }
0x9c: {  	s7 =	simm.s32 $0x0;
	s20 =	sshll.u32 s5, $0x1;
	s5 =	sadd.s32 s21, s3  }
0x9d: {  	[timem:s7], [sflag:s22] =	dma.local [hbm:s5], s20  }
0x9e: {  	_ =	swait.ge [sflag:s22], s20  }
0x9f: {  	s4 =	ssub.s32 $0x0, s20;
	[sflag:s22] =	ssyncset.done $0x0  }
0xa0: {  	[sflag:s22] =	ssyncadd.s32 s4;
	_ =	sdelay $0x1  }
0xa1: {  	s23 =	simm.s32 $0x1B8B  }
0xa2: {  	_ =	swait.ge [sflag:s23], $0x1  }
0xa3: {  	[sflag:s23] =	ssyncset.done $0x0  }
0xa4: {  	s25 =	simm.s32 $0x1B8E;
	s24 =	sld [smem:$0x3FFE];
	[sflag:s23] =	ssyncadd.s32 $0xFFFFFFFF  }
0xa5: {  	s26 =	simm.s32 $execute0_lowered;
	[smem:$0x3FD2] =	sst s25  }
0xa6: {  	s5 =	sshll.u32 s26, $0x1;
	_ =	strace $0x80000046;
	[dreg:$0x1] =	wrdreg $0xFFFFFFFF  }
0xa7: {  	s28 =	simm.s32 $_size_execute0_lowered;
	s3 =	sadd.s32 s3, s5;
	[dreg:$0x0] =	wrdreg $0x0  }
0xa8: {  	s5 =	sshll.u32 s28, $0x1;
	[dreg:$0x2] =	wrdreg s3  }
0xa9: {  	[dreg:$0x3] =	wrdreg s5  }
0xaa: {  	[dreg:$0x4] =	wrdreg $0xC0  }
0xab: {  	_ =	task [dreg:s7], $0x5FFFF  }
0xac: {  	[dreg:$0x1] =	wrdreg $0xFFFFFFFF  }
0xad: {  	[dreg:$0x0] =	wrdreg $0x60  }
0xae: {  	[dreg:$0x2] =	wrdreg s2  }
0xaf: {  	[dreg:$0x3] =	wrdreg s24  }
0xb0: {  	[dreg:$0x4] =	wrdreg $0x0  }
0xb1: {  	[dreg:$0x5] =	wrdreg $0x9  }
0xb2: {  	_ =	task.clear_ibuf [dreg:s7], $0x6FFFF;
	_ =	strace $0x90000046  }
0xb3: {  	s29 =	simm.s32 $0x9;
	_ =	strace $0x80000048  }
0xb4: {  	_ =	swait.ge [sflag:s29], $0x1  }
0xb5: {  	[sflag:s29] =	ssyncadd.s32 $0xFFFFFFFF  }
0xb6: {  	_ =	strace $0x90000048  }
0xb7: {  	_ =	sfence  }
0xb8: {  	s30 =	sld [smem:$0x0];
	_ =	sdelay $0x2  }
0xb9: {  	s31 =	sshll.u32 s1, $0xD;
	s1 =	sshrl.u32 s1, $0x2  }
0xba: {  	s3 =	sand.u32 $0x4000, s31;
	s1 =	sadd.s32 s1, s30  }
0xbb: {  	s0 =	sor.u32 s3, s0;
	s1 =	sshll.u32 s1, $0x11  }
0xbc: {  	s0 =	sor.u32 s1, s0  }
0xbd: {  	s0 =	sadd.s32 $0x8F2B, s0  }
0xbe: {  	[sflag:s0] =	ssyncadd.remote.s32 $0x1  }
0xbf: {  	_ =	sfence.sel $0xFFFF  }
0xc0: {  	[dreg:$0x0] =	wrdreg $0xFFFFFFFF;
	(pc) =	sbr.abs _section_cstart, $3  }
0xc1: {  	[dreg:$0x1] =	wrdreg $0xFFFFFFFF  }
0xc2: {  	_ =	task.clear_ibuf [dreg:s7], $0x2FFFF;
	_ =	strace $0x9FFFFFFF  }
0xc3: {  	(tm) =	ssettm $0x7FFFFFFF  }
tec
execute0_lowered:
.L_overlay_start_1:
0x0: {  	(tag) =	ssettag $0x1  }
0x1: {  	s11 =	rddreg [dreg:$0x0]  }
0x2: {  	s6 =	rddreg [dreg:$0x1]  }
0x3: {  	s1 =	rddreg [dreg:$0x2]  }
0x4: {  	s0 =	rddreg [dreg:$0x3];
	s3 =	simm.s32 $0x0  }
0x5: {  	s4 =	srdreg.scid;
	s2 =	stileid.u32;
	s22 =	simm.s32 $0x80  }
0x6: {  	s23 =	simm.s32 $0x0;
	[smem:$0x7FF] =	sst s3;
	s7 =	smul.u32 $0x50000, s2  }
0x7: {  	s9 =	sand.u32 $0x1, s4;
	s4 =	sadd.s32 $0x3000, s6;
	s12 =	smul.u32 $0x14000, s2  }
0x8: {  	s5 =	sadd.s32 $0x2800, s6;
	s16 =	sadd.s32 $0x3800, s6;
	s18 =	smul.u32 $0x2800, s2  }
0x9: {  	_ =	strace $0x80000047;
	s8 =	ssub.s32 $0x2, s9;
	s15 =	smul.u32 $0x28000, s9  }
0xa: {  	s21 =	smul.u32 $0x140000, s9;
	s10 =	sshrl.u32 s8, $0x1;
	s7 =	sshrl.u32 s7, $0x2  }
0xb: {  	s13 =	sadd.s32 $0x4000, s12;
	s14 =	sadd.s32 $0x8000, s12;
	s19 =	sadd.s32 $0xC000, s12  }
0xc: {  	s20 =	sadd.s32 $0x10000, s12;
	s17 =	ssub.s32 s8, s10;
	s6 =	sadd.s32 s7, s1  }
0xd: {  	s7 =	sadd.s32 s13, s1;
	s8 =	sadd.s32 s14, s1;
	s9 =	sadd.s32 s19, s1  }
0xe: {  	s10 =	sadd.s32 s20, s1;
	s15 =	sadd.s32 s18, s15;
	s12 =	sadd.s32 s12, s21  }
0xf: {  	s13 =	sadd.s32 s21, s13;
	s14 =	sadd.s32 s21, s14;
	s30 =	sadd.s32 s21, s19  }
0x10: {  	s31 =	sadd.s32 s21, s20;
	s19 =	simm.s32 $0x1;
	s20 =	simm.s32 $0x16800  }
0x11: {  	s21 =	simm.s32 $0x14000;
	s15 =	sshrl.u32 s15, $0x3;
	s12 =	sshrl.u32 s12, $0x3  }
0x12: {  	s13 =	sshrl.u32 s13, $0x3;
	s14 =	sshrl.u32 s14, $0x3;
	s18 =	sshrl.u32 s31, $0x3  }
0x13: {  	s17 =	smax.u32 s17, $0x1;
	s11 =	sadd.s32 s11, s15;
	s12 =	sadd.s32 s16, s12  }
0x14: {  	s13 =	sadd.s32 s16, s13;
	s14 =	sadd.s32 s16, s14;
	s15 =	sshrl.u32 s30, $0x3  }
0x15: {  	s15 =	sadd.s32 s16, s15;
	s16 =	sadd.s32 s16, s18;
	s18 =	simm.s32 $0x1A800  }
.LBB2_1:
0x16: {  	[tilespmem:s18], [sflag:$0x1] =	stream.linear.gather [hbm4b:s5+s3], $0x4000, $0x38;
	[tilespmem:$0x1E800] =	vst v63  }
0x17: {  	_ =	swait.ge [sflag:s19], $0x4000  }
0x18: {  	[sflag:s19] =	ssyncset.done $0x0  }
0x19: {  	[sflag:s19] =	ssyncadd.s32 $0xFFFFC000  }
0x1a: {  	[spmem:s6] =	stream.linear.scatter [tilespmem:s18], [sflag:$0x1], $0x4000, $0x38;
	[tilespmem:$0x1E800] =	vst v63  }
0x1b: {  	_ =	swait.ge [sflag:s19], $0x4000  }
0x1c: {  	[sflag:s19] =	ssyncset.done $0x0  }
0x1d: {  	[sflag:s19] =	ssyncadd.s32 $0xFFFFC000  }
0x1e: {  	[spmem:s7] =	stream.linear.scatter [tilespmem:s18], [sflag:$0x1], $0x4000, $0x38;
	[tilespmem:$0x1E800] =	vst v63  }
0x1f: {  	_ =	swait.ge [sflag:s19], $0x4000  }
0x20: {  	[sflag:s19] =	ssyncset.done $0x0  }
0x21: {  	[sflag:s19] =	ssyncadd.s32 $0xFFFFC000  }
0x22: {  	[spmem:s8] =	stream.linear.scatter [tilespmem:s18], [sflag:$0x1], $0x4000, $0x38;
	[tilespmem:$0x1E800] =	vst v63  }
0x23: {  	_ =	swait.ge [sflag:s19], $0x4000  }
0x24: {  	[sflag:s19] =	ssyncset.done $0x0  }
0x25: {  	[sflag:s19] =	ssyncadd.s32 $0xFFFFC000  }
0x26: {  	[spmem:s9] =	stream.linear.scatter [tilespmem:s18], [sflag:$0x1], $0x4000, $0x38;
	[tilespmem:$0x1E800] =	vst v63  }
0x27: {  	_ =	swait.ge [sflag:s19], $0x4000  }
0x28: {  	[sflag:s19] =	ssyncset.done $0x0  }
0x29: {  	[sflag:s19] =	ssyncadd.s32 $0xFFFFC000  }
0x2a: {  	[spmem:s10] =	stream.linear.scatter [tilespmem:s18], [sflag:$0x1], $0x4000, $0x38;
	[tilespmem:$0x1E800] =	vst v63  }
0x2b: {  	_ =	swait.ge [sflag:s19], $0x4000  }
0x2c: {  	[sflag:s19] =	ssyncset.done $0x0  }
0x2d: {  	[sflag:s19] =	ssyncadd.s32 $0xFFFFC000  }
0x2e: {  	[bflag:$0x0] =	sbarrier.arrive $0xFFFF  }
0x2f: {  	[tilespmem:s20], [sflag:$0x1] =	stream.linear.gather [hbm4b:s4+s3], $0x4000, $0x38;
	[tilespmem:$0x1E800] =	vst v63  }
0x30: {  	_ =	swait.ge [sflag:s19], $0x4000  }
0x31: {  	[sflag:s19] =	ssyncset.done $0x0  }
0x32: {  	[sflag:s19] =	ssyncadd.s32 $0xFFFFC000  }
0x33: {  	[tilespmem:s21], [sflag:$0x1] =	stream.linear.gather [hbm4b:s11+s3], $0x2800, $0x38;
	[tilespmem:$0x1E800] =	vst v63  }
0x34: {  	_ =	swait.ge [sflag:s19], $0x2800  }
0x35: {  	[sflag:s19] =	ssyncset.done $0x0  }
0x36: {  	s24 =	simm.s32 $0x14000;
	[sflag:s19] =	ssyncadd.s32 $0xFFFFD800  }
0x37: {  	[spmem:s1] =	stream.indirect.scatter.add.f32 [tilespmem:s20], [sflag:$0x1], $0x80, s24, s22, $0xb8;
	[tilespmem:$0x1E800] =	vst v63  }
0x38: {  	s24 =	simm.s32 $0x200;
	_ =	swait.ge [sflag:s19], $0x4000  }
.LBB2_2:
0x39: {  	s25 =	sshra.s32 s24, $0x2;
	[sflag:s19] =	ssyncset.done $0x0;
	p0 =	sne.s32 s24, $0x9E00  }
.Ltmp0:
0x3a: {  	s25 =	sadd.s32 $0x14000, s25;
	[sflag:s19] =	ssyncadd.s32 $0xFFFFC000;
	(pc) =	sbr.rel @p0 .LBB2_2-.Ltmp0, $3  }
0x3b: {  	[spmem:s1] =	stream.indirect.scatter.add.f32 [tilespmem:s20], [sflag:$0x1], $0x80, s25, s22, $0xb8;
	[tilespmem:$0x1E800] =	vst v63  }
0x3c: {  	s24 =	sadd.s32 $0x200, s24;
	_ =	sdelay $0x1  }
0x3d: {  	_ =	swait.ge [sflag:s19], $0x4000  }
0x3e: {  	[sflag:s19] =	ssyncset.done $0x0  }
0x3f: {  	s24 =	sshll.u32 s2, $0x6;
	[sflag:s19] =	ssyncadd.s32 $0xFFFFC000  }
0x40: {  	s25 =	sshrl.u32 s6, $0x3;
	s24 =	sor.u32 $0x1C01, s24;
	[bflag:$0x0] =	sbarrier.arrive $0xFFFF  }
0x41: {  	[hbm:s12], [sflag:s24] =	dma.local [spmem:s25], $0x800  }
0x42: {  	_ =	swait.ge [sflag:s19], $0x800  }
0x43: {  	[sflag:s19] =	ssyncset.done $0x0  }
0x44: {  	s28 =	sshrl.u32 s7, $0x3;
	[sflag:s19] =	ssyncadd.s32 $0xFFFFF800  }
0x45: {  	[hbm:s13], [sflag:s24] =	dma.local [spmem:s28], $0x800  }
0x46: {  	_ =	swait.ge [sflag:s19], $0x800  }
0x47: {  	[sflag:s19] =	ssyncset.done $0x0  }
0x48: {  	s29 =	sshrl.u32 s8, $0x3;
	[sflag:s19] =	ssyncadd.s32 $0xFFFFF800  }
0x49: {  	[hbm:s14], [sflag:s24] =	dma.local [spmem:s29], $0x800  }
0x4a: {  	_ =	swait.ge [sflag:s19], $0x800  }
0x4b: {  	[sflag:s19] =	ssyncset.done $0x0  }
0x4c: {  	s30 =	sshrl.u32 s9, $0x3;
	[sflag:s19] =	ssyncadd.s32 $0xFFFFF800  }
0x4d: {  	[hbm:s15], [sflag:s24] =	dma.local [spmem:s30], $0x800  }
0x4e: {  	s23 =	sadd.s32 $0x1, s23;
	_ =	swait.ge [sflag:s19], $0x800  }
0x4f: {  	p0 =	sne.s32 s23, s17;
	[sflag:s19] =	ssyncset.done $0x0  }
.Ltmp1:
0x50: {  	s31 =	sshrl.u32 s10, $0x3;
	[sflag:s19] =	ssyncadd.s32 $0xFFFFF800;
	(pc) =	sbr.rel @p0 .LBB2_1-.Ltmp1, $4  }
0x51: {  	[hbm:s16], [sflag:s24] =	dma.local [spmem:s31], $0x800  }
0x52: {  	_ =	swait.ge [sflag:s19], $0x800  }
0x53: {  	[sflag:s19] =	ssyncset.done $0x0  }
0x54: {  	[sflag:s19] =	ssyncadd.s32 $0xFFFFF800  }
0x55: {  	_ =	sfence.sel $0x180000  }
0x56: {  	[bflag:$0x0] =	sbarrier.arrive $0xFFFF  }
0x57: {  	p0 =	sne.s32 s2, $0x0;
	_ =	strace $0x90000047  }
0x58: {  	s0 =	sadd.s32 @!p0 $0x100000, s0;
	[bflag:$0x2] =	sbarrier.arrive $0xFFFF  }
0x59: {  	[sflag:s0] =	ssyncadd.tile.s32 @!p0 $0x1;
	_ =	shalt  }
.Lfunc_end2:
_tile_overlayer_lowered:
.L_overlay_start_2:
0x5a: {  	(tag) =	ssettag $0x2  }
0x5b: {  	s0 =	rddreg [dreg:$0x0];
	s2 =	stileid.u32  }
0x5c: {  	s1 =	rddreg [dreg:$0x1];
	p0 =	sne.s32 s2, $0x0  }
0x5d: {  	s3 =	rddreg [dreg:$0x2];
	[bflag:$0x3] =	sbarrier.arrive $0xFFFF;
	s2 =	simm.s32 @!p0 $0x1C01  }
0x5e: {  	[timem:s3], [sflag:s2] =	dma.local @!p0 [hbm:s0], s1  }
0x5f: {  	s0 =	simm.s32 @!p0 $0x1  }
0x60: {  	_ =	swait.ge @!p0 [sflag:s0], s1  }
0x61: {  	s1 =	ssub.s32 @!p0 $0x0, s1;
	[sflag:s0] =	ssyncset.done @!p0 $0x0  }
0x62: {  	[sflag:s0] =	ssyncadd.s32 @!p0 s1  }
0x63: {  	[bflag:$0x3] =	sbarrier.arrive $0xFFFF  }
0x64: {  	_ =	shalt  }

</sc_bundles>
